<compile_context>
chip_gen: v7x
topology: tpu7x:2x2x1
jax: 0.10.2.dev20260603
libtpu: 0.0.44.dev20260713+nightly
codegen_flags: <defaults>
</compile_context>

<pallas_src>
import functools

import jax
import jax.numpy as jnp
from jax import lax
from jax.experimental import pallas as pl
from jax.experimental.pallas import tpu as pltpu
from jax.experimental.pallas import tpu_sc as plsc

_NC = 2
_NS = 16
_NW = _NC * _NS
_CH = 80
_BLK = 8
_NBUF = 8
_LA = 4


def _gather_call(n_rows, v, d):
    n_per_w = n_rows // _NW
    n_chunks = n_per_w // _CH
    n_blocks = n_chunks // _BLK

    mesh = plsc.VectorSubcoreMesh(core_axis_name="c", subcore_axis_name="s")

    @functools.partial(
        pl.kernel,
        mesh=mesh,
        out_type=jax.ShapeDtypeStruct((n_rows, d), jnp.float32),
        scratch_types=[
            pltpu.VMEM((2, _BLK, _CH), jnp.int32),
            pltpu.VMEM((_NBUF, _CH, d), jnp.float32),
            pltpu.VMEM_SHARED((v, d), jnp.float32),
            pltpu.SemaphoreType.DMA,
            pltpu.SemaphoreType.DMA,
            pltpu.SemaphoreType.DMA,
        ],
    )
    def k(idx_hbm, table_hbm, out_hbm, idx_v, rows_v, table_spm,
          isem, gsem, wsem):
        wid = lax.axis_index("s") * _NC + lax.axis_index("c")
        chunk0 = wid * n_chunks

        @pl.when(lax.axis_index("s") == 0)
        def _stage_table():
            pltpu.sync_copy(table_hbm, table_spm)

        plsc.subcore_barrier()

        def idx_copy(blk, buf):
            return pltpu.async_copy(
                idx_hbm.at[pl.ds(chunk0 + blk * _BLK, _BLK)], idx_v.at[buf],
                isem)

        def wait_one_idx():
            pltpu.make_async_copy(
                idx_hbm.at[pl.ds(0, _BLK)], idx_v.at[0], isem).wait()

        def fire_gather(pb, j, b):
            pltpu.async_copy(
                table_spm.at[idx_v.at[pb].at[j]], rows_v.at[b], gsem)

        def wait_one_gather():
            pltpu.make_async_copy(
                out_hbm.at[pl.ds(0, _CH)], rows_v.at[0], gsem).wait()

        def fire_write(c_glb, b):
            pltpu.async_copy(
                rows_v.at[b], out_hbm.at[pl.ds(c_glb * _CH, _CH)], wsem)

        def wait_one_write():
            pltpu.make_async_copy(
                rows_v.at[0], out_hbm.at[pl.ds(0, _CH)], wsem).wait()

        def step(base, pb, j, first_block=False, last_block=False):
            wait_one_gather()
            fire_write(base + j, j)
            if not (first_block and j < _NBUF - _LA):
                wait_one_write()
            if j < _BLK - _LA:
                fire_gather(pb, j + _LA, (j + _LA) % _NBUF)
            elif not last_block:
                if j == _BLK - _LA:
                    wait_one_idx()
                fire_gather(1 - pb, j - (_BLK - _LA), (j + _LA) % _NBUF)
            elif j == _BLK - _LA:
                wait_one_idx()

        idx_copy(0, 0).wait()
        idx_copy(1, 1)
        for j in range(_LA):
            fire_gather(0, j, j)
        for j in range(_BLK):
            step(chunk0, 0, j, first_block=True)
        idx_copy(2, 0)

        def emit_block(blk, pb):
            base = chunk0 + blk * _BLK
            for j in range(_BLK):
                step(base, pb, j)
            idx_copy(jnp.minimum(blk + 2, n_blocks - 1), pb)

        def pair_body(q, carry):
            emit_block(1 + 2 * q, 1)
            emit_block(2 + 2 * q, 0)
            return carry

        lax.fori_loop(0, (n_blocks - 2) // 2, pair_body, 0)

        base = chunk0 + (n_blocks - 1) * _BLK
        for j in range(_BLK):
            step(base, (n_blocks - 1) % 2, j, last_block=True)
        for _ in range(_NBUF - _LA):
            wait_one_write()

    return k


def kernel(timesteps, table):
    b, s = timesteps.shape
    v, d = table.shape
    n = b * s
    idx2d = timesteps.reshape(n // _CH, _CH).astype(jnp.int32)
    out = _gather_call(n, v, d)(idx2d, table)
    return out.reshape(b, s, d)

# --- scband reference (transcript-rebuilt; emitter-appended) ---
"""Pipeline reference for scband-timestep-encoder-30185030156295 (READ-ONLY COPY).

The authoritative reference and input builder live on the scoring server;
editing this copy changes nothing except your own understanding.
"""

import jax, jax.numpy as jnp
import numpy as np

MAX_LEN_EPISODE = 1000
OUTPUT_SIZE = 128

def setup_inputs(seed: int = 0) -> dict:
    key = jax.random.key(seed)
    k_idx, k_tab = jax.random.split(key)
    timesteps = jax.random.randint(k_idx, (16384, 200), 0, MAX_LEN_EPISODE, dtype=jnp.int64 if jax.config.jax_enable_x64 else jnp.int32)
    table = jax.random.normal(k_tab, (MAX_LEN_EPISODE, OUTPUT_SIZE), dtype=jnp.float32)
    return {"timesteps": timesteps, "table": table}

def reference(timesteps, table):
    # nn.Embedding lookup: table[timesteps]
    return jnp.take(table, timesteps, axis=0)

if __name__ == "__main__":
    import jax
    _d = setup_inputs()
    print(jax.jit(kernel)(*tuple(_d.values())))

</pallas_src>

<mosaic_0001>
#map = affine_map<(d0, d1) -> (0, 0)>
module attributes {stable_mosaic.version = 14 : i64} {
  func.func @k(%arg0: i32, %arg1: i32, %arg2: memref<40960x80xi32, #tpu.memory_space<hbm>>, %arg3: memref<1000x128xf32, #tpu.memory_space<hbm>>, %arg4: memref<3276800x128xf32, #tpu.memory_space<hbm>>, %arg5: memref<2x8x80xi32, #tpu.memory_space<vmem>>, %arg6: memref<8x80x128xf32, #tpu.memory_space<vmem>>, %arg7: memref<1000x128xf32, #tpu.memory_space<vmem_shared>>, %arg8: memref<!tpu.dma_semaphore, #tpu.memory_space<semaphore_mem>>, %arg9: memref<!tpu.dma_semaphore, #tpu.memory_space<semaphore_mem>>, %arg10: memref<!tpu.dma_semaphore, #tpu.memory_space<semaphore_mem>>) attributes {dimension_semantics = [#tpu.dimension_semantics<core_parallel>, #tpu.dimension_semantics<subcore_parallel>], iteration_bounds = array<i64: 2, 16>, scalar_prefetch = 0 : i64, scratch_operands = 6 : i64, tpu.core_type = #tpu.core_type<sc_vector_subcore>, window_params = [{transform_indices = #map}, {transform_indices = #map}, {transform_indices = #map}]} {
    %mul3A = arith.constant 2 : i32
    %mul3A_0 = arith.muli %arg1, %mul3A : i32
    %add3A = arith.addi %mul3A_0, %arg0 : i32
    %mul3A_1 = arith.constant 1280 : i32
    %mul3A_2 = arith.muli %add3A, %mul3A_1 : i32
    %eq3A = arith.constant 0 : i32
    %eq3A_3 = arith.cmpi eq, %arg1, %eq3A : i32
    %convert_element_type3A = arith.extui %eq3A_3 : i1 to i32
    %cond3A = arith.constant 0 : i32
    %cond3A_4 = arith.cmpi ne, %convert_element_type3A, %cond3A : i32
    scf.if %cond3A_4 {
      "tpu.region"() ({
        %run_scoped3A = tpu.sem_alloc : memref<!tpu.dma_semaphore, #tpu.memory_space<semaphore_mem>>
        tpu.enqueue_dma source(%arg3 : memref<1000x128xf32, #tpu.memory_space<hbm>>) target(%arg7 : memref<1000x128xf32, #tpu.memory_space<vmem_shared>>) target_semaphore(%run_scoped3A : memref<!tpu.dma_semaphore, #tpu.memory_space<semaphore_mem>>)
        tpu.wait_dma2 semaphore(%run_scoped3A : memref<!tpu.dma_semaphore, #tpu.memory_space<semaphore_mem>>) src(%arg3 : memref<1000x128xf32, #tpu.memory_space<hbm>>) dst(%arg7 : memref<1000x128xf32, #tpu.memory_space<vmem_shared>>)
        tpu.yield
      }) : () -> ()
    } else {
    }
    %barrier3A = arith.constant 0 : index
    tpu.barrier barrier_id(%barrier3A)
    %add3A_5 = arith.constant 0 : i32
    %add3A_6 = arith.addi %mul3A_2, %add3A_5 : i32
    %dma_start3A = arith.constant 0 : i32
    %dma_start3A_7 = arith.constant 0 : i32
    %dma_start3A_8 = arith.constant 0 : i32
    %dma_start3A_9 = tpu.memref_slice %arg5[%dma_start3A, %dma_start3A_7, %dma_start3A_8] : memref<2x8x80xi32, #tpu.memory_space<vmem>> -> memref<1x8x80xi32, #tpu.memory_space<vmem>>
    %dma_start3A_10 = tpu.memref_squeeze %dma_start3A_9 : memref<1x8x80xi32, #tpu.memory_space<vmem>> -> memref<8x80xi32, #tpu.memory_space<vmem>>
    %dma_start3A_11 = arith.constant 0 : i32
    %dma_start3A_12 = tpu.memref_slice %arg2[%add3A_6, %dma_start3A_11] : memref<40960x80xi32, #tpu.memory_space<hbm>> -> memref<8x80xi32, #tpu.memory_space<hbm>>
    %dma_start3A_13 = arith.constant 0 : i32
    %dma_start3A_14 = arith.constant 0 : i32
    %dma_start3A_15 = tpu.memref_slice %arg5[%dma_start3A, %dma_start3A_13, %dma_start3A_14] : memref<2x8x80xi32, #tpu.memory_space<vmem>> -> memref<1x8x80xi32, #tpu.memory_space<vmem>>
    %dma_start3A_16 = tpu.memref_squeeze %dma_start3A_15 : memref<1x8x80xi32, #tpu.memory_space<vmem>> -> memref<8x80xi32, #tpu.memory_space<vmem>>
    %dma_start3A_17 = arith.constant 0 : i32
    %dma_start3A_18 = tpu.memref_slice %arg2[%add3A_6, %dma_start3A_17] : memref<40960x80xi32, #tpu.memory_space<hbm>> -> memref<8x80xi32, #tpu.memory_space<hbm>>
    tpu.enqueue_dma source(%dma_start3A_18 : memref<8x80xi32, #tpu.memory_space<hbm>>) target(%dma_start3A_16 : memref<8x80xi32, #tpu.memory_space<vmem>>) target_semaphore(%arg8 : memref<!tpu.dma_semaphore, #tpu.memory_space<semaphore_mem>>)
    %dma_wait3A = arith.constant 0 : i32
    %dma_wait3A_19 = arith.constant 0 : i32
    %dma_wait3A_20 = arith.constant 0 : i32
    %dma_wait3A_21 = tpu.memref_slice %arg5[%dma_wait3A, %dma_wait3A_19, %dma_wait3A_20] : memref<2x8x80xi32, #tpu.memory_space<vmem>> -> memref<1x8x80xi32, #tpu.memory_space<vmem>>
    %dma_wait3A_22 = tpu.memref_squeeze %dma_wait3A_21 : memref<1x8x80xi32, #tpu.memory_space<vmem>> -> memref<8x80xi32, #tpu.memory_space<vmem>>
    %dma_wait3A_23 = arith.constant 0 : i32
    %dma_wait3A_24 = tpu.memref_slice %arg2[%add3A_6, %dma_wait3A_23] : memref<40960x80xi32, #tpu.memory_space<hbm>> -> memref<8x80xi32, #tpu.memory_space<hbm>>
    %dma_wait3A_25 = arith.constant 0 : i32
    %dma_wait3A_26 = arith.constant 0 : i32
    %dma_wait3A_27 = tpu.memref_slice %arg5[%dma_wait3A, %dma_wait3A_25, %dma_wait3A_26] : memref<2x8x80xi32, #tpu.memory_space<vmem>> -> memref<1x8x80xi32, #tpu.memory_space<vmem>>
    %dma_wait3A_28 = tpu.memref_squeeze %dma_wait3A_27 : memref<1x8x80xi32, #tpu.memory_space<vmem>> -> memref<8x80xi32, #tpu.memory_space<vmem>>
    %dma_wait3A_29 = arith.constant 0 : i32
    %dma_wait3A_30 = tpu.memref_slice %arg2[%add3A_6, %dma_wait3A_29] : memref<40960x80xi32, #tpu.memory_space<hbm>> -> memref<8x80xi32, #tpu.memory_space<hbm>>
    tpu.wait_dma2 semaphore(%arg8 : memref<!tpu.dma_semaphore, #tpu.memory_space<semaphore_mem>>) src(%dma_wait3A_30 : memref<8x80xi32, #tpu.memory_space<hbm>>) dst(%dma_wait3A_28 : memref<8x80xi32, #tpu.memory_space<vmem>>)
    %add3A_31 = arith.constant 8 : i32
    %add3A_32 = arith.addi %mul3A_2, %add3A_31 : i32
    %dma_start3A_33 = arith.constant 1 : i32
    %dma_start3A_34 = arith.constant 0 : i32
    %dma_start3A_35 = arith.constant 0 : i32
    %dma_start3A_36 = tpu.memref_slice %arg5[%dma_start3A_33, %dma_start3A_34, %dma_start3A_35] : memref<2x8x80xi32, #tpu.memory_space<vmem>> -> memref<1x8x80xi32, #tpu.memory_space<vmem>>
    %dma_start3A_37 = tpu.memref_squeeze %dma_start3A_36 : memref<1x8x80xi32, #tpu.memory_space<vmem>> -> memref<8x80xi32, #tpu.memory_space<vmem>>
    %dma_start3A_38 = arith.constant 0 : i32
    %dma_start3A_39 = tpu.memref_slice %arg2[%add3A_32, %dma_start3A_38] : memref<40960x80xi32, #tpu.memory_space<hbm>> -> memref<8x80xi32, #tpu.memory_space<hbm>>
    %dma_start3A_40 = arith.constant 0 : i32
    %dma_start3A_41 = arith.constant 0 : i32
    %dma_start3A_42 = tpu.memref_slice %arg5[%dma_start3A_33, %dma_start3A_40, %dma_start3A_41] : memref<2x8x80xi32, #tpu.memory_space<vmem>> -> memref<1x8x80xi32, #tpu.memory_space<vmem>>
    %dma_start3A_43 = tpu.memref_squeeze %dma_start3A_42 : memref<1x8x80xi32, #tpu.memory_space<vmem>> -> memref<8x80xi32, #tpu.memory_space<vmem>>
    %dma_start3A_44 = arith.constant 0 : i32
    %dma_start3A_45 = tpu.memref_slice %arg2[%add3A_32, %dma_start3A_44] : memref<40960x80xi32, #tpu.memory_space<hbm>> -> memref<8x80xi32, #tpu.memory_space<hbm>>
    tpu.enqueue_dma source(%dma_start3A_45 : memref<8x80xi32, #tpu.memory_space<hbm>>) target(%dma_start3A_43 : memref<8x80xi32, #tpu.memory_space<vmem>>) target_semaphore(%arg8 : memref<!tpu.dma_semaphore, #tpu.memory_space<semaphore_mem>>)
    %dma_start3A_46 = arith.constant 0 : i32
    %dma_start3A_47 = arith.constant 0 : i32
    %dma_start3A_48 = arith.constant 0 : i32
    %dma_start3A_49 = arith.constant 0 : i32
    %dma_start3A_50 = arith.constant 0 : i32
    %dma_start3A_51 = tpu.memref_slice %arg6[%dma_start3A_48, %dma_start3A_49, %dma_start3A_50] : memref<8x80x128xf32, #tpu.memory_space<vmem>> -> memref<1x80x128xf32, #tpu.memory_space<vmem>>
    %dma_start3A_52 = tpu.memref_squeeze %dma_start3A_51 : memref<1x80x128xf32, #tpu.memory_space<vmem>> -> memref<80x128xf32, #tpu.memory_space<vmem>>
    %dma_start3A_53 = arith.constant 0 : i32
    %dma_start3A_54 = arith.constant 0 : i32
    %dma_start3A_55 = tpu.memref_slice %arg5[%dma_start3A_46, %dma_start3A_53, %dma_start3A_54] : memref<2x8x80xi32, #tpu.memory_space<vmem>> -> memref<1x8x80xi32, #tpu.memory_space<vmem>>
    %dma_start3A_56 = tpu.memref_squeeze %dma_start3A_55 : memref<1x8x80xi32, #tpu.memory_space<vmem>> -> memref<8x80xi32, #tpu.memory_space<vmem>>
    %dma_start3A_57 = arith.constant 0 : i32
    %dma_start3A_58 = tpu.memref_slice %dma_start3A_56[%dma_start3A_47, %dma_start3A_57] : memref<8x80xi32, #tpu.memory_space<vmem>> -> memref<1x80xi32, #tpu.memory_space<vmem>>
    %dma_start3A_59 = tpu.memref_squeeze %dma_start3A_58 : memref<1x80xi32, #tpu.memory_space<vmem>> -> memref<80xi32, #tpu.memory_space<vmem>>
    %dma_start3A_60 = arith.constant 0 : i32
    %dma_start3A_61 = arith.constant 0 : i32
    %dma_start3A_62 = tpu.memref_slice %arg7[%dma_start3A_60, %dma_start3A_61] : memref<1000x128xf32, #tpu.memory_space<vmem_shared>> -> memref<1000x128xf32, #tpu.memory_space<vmem_shared>>
    tpu.enqueue_indirect_dma source(%dma_start3A_62 : memref<1000x128xf32, #tpu.memory_space<vmem_shared>>) target(%dma_start3A_52 : memref<80x128xf32, #tpu.memory_space<vmem>>) offsets(%dma_start3A_59 : memref<80xi32, #tpu.memory_space<vmem>>) semaphore(%arg9 : memref<!tpu.dma_semaphore, #tpu.memory_space<semaphore_mem>>)
    %dma_start3A_63 = arith.constant 0 : i32
    %dma_start3A_64 = arith.constant 1 : i32
    %dma_start3A_65 = arith.constant 1 : i32
    %dma_start3A_66 = arith.constant 0 : i32
    %dma_start3A_67 = arith.constant 0 : i32
    %dma_start3A_68 = tpu.memref_slice %arg6[%dma_start3A_65, %dma_start3A_66, %dma_start3A_67] : memref<8x80x128xf32, #tpu.memory_space<vmem>> -> memref<1x80x128xf32, #tpu.memory_space<vmem>>
    %dma_start3A_69 = tpu.memref_squeeze %dma_start3A_68 : memref<1x80x128xf32, #tpu.memory_space<vmem>> -> memref<80x128xf32, #tpu.memory_space<vmem>>
    %dma_start3A_70 = arith.constant 0 : i32
    %dma_start3A_71 = arith.constant 0 : i32
    %dma_start3A_72 = tpu.memref_slice %arg5[%dma_start3A_63, %dma_start3A_70, %dma_start3A_71] : memref<2x8x80xi32, #tpu.memory_space<vmem>> -> memref<1x8x80xi32, #tpu.memory_space<vmem>>
    %dma_start3A_73 = tpu.memref_squeeze %dma_start3A_72 : memref<1x8x80xi32, #tpu.memory_space<vmem>> -> memref<8x80xi32, #tpu.memory_space<vmem>>
    %dma_start3A_74 = arith.constant 0 : i32
    %dma_start3A_75 = tpu.memref_slice %dma_start3A_73[%dma_start3A_64, %dma_start3A_74] : memref<8x80xi32, #tpu.memory_space<vmem>> -> memref<1x80xi32, #tpu.memory_space<vmem>>
    %dma_start3A_76 = tpu.memref_squeeze %dma_start3A_75 : memref<1x80xi32, #tpu.memory_space<vmem>> -> memref<80xi32, #tpu.memory_space<vmem>>
    %dma_start3A_77 = arith.constant 0 : i32
    %dma_start3A_78 = arith.constant 0 : i32
    %dma_start3A_79 = tpu.memref_slice %arg7[%dma_start3A_77, %dma_start3A_78] : memref<1000x128xf32, #tpu.memory_space<vmem_shared>> -> memref<1000x128xf32, #tpu.memory_space<vmem_shared>>
    tpu.enqueue_indirect_dma source(%dma_start3A_79 : memref<1000x128xf32, #tpu.memory_space<vmem_shared>>) target(%dma_start3A_69 : memref<80x128xf32, #tpu.memory_space<vmem>>) offsets(%dma_start3A_76 : memref<80xi32, #tpu.memory_space<vmem>>) semaphore(%arg9 : memref<!tpu.dma_semaphore, #tpu.memory_space<semaphore_mem>>)
    %dma_start3A_80 = arith.constant 0 : i32
    %dma_start3A_81 = arith.constant 2 : i32
    %dma_start3A_82 = arith.constant 2 : i32
    %dma_start3A_83 = arith.constant 0 : i32
    %dma_start3A_84 = arith.constant 0 : i32
    %dma_start3A_85 = tpu.memref_slice %arg6[%dma_start3A_82, %dma_start3A_83, %dma_start3A_84] : memref<8x80x128xf32, #tpu.memory_space<vmem>> -> memref<1x80x128xf32, #tpu.memory_space<vmem>>
    %dma_start3A_86 = tpu.memref_squeeze %dma_start3A_85 : memref<1x80x128xf32, #tpu.memory_space<vmem>> -> memref<80x128xf32, #tpu.memory_space<vmem>>
    %dma_start3A_87 = arith.constant 0 : i32
    %dma_start3A_88 = arith.constant 0 : i32
    %dma_start3A_89 = tpu.memref_slice %arg5[%dma_start3A_80, %dma_start3A_87, %dma_start3A_88] : memref<2x8x80xi32, #tpu.memory_space<vmem>> -> memref<1x8x80xi32, #tpu.memory_space<vmem>>
    %dma_start3A_90 = tpu.memref_squeeze %dma_start3A_89 : memref<1x8x80xi32, #tpu.memory_space<vmem>> -> memref<8x80xi32, #tpu.memory_space<vmem>>
    %dma_start3A_91 = arith.constant 0 : i32
    %dma_start3A_92 = tpu.memref_slice %dma_start3A_90[%dma_start3A_81, %dma_start3A_91] : memref<8x80xi32, #tpu.memory_space<vmem>> -> memref<1x80xi32, #tpu.memory_space<vmem>>
    %dma_start3A_93 = tpu.memref_squeeze %dma_start3A_92 : memref<1x80xi32, #tpu.memory_space<vmem>> -> memref<80xi32, #tpu.memory_space<vmem>>
    %dma_start3A_94 = arith.constant 0 : i32
    %dma_start3A_95 = arith.constant 0 : i32
    %dma_start3A_96 = tpu.memref_slice %arg7[%dma_start3A_94, %dma_start3A_95] : memref<1000x128xf32, #tpu.memory_space<vmem_shared>> -> memref<1000x128xf32, #tpu.memory_space<vmem_shared>>
    tpu.enqueue_indirect_dma source(%dma_start3A_96 : memref<1000x128xf32, #tpu.memory_space<vmem_shared>>) target(%dma_start3A_86 : memref<80x128xf32, #tpu.memory_space<vmem>>) offsets(%dma_start3A_93 : memref<80xi32, #tpu.memory_space<vmem>>) semaphore(%arg9 : memref<!tpu.dma_semaphore, #tpu.memory_space<semaphore_mem>>)
    %dma_start3A_97 = arith.constant 0 : i32
    %dma_start3A_98 = arith.constant 3 : i32
    %dma_start3A_99 = arith.constant 3 : i32
    %dma_start3A_100 = arith.constant 0 : i32
    %dma_start3A_101 = arith.constant 0 : i32
    %dma_start3A_102 = tpu.memref_slice %arg6[%dma_start3A_99, %dma_start3A_100, %dma_start3A_101] : memref<8x80x128xf32, #tpu.memory_space<vmem>> -> memref<1x80x128xf32, #tpu.memory_space<vmem>>
    %dma_start3A_103 = tpu.memref_squeeze %dma_start3A_102 : memref<1x80x128xf32, #tpu.memory_space<vmem>> -> memref<80x128xf32, #tpu.memory_space<vmem>>
    %dma_start3A_104 = arith.constant 0 : i32
    %dma_start3A_105 = arith.constant 0 : i32
    %dma_start3A_106 = tpu.memref_slice %arg5[%dma_start3A_97, %dma_start3A_104, %dma_start3A_105] : memref<2x8x80xi32, #tpu.memory_space<vmem>> -> memref<1x8x80xi32, #tpu.memory_space<vmem>>
    %dma_start3A_107 = tpu.memref_squeeze %dma_start3A_106 : memref<1x8x80xi32, #tpu.memory_space<vmem>> -> memref<8x80xi32, #tpu.memory_space<vmem>>
    %dma_start3A_108 = arith.constant 0 : i32
    %dma_start3A_109 = tpu.memref_slice %dma_start3A_107[%dma_start3A_98, %dma_start3A_108] : memref<8x80xi32, #tpu.memory_space<vmem>> -> memref<1x80xi32, #tpu.memory_space<vmem>>
    %dma_start3A_110 = tpu.memref_squeeze %dma_start3A_109 : memref<1x80xi32, #tpu.memory_space<vmem>> -> memref<80xi32, #tpu.memory_space<vmem>>
    %dma_start3A_111 = arith.constant 0 : i32
    %dma_start3A_112 = arith.constant 0 : i32
    %dma_start3A_113 = tpu.memref_slice %arg7[%dma_start3A_111, %dma_start3A_112] : memref<1000x128xf32, #tpu.memory_space<vmem_shared>> -> memref<1000x128xf32, #tpu.memory_space<vmem_shared>>
    tpu.enqueue_indirect_dma source(%dma_start3A_113 : memref<1000x128xf32, #tpu.memory_space<vmem_shared>>) target(%dma_start3A_103 : memref<80x128xf32, #tpu.memory_space<vmem>>) offsets(%dma_start3A_110 : memref<80xi32, #tpu.memory_space<vmem>>) semaphore(%arg9 : memref<!tpu.dma_semaphore, #tpu.memory_space<semaphore_mem>>)
    %dma_wait3A_114 = arith.constant 0 : i32
    %dma_wait3A_115 = arith.constant 0 : i32
    %dma_wait3A_116 = arith.constant 0 : i32
    %dma_wait3A_117 = tpu.memref_slice %arg6[%dma_wait3A_114, %dma_wait3A_115, %dma_wait3A_116] : memref<8x80x128xf32, #tpu.memory_space<vmem>> -> memref<1x80x128xf32, #tpu.memory_space<vmem>>
    %dma_wait3A_118 = tpu.memref_squeeze %dma_wait3A_117 : memref<1x80x128xf32, #tpu.memory_space<vmem>> -> memref<80x128xf32, #tpu.memory_space<vmem>>
    %dma_wait3A_119 = arith.constant 0 : i32
    %dma_wait3A_120 = arith.constant 0 : i32
    %dma_wait3A_121 = tpu.memref_slice %arg4[%dma_wait3A_119, %dma_wait3A_120] : memref<3276800x128xf32, #tpu.memory_space<hbm>> -> memref<80x128xf32, #tpu.memory_space<hbm>>
    %dma_wait3A_122 = arith.constant 0 : i32
    %dma_wait3A_123 = arith.constant 0 : i32
    %dma_wait3A_124 = tpu.memref_slice %arg6[%dma_wait3A_114, %dma_wait3A_122, %dma_wait3A_123] : memref<8x80x128xf32, #tpu.memory_space<vmem>> -> memref<1x80x128xf32, #tpu.memory_space<vmem>>
    %dma_wait3A_125 = tpu.memref_squeeze %dma_wait3A_124 : memref<1x80x128xf32, #tpu.memory_space<vmem>> -> memref<80x128xf32, #tpu.memory_space<vmem>>
    %dma_wait3A_126 = arith.constant 0 : i32
    %dma_wait3A_127 = arith.constant 0 : i32
    %dma_wait3A_128 = tpu.memref_slice %arg4[%dma_wait3A_126, %dma_wait3A_127] : memref<3276800x128xf32, #tpu.memory_space<hbm>> -> memref<80x128xf32, #tpu.memory_space<hbm>>
    tpu.wait_dma2 semaphore(%arg9 : memref<!tpu.dma_semaphore, #tpu.memory_space<semaphore_mem>>) src(%dma_wait3A_128 : memref<80x128xf32, #tpu.memory_space<hbm>>) dst(%dma_wait3A_125 : memref<80x128xf32, #tpu.memory_space<vmem>>)
    %add3A_129 = arith.constant 0 : i32
    %add3A_130 = arith.addi %mul3A_2, %add3A_129 : i32
    %mul3A_131 = arith.constant 80 : i32
    %mul3A_132 = arith.muli %add3A_130, %mul3A_131 : i32
    %dma_start3A_133 = arith.constant 0 : i32
    %dma_start3A_134 = arith.constant 0 : i32
    %dma_start3A_135 = arith.constant 0 : i32
    %dma_start3A_136 = tpu.memref_slice %arg6[%dma_start3A_133, %dma_start3A_134, %dma_start3A_135] : memref<8x80x128xf32, #tpu.memory_space<vmem>> -> memref<1x80x128xf32, #tpu.memory_space<vmem>>
    %dma_start3A_137 = tpu.memref_squeeze %dma_start3A_136 : memref<1x80x128xf32, #tpu.memory_space<vmem>> -> memref<80x128xf32, #tpu.memory_space<vmem>>
    %dma_start3A_138 = arith.constant 0 : i32
    %dma_start3A_139 = tpu.memref_slice %arg4[%mul3A_132, %dma_start3A_138] : memref<3276800x128xf32, #tpu.memory_space<hbm>> -> memref<80x128xf32, #tpu.memory_space<hbm>>
    %dma_start3A_140 = arith.constant 0 : i32
    %dma_start3A_141 = tpu.memref_slice %arg4[%mul3A_132, %dma_start3A_140] : memref<3276800x128xf32, #tpu.memory_space<hbm>> -> memref<80x128xf32, #tpu.memory_space<hbm>>
    %dma_start3A_142 = arith.constant 0 : i32
    %dma_start3A_143 = arith.constant 0 : i32
    %dma_start3A_144 = tpu.memref_slice %arg6[%dma_start3A_133, %dma_start3A_142, %dma_start3A_143] : memref<8x80x128xf32, #tpu.memory_space<vmem>> -> memref<1x80x128xf32, #tpu.memory_space<vmem>>
    %dma_start3A_145 = tpu.memref_squeeze %dma_start3A_144 : memref<1x80x128xf32, #tpu.memory_space<vmem>> -> memref<80x128xf32, #tpu.memory_space<vmem>>
    tpu.enqueue_dma source(%dma_start3A_145 : memref<80x128xf32, #tpu.memory_space<vmem>>) target(%dma_start3A_141 : memref<80x128xf32, #tpu.memory_space<hbm>>) target_semaphore(%arg10 : memref<!tpu.dma_semaphore, #tpu.memory_space<semaphore_mem>>)
    %dma_start3A_146 = arith.constant 0 : i32
    %dma_start3A_147 = arith.constant 4 : i32
    %dma_start3A_148 = arith.constant 4 : i32
    %dma_start3A_149 = arith.constant 0 : i32
    %dma_start3A_150 = arith.constant 0 : i32
    %dma_start3A_151 = tpu.memref_slice %arg6[%dma_start3A_148, %dma_start3A_149, %dma_start3A_150] : memref<8x80x128xf32, #tpu.memory_space<vmem>> -> memref<1x80x128xf32, #tpu.memory_space<vmem>>
    %dma_start3A_152 = tpu.memref_squeeze %dma_start3A_151 : memref<1x80x128xf32, #tpu.memory_space<vmem>> -> memref<80x128xf32, #tpu.memory_space<vmem>>
    %dma_start3A_153 = arith.constant 0 : i32
    %dma_start3A_154 = arith.constant 0 : i32
    %dma_start3A_155 = tpu.memref_slice %arg5[%dma_start3A_146, %dma_start3A_153, %dma_start3A_154] : memref<2x8x80xi32, #tpu.memory_space<vmem>> -> memref<1x8x80xi32, #tpu.memory_space<vmem>>
    %dma_start3A_156 = tpu.memref_squeeze %dma_start3A_155 : memref<1x8x80xi32, #tpu.memory_space<vmem>> -> memref<8x80xi32, #tpu.memory_space<vmem>>
    %dma_start3A_157 = arith.constant 0 : i32
    %dma_start3A_158 = tpu.memref_slice %dma_start3A_156[%dma_start3A_147, %dma_start3A_157] : memref<8x80xi32, #tpu.memory_space<vmem>> -> memref<1x80xi32, #tpu.memory_space<vmem>>
    %dma_start3A_159 = tpu.memref_squeeze %dma_start3A_158 : memref<1x80xi32, #tpu.memory_space<vmem>> -> memref<80xi32, #tpu.memory_space<vmem>>
    %dma_start3A_160 = arith.constant 0 : i32
    %dma_start3A_161 = arith.constant 0 : i32
    %dma_start3A_162 = tpu.memref_slice %arg7[%dma_start3A_160, %dma_start3A_161] : memref<1000x128xf32, #tpu.memory_space<vmem_shared>> -> memref<1000x128xf32, #tpu.memory_space<vmem_shared>>
    tpu.enqueue_indirect_dma source(%dma_start3A_162 : memref<1000x128xf32, #tpu.memory_space<vmem_shared>>) target(%dma_start3A_152 : memref<80x128xf32, #tpu.memory_space<vmem>>) offsets(%dma_start3A_159 : memref<80xi32, #tpu.memory_space<vmem>>) semaphore(%arg9 : memref<!tpu.dma_semaphore, #tpu.memory_space<semaphore_mem>>)
    %dma_wait3A_163 = arith.constant 0 : i32
    %dma_wait3A_164 = arith.constant 0 : i32
    %dma_wait3A_165 = arith.constant 0 : i32
    %dma_wait3A_166 = tpu.memref_slice %arg6[%dma_wait3A_163, %dma_wait3A_164, %dma_wait3A_165] : memref<8x80x128xf32, #tpu.memory_space<vmem>> -> memref<1x80x128xf32, #tpu.memory_space<vmem>>
    %dma_wait3A_167 = tpu.memref_squeeze %dma_wait3A_166 : memref<1x80x128xf32, #tpu.memory_space<vmem>> -> memref<80x128xf32, #tpu.memory_space<vmem>>
    %dma_wait3A_168 = arith.constant 0 : i32
    %dma_wait3A_169 = arith.constant 0 : i32
    %dma_wait3A_170 = tpu.memref_slice %arg4[%dma_wait3A_168, %dma_wait3A_169] : memref<3276800x128xf32, #tpu.memory_space<hbm>> -> memref<80x128xf32, #tpu.memory_space<hbm>>
    %dma_wait3A_171 = arith.constant 0 : i32
    %dma_wait3A_172 = arith.constant 0 : i32
    %dma_wait3A_173 = tpu.memref_slice %arg6[%dma_wait3A_163, %dma_wait3A_171, %dma_wait3A_172] : memref<8x80x128xf32, #tpu.memory_space<vmem>> -> memref<1x80x128xf32, #tpu.memory_space<vmem>>
    %dma_wait3A_174 = tpu.memref_squeeze %dma_wait3A_173 : memref<1x80x128xf32, #tpu.memory_space<vmem>> -> memref<80x128xf32, #tpu.memory_space<vmem>>
    %dma_wait3A_175 = arith.constant 0 : i32
    %dma_wait3A_176 = arith.constant 0 : i32
    %dma_wait3A_177 = tpu.memref_slice %arg4[%dma_wait3A_175, %dma_wait3A_176] : memref<3276800x128xf32, #tpu.memory_space<hbm>> -> memref<80x128xf32, #tpu.memory_space<hbm>>
    tpu.wait_dma2 semaphore(%arg9 : memref<!tpu.dma_semaphore, #tpu.memory_space<semaphore_mem>>) src(%dma_wait3A_177 : memref<80x128xf32, #tpu.memory_space<hbm>>) dst(%dma_wait3A_174 : memref<80x128xf32, #tpu.memory_space<vmem>>)
    %add3A_178 = arith.constant 1 : i32
    %add3A_179 = arith.addi %mul3A_2, %add3A_178 : i32
    %mul3A_180 = arith.constant 80 : i32
    %mul3A_181 = arith.muli %add3A_179, %mul3A_180 : i32
    %dma_start3A_182 = arith.constant 1 : i32
    %dma_start3A_183 = arith.constant 0 : i32
    %dma_start3A_184 = arith.constant 0 : i32
    %dma_start3A_185 = tpu.memref_slice %arg6[%dma_start3A_182, %dma_start3A_183, %dma_start3A_184] : memref<8x80x128xf32, #tpu.memory_space<vmem>> -> memref<1x80x128xf32, #tpu.memory_space<vmem>>
    %dma_start3A_186 = tpu.memref_squeeze %dma_start3A_185 : memref<1x80x128xf32, #tpu.memory_space<vmem>> -> memref<80x128xf32, #tpu.memory_space<vmem>>
    %dma_start3A_187 = arith.constant 0 : i32
    %dma_start3A_188 = tpu.memref_slice %arg4[%mul3A_181, %dma_start3A_187] : memref<3276800x128xf32, #tpu.memory_space<hbm>> -> memref<80x128xf32, #tpu.memory_space<hbm>>
    %dma_start3A_189 = arith.constant 0 : i32
    %dma_start3A_190 = tpu.memref_slice %arg4[%mul3A_181, %dma_start3A_189] : memref<3276800x128xf32, #tpu.memory_space<hbm>> -> memref<80x128xf32, #tpu.memory_space<hbm>>
    %dma_start3A_191 = arith.constant 0 : i32
    %dma_start3A_192 = arith.constant 0 : i32
    %dma_start3A_193 = tpu.memref_slice %arg6[%dma_start3A_182, %dma_start3A_191, %dma_start3A_192] : memref<8x80x128xf32, #tpu.memory_space<vmem>> -> memref<1x80x128xf32, #tpu.memory_space<vmem>>
    %dma_start3A_194 = tpu.memref_squeeze %dma_start3A_193 : memref<1x80x128xf32, #tpu.memory_space<vmem>> -> memref<80x128xf32, #tpu.memory_space<vmem>>
    tpu.enqueue_dma source(%dma_start3A_194 : memref<80x128xf32, #tpu.memory_space<vmem>>) target(%dma_start3A_190 : memref<80x128xf32, #tpu.memory_space<hbm>>) target_semaphore(%arg10 : memref<!tpu.dma_semaphore, #tpu.memory_space<semaphore_mem>>)
    %dma_start3A_195 = arith.constant 0 : i32
    %dma_start3A_196 = arith.constant 5 : i32
    %dma_start3A_197 = arith.constant 5 : i32
    %dma_start3A_198 = arith.constant 0 : i32
    %dma_start3A_199 = arith.constant 0 : i32
    %dma_start3A_200 = tpu.memref_slice %arg6[%dma_start3A_197, %dma_start3A_198, %dma_start3A_199] : memref<8x80x128xf32, #tpu.memory_space<vmem>> -> memref<1x80x128xf32, #tpu.memory_space<vmem>>
    %dma_start3A_201 = tpu.memref_squeeze %dma_start3A_200 : memref<1x80x128xf32, #tpu.memory_space<vmem>> -> memref<80x128xf32, #tpu.memory_space<vmem>>
    %dma_start3A_202 = arith.constant 0 : i32
    %dma_start3A_203 = arith.constant 0 : i32
    %dma_start3A_204 = tpu.memref_slice %arg5[%dma_start3A_195, %dma_start3A_202, %dma_start3A_203] : memref<2x8x80xi32, #tpu.memory_space<vmem>> -> memref<1x8x80xi32, #tpu.memory_space<vmem>>
    %dma_start3A_205 = tpu.memref_squeeze %dma_start3A_204 : memref<1x8x80xi32, #tpu.memory_space<vmem>> -> memref<8x80xi32, #tpu.memory_space<vmem>>
    %dma_start3A_206 = arith.constant 0 : i32
    %dma_start3A_207 = tpu.memref_slice %dma_start3A_205[%dma_start3A_196, %dma_start3A_206] : memref<8x80xi32, #tpu.memory_space<vmem>> -> memref<1x80xi32, #tpu.memory_space<vmem>>
    %dma_start3A_208 = tpu.memref_squeeze %dma_start3A_207 : memref<1x80xi32, #tpu.memory_space<vmem>> -> memref<80xi32, #tpu.memory_space<vmem>>
    %dma_start3A_209 = arith.constant 0 : i32
    %dma_start3A_210 = arith.constant 0 : i32
    %dma_start3A_211 = tpu.memref_slice %arg7[%dma_start3A_209, %dma_start3A_210] : memref<1000x128xf32, #tpu.memory_space<vmem_shared>> -> memref<1000x128xf32, #tpu.memory_space<vmem_shared>>
    tpu.enqueue_indirect_dma source(%dma_start3A_211 : memref<1000x128xf32, #tpu.memory_space<vmem_shared>>) target(%dma_start3A_201 : memref<80x128xf32, #tpu.memory_space<vmem>>) offsets(%dma_start3A_208 : memref<80xi32, #tpu.memory_space<vmem>>) semaphore(%arg9 : memref<!tpu.dma_semaphore, #tpu.memory_space<semaphore_mem>>)
    %dma_wait3A_212 = arith.constant 0 : i32
    %dma_wait3A_213 = arith.constant 0 : i32
    %dma_wait3A_214 = arith.constant 0 : i32
    %dma_wait3A_215 = tpu.memref_slice %arg6[%dma_wait3A_212, %dma_wait3A_213, %dma_wait3A_214] : memref<8x80x128xf32, #tpu.memory_space<vmem>> -> memref<1x80x128xf32, #tpu.memory_space<vmem>>
    %dma_wait3A_216 = tpu.memref_squeeze %dma_wait3A_215 : memref<1x80x128xf32, #tpu.memory_space<vmem>> -> memref<80x128xf32, #tpu.memory_space<vmem>>
    %dma_wait3A_217 = arith.constant 0 : i32
    %dma_wait3A_218 = arith.constant 0 : i32
    %dma_wait3A_219 = tpu.memref_slice %arg4[%dma_wait3A_217, %dma_wait3A_218] : memref<3276800x128xf32, #tpu.memory_space<hbm>> -> memref<80x128xf32, #tpu.memory_space<hbm>>
    %dma_wait3A_220 = arith.constant 0 : i32
    %dma_wait3A_221 = arith.constant 0 : i32
    %dma_wait3A_222 = tpu.memref_slice %arg6[%dma_wait3A_212, %dma_wait3A_220, %dma_wait3A_221] : memref<8x80x128xf32, #tpu.memory_space<vmem>> -> memref<1x80x128xf32, #tpu.memory_space<vmem>>
    %dma_wait3A_223 = tpu.memref_squeeze %dma_wait3A_222 : memref<1x80x128xf32, #tpu.memory_space<vmem>> -> memref<80x128xf32, #tpu.memory_space<vmem>>
    %dma_wait3A_224 = arith.constant 0 : i32
    %dma_wait3A_225 = arith.constant 0 : i32
    %dma_wait3A_226 = tpu.memref_slice %arg4[%dma_wait3A_224, %dma_wait3A_225] : memref<3276800x128xf32, #tpu.memory_space<hbm>> -> memref<80x128xf32, #tpu.memory_space<hbm>>
    tpu.wait_dma2 semaphore(%arg9 : memref<!tpu.dma_semaphore, #tpu.memory_space<semaphore_mem>>) src(%dma_wait3A_226 : memref<80x128xf32, #tpu.memory_space<hbm>>) dst(%dma_wait3A_223 : memref<80x128xf32, #tpu.memory_space<vmem>>)
    %add3A_227 = arith.constant 2 : i32
    %add3A_228 = arith.addi %mul3A_2, %add3A_227 : i32
    %mul3A_229 = arith.constant 80 : i32
    %mul3A_230 = arith.muli %add3A_228, %mul3A_229 : i32
    %dma_start3A_231 = arith.constant 2 : i32
    %dma_start3A_232 = arith.constant 0 : i32
    %dma_start3A_233 = arith.constant 0 : i32
    %dma_start3A_234 = tpu.memref_slice %arg6[%dma_start3A_231, %dma_start3A_232, %dma_start3A_233] : memref<8x80x128xf32, #tpu.memory_space<vmem>> -> memref<1x80x128xf32, #tpu.memory_space<vmem>>
    %dma_start3A_235 = tpu.memref_squeeze %dma_start3A_234 : memref<1x80x128xf32, #tpu.memory_space<vmem>> -> memref<80x128xf32, #tpu.memory_space<vmem>>
    %dma_start3A_236 = arith.constant 0 : i32
    %dma_start3A_237 = tpu.memref_slice %arg4[%mul3A_230, %dma_start3A_236] : memref<3276800x128xf32, #tpu.memory_space<hbm>> -> memref<80x128xf32, #tpu.memory_space<hbm>>
    %dma_start3A_238 = arith.constant 0 : i32
    %dma_start3A_239 = tpu.memref_slice %arg4[%mul3A_230, %dma_start3A_238] : memref<3276800x128xf32, #tpu.memory_space<hbm>> -> memref<80x128xf32, #tpu.memory_space<hbm>>
    %dma_start3A_240 = arith.constant 0 : i32
    %dma_start3A_241 = arith.constant 0 : i32
    %dma_start3A_242 = tpu.memref_slice %arg6[%dma_start3A_231, %dma_start3A_240, %dma_start3A_241] : memref<8x80x128xf32, #tpu.memory_space<vmem>> -> memref<1x80x128xf32, #tpu.memory_space<vmem>>
    %dma_start3A_243 = tpu.memref_squeeze %dma_start3A_242 : memref<1x80x128xf32, #tpu.memory_space<vmem>> -> memref<80x128xf32, #tpu.memory_space<vmem>>
    tpu.enqueue_dma source(%dma_start3A_243 : memref<80x128xf32, #tpu.memory_space<vmem>>) target(%dma_start3A_239 : memref<80x128xf32, #tpu.memory_space<hbm>>) target_semaphore(%arg10 : memref<!tpu.dma_semaphore, #tpu.memory_space<semaphore_mem>>)
    %dma_start3A_244 = arith.constant 0 : i32
    %dma_start3A_245 = arith.constant 6 : i32
    %dma_start3A_246 = arith.constant 6 : i32
    %dma_start3A_247 = arith.constant 0 : i32
    %dma_start3A_248 = arith.constant 0 : i32
    %dma_start3A_249 = tpu.memref_slice %arg6[%dma_start3A_246, %dma_start3A_247, %dma_start3A_248] : memref<8x80x128xf32, #tpu.memory_space<vmem>> -> memref<1x80x128xf32, #tpu.memory_space<vmem>>
    %dma_start3A_250 = tpu.memref_squeeze %dma_start3A_249 : memref<1x80x128xf32, #tpu.memory_space<vmem>> -> memref<80x128xf32, #tpu.memory_space<vmem>>
    %dma_start3A_251 = arith.constant 0 : i32
    %dma_start3A_252 = arith.constant 0 : i32
    %dma_start3A_253 = tpu.memref_slice %arg5[%dma_start3A_244, %dma_start3A_251, %dma_start3A_252] : memref<2x8x80xi32, #tpu.memory_space<vmem>> -> memref<1x8x80xi32, #tpu.memory_space<vmem>>
    %dma_start3A_254 = tpu.memref_squeeze %dma_start3A_253 : memref<1x8x80xi32, #tpu.memory_space<vmem>> -> memref<8x80xi32, #tpu.memory_space<vmem>>
    %dma_start3A_255 = arith.constant 0 : i32
    %dma_start3A_256 = tpu.memref_slice %dma_start3A_254[%dma_start3A_245, %dma_start3A_255] : memref<8x80xi32, #tpu.memory_space<vmem>> -> memref<1x80xi32, #tpu.memory_space<vmem>>
    %dma_start3A_257 = tpu.memref_squeeze %dma_start3A_256 : memref<1x80xi32, #tpu.memory_space<vmem>> -> memref<80xi32, #tpu.memory_space<vmem>>
    %dma_start3A_258 = arith.constant 0 : i32
    %dma_start3A_259 = arith.constant 0 : i32
    %dma_start3A_260 = tpu.memref_slice %arg7[%dma_start3A_258, %dma_start3A_259] : memref<1000x128xf32, #tpu.memory_space<vmem_shared>> -> memref<1000x128xf32, #tpu.memory_space<vmem_shared>>
    tpu.enqueue_indirect_dma source(%dma_start3A_260 : memref<1000x128xf32, #tpu.memory_space<vmem_shared>>) target(%dma_start3A_250 : memref<80x128xf32, #tpu.memory_space<vmem>>) offsets(%dma_start3A_257 : memref<80xi32, #tpu.memory_space<vmem>>) semaphore(%arg9 : memref<!tpu.dma_semaphore, #tpu.memory_space<semaphore_mem>>)
    %dma_wait3A_261 = arith.constant 0 : i32
    %dma_wait3A_262 = arith.constant 0 : i32
    %dma_wait3A_263 = arith.constant 0 : i32
    %dma_wait3A_264 = tpu.memref_slice %arg6[%dma_wait3A_261, %dma_wait3A_262, %dma_wait3A_263] : memref<8x80x128xf32, #tpu.memory_space<vmem>> -> memref<1x80x128xf32, #tpu.memory_space<vmem>>
    %dma_wait3A_265 = tpu.memref_squeeze %dma_wait3A_264 : memref<1x80x128xf32, #tpu.memory_space<vmem>> -> memref<80x128xf32, #tpu.memory_space<vmem>>
    %dma_wait3A_266 = arith.constant 0 : i32
    %dma_wait3A_267 = arith.constant 0 : i32
    %dma_wait3A_268 = tpu.memref_slice %arg4[%dma_wait3A_266, %dma_wait3A_267] : memref<3276800x128xf32, #tpu.memory_space<hbm>> -> memref<80x128xf32, #tpu.memory_space<hbm>>
    %dma_wait3A_269 = arith.constant 0 : i32
    %dma_wait3A_270 = arith.constant 0 : i32
    %dma_wait3A_271 = tpu.memref_slice %arg6[%dma_wait3A_261, %dma_wait3A_269, %dma_wait3A_270] : memref<8x80x128xf32, #tpu.memory_space<vmem>> -> memref<1x80x128xf32, #tpu.memory_space<vmem>>
    %dma_wait3A_272 = tpu.memref_squeeze %dma_wait3A_271 : memref<1x80x128xf32, #tpu.memory_space<vmem>> -> memref<80x128xf32, #tpu.memory_space<vmem>>
    %dma_wait3A_273 = arith.constant 0 : i32
    %dma_wait3A_274 = arith.constant 0 : i32
    %dma_wait3A_275 = tpu.memref_slice %arg4[%dma_wait3A_273, %dma_wait3A_274] : memref<3276800x128xf32, #tpu.memory_space<hbm>> -> memref<80x128xf32, #tpu.memory_space<hbm>>
    tpu.wait_dma2 semaphore(%arg9 : memref<!tpu.dma_semaphore, #tpu.memory_space<semaphore_mem>>) src(%dma_wait3A_275 : memref<80x128xf32, #tpu.memory_space<hbm>>) dst(%dma_wait3A_272 : memref<80x128xf32, #tpu.memory_space<vmem>>)
    %add3A_276 = arith.constant 3 : i32
    %add3A_277 = arith.addi %mul3A_2, %add3A_276 : i32
    %mul3A_278 = arith.constant 80 : i32
    %mul3A_279 = arith.muli %add3A_277, %mul3A_278 : i32
    %dma_start3A_280 = arith.constant 3 : i32
    %dma_start3A_281 = arith.constant 0 : i32
    %dma_start3A_282 = arith.constant 0 : i32
    %dma_start3A_283 = tpu.memref_slice %arg6[%dma_start3A_280, %dma_start3A_281, %dma_start3A_282] : memref<8x80x128xf32, #tpu.memory_space<vmem>> -> memref<1x80x128xf32, #tpu.memory_space<vmem>>
    %dma_start3A_284 = tpu.memref_squeeze %dma_start3A_283 : memref<1x80x128xf32, #tpu.memory_space<vmem>> -> memref<80x128xf32, #tpu.memory_space<vmem>>
    %dma_start3A_285 = arith.constant 0 : i32
    %dma_start3A_286 = tpu.memref_slice %arg4[%mul3A_279, %dma_start3A_285] : memref<3276800x128xf32, #tpu.memory_space<hbm>> -> memref<80x128xf32, #tpu.memory_space<hbm>>
    %dma_start3A_287 = arith.constant 0 : i32
    %dma_start3A_288 = tpu.memref_slice %arg4[%mul3A_279, %dma_start3A_287] : memref<3276800x128xf32, #tpu.memory_space<hbm>> -> memref<80x128xf32, #tpu.memory_space<hbm>>
    %dma_start3A_289 = arith.constant 0 : i32
    %dma_start3A_290 = arith.constant 0 : i32
    %dma_start3A_291 = tpu.memref_slice %arg6[%dma_start3A_280, %dma_start3A_289, %dma_start3A_290] : memref<8x80x128xf32, #tpu.memory_space<vmem>> -> memref<1x80x128xf32, #tpu.memory_space<vmem>>
    %dma_start3A_292 = tpu.memref_squeeze %dma_start3A_291 : memref<1x80x128xf32, #tpu.memory_space<vmem>> -> memref<80x128xf32, #tpu.memory_space<vmem>>
    tpu.enqueue_dma source(%dma_start3A_292 : memref<80x128xf32, #tpu.memory_space<vmem>>) target(%dma_start3A_288 : memref<80x128xf32, #tpu.memory_space<hbm>>) target_semaphore(%arg10 : memref<!tpu.dma_semaphore, #tpu.memory_space<semaphore_mem>>)
    %dma_start3A_293 = arith.constant 0 : i32
    %dma_start3A_294 = arith.constant 7 : i32
    %dma_start3A_295 = arith.constant 7 : i32
    %dma_start3A_296 = arith.constant 0 : i32
    %dma_start3A_297 = arith.constant 0 : i32
    %dma_start3A_298 = tpu.memref_slice %arg6[%dma_start3A_295, %dma_start3A_296, %dma_start3A_297] : memref<8x80x128xf32, #tpu.memory_space<vmem>> -> memref<1x80x128xf32, #tpu.memory_space<vmem>>
    %dma_start3A_299 = tpu.memref_squeeze %dma_start3A_298 : memref<1x80x128xf32, #tpu.memory_space<vmem>> -> memref<80x128xf32, #tpu.memory_space<vmem>>
    %dma_start3A_300 = arith.constant 0 : i32
    %dma_start3A_301 = arith.constant 0 : i32
    %dma_start3A_302 = tpu.memref_slice %arg5[%dma_start3A_293, %dma_start3A_300, %dma_start3A_301] : memref<2x8x80xi32, #tpu.memory_space<vmem>> -> memref<1x8x80xi32, #tpu.memory_space<vmem>>
    %dma_start3A_303 = tpu.memref_squeeze %dma_start3A_302 : memref<1x8x80xi32, #tpu.memory_space<vmem>> -> memref<8x80xi32, #tpu.memory_space<vmem>>
    %dma_start3A_304 = arith.constant 0 : i32
    %dma_start3A_305 = tpu.memref_slice %dma_start3A_303[%dma_start3A_294, %dma_start3A_304] : memref<8x80xi32, #tpu.memory_space<vmem>> -> memref<1x80xi32, #tpu.memory_space<vmem>>
    %dma_start3A_306 = tpu.memref_squeeze %dma_start3A_305 : memref<1x80xi32, #tpu.memory_space<vmem>> -> memref<80xi32, #tpu.memory_space<vmem>>
    %dma_start3A_307 = arith.constant 0 : i32
    %dma_start3A_308 = arith.constant 0 : i32
    %dma_start3A_309 = tpu.memref_slice %arg7[%dma_start3A_307, %dma_start3A_308] : memref<1000x128xf32, #tpu.memory_space<vmem_shared>> -> memref<1000x128xf32, #tpu.memory_space<vmem_shared>>
    tpu.enqueue_indirect_dma source(%dma_start3A_309 : memref<1000x128xf32, #tpu.memory_space<vmem_shared>>) target(%dma_start3A_299 : memref<80x128xf32, #tpu.memory_space<vmem>>) offsets(%dma_start3A_306 : memref<80xi32, #tpu.memory_space<vmem>>) semaphore(%arg9 : memref<!tpu.dma_semaphore, #tpu.memory_space<semaphore_mem>>)
    %dma_wait3A_310 = arith.constant 0 : i32
    %dma_wait3A_311 = arith.constant 0 : i32
    %dma_wait3A_312 = arith.constant 0 : i32
    %dma_wait3A_313 = tpu.memref_slice %arg6[%dma_wait3A_310, %dma_wait3A_311, %dma_wait3A_312] : memref<8x80x128xf32, #tpu.memory_space<vmem>> -> memref<1x80x128xf32, #tpu.memory_space<vmem>>
    %dma_wait3A_314 = tpu.memref_squeeze %dma_wait3A_313 : memref<1x80x128xf32, #tpu.memory_space<vmem>> -> memref<80x128xf32, #tpu.memory_space<vmem>>
    %dma_wait3A_315 = arith.constant 0 : i32
    %dma_wait3A_316 = arith.constant 0 : i32
    %dma_wait3A_317 = tpu.memref_slice %arg4[%dma_wait3A_315, %dma_wait3A_316] : memref<3276800x128xf32, #tpu.memory_space<hbm>> -> memref<80x128xf32, #tpu.memory_space<hbm>>
    %dma_wait3A_318 = arith.constant 0 : i32
    %dma_wait3A_319 = arith.constant 0 : i32
    %dma_wait3A_320 = tpu.memref_slice %arg6[%dma_wait3A_310, %dma_wait3A_318, %dma_wait3A_319] : memref<8x80x128xf32, #tpu.memory_space<vmem>> -> memref<1x80x128xf32, #tpu.memory_space<vmem>>
    %dma_wait3A_321 = tpu.memref_squeeze %dma_wait3A_320 : memref<1x80x128xf32, #tpu.memory_space<vmem>> -> memref<80x128xf32, #tpu.memory_space<vmem>>
    %dma_wait3A_322 = arith.constant 0 : i32
    %dma_wait3A_323 = arith.constant 0 : i32
    %dma_wait3A_324 = tpu.memref_slice %arg4[%dma_wait3A_322, %dma_wait3A_323] : memref<3276800x128xf32, #tpu.memory_space<hbm>> -> memref<80x128xf32, #tpu.memory_space<hbm>>
    tpu.wait_dma2 semaphore(%arg9 : memref<!tpu.dma_semaphore, #tpu.memory_space<semaphore_mem>>) src(%dma_wait3A_324 : memref<80x128xf32, #tpu.memory_space<hbm>>) dst(%dma_wait3A_321 : memref<80x128xf32, #tpu.memory_space<vmem>>)
    %add3A_325 = arith.constant 4 : i32
    %add3A_326 = arith.addi %mul3A_2, %add3A_325 : i32
    %mul3A_327 = arith.constant 80 : i32
    %mul3A_328 = arith.muli %add3A_326, %mul3A_327 : i32
    %dma_start3A_329 = arith.constant 4 : i32
    %dma_start3A_330 = arith.constant 0 : i32
    %dma_start3A_331 = arith.constant 0 : i32
    %dma_start3A_332 = tpu.memref_slice %arg6[%dma_start3A_329, %dma_start3A_330, %dma_start3A_331] : memref<8x80x128xf32, #tpu.memory_space<vmem>> -> memref<1x80x128xf32, #tpu.memory_space<vmem>>
    %dma_start3A_333 = tpu.memref_squeeze %dma_start3A_332 : memref<1x80x128xf32, #tpu.memory_space<vmem>> -> memref<80x128xf32, #tpu.memory_space<vmem>>
    %dma_start3A_334 = arith.constant 0 : i32
    %dma_start3A_335 = tpu.memref_slice %arg4[%mul3A_328, %dma_start3A_334] : memref<3276800x128xf32, #tpu.memory_space<hbm>> -> memref<80x128xf32, #tpu.memory_space<hbm>>
    %dma_start3A_336 = arith.constant 0 : i32
    %dma_start3A_337 = tpu.memref_slice %arg4[%mul3A_328, %dma_start3A_336] : memref<3276800x128xf32, #tpu.memory_space<hbm>> -> memref<80x128xf32, #tpu.memory_space<hbm>>
    %dma_start3A_338 = arith.constant 0 : i32
    %dma_start3A_339 = arith.constant 0 : i32
    %dma_start3A_340 = tpu.memref_slice %arg6[%dma_start3A_329, %dma_start3A_338, %dma_start3A_339] : memref<8x80x128xf32, #tpu.memory_space<vmem>> -> memref<1x80x128xf32, #tpu.memory_space<vmem>>
    %dma_start3A_341 = tpu.memref_squeeze %dma_start3A_340 : memref<1x80x128xf32, #tpu.memory_space<vmem>> -> memref<80x128xf32, #tpu.memory_space<vmem>>
    tpu.enqueue_dma source(%dma_start3A_341 : memref<80x128xf32, #tpu.memory_space<vmem>>) target(%dma_start3A_337 : memref<80x128xf32, #tpu.memory_space<hbm>>) target_semaphore(%arg10 : memref<!tpu.dma_semaphore, #tpu.memory_space<semaphore_mem>>)
    %dma_wait3A_342 = arith.constant 0 : i32
    %dma_wait3A_343 = arith.constant 0 : i32
    %dma_wait3A_344 = arith.constant 0 : i32
    %dma_wait3A_345 = tpu.memref_slice %arg6[%dma_wait3A_342, %dma_wait3A_343, %dma_wait3A_344] : memref<8x80x128xf32, #tpu.memory_space<vmem>> -> memref<1x80x128xf32, #tpu.memory_space<vmem>>
    %dma_wait3A_346 = tpu.memref_squeeze %dma_wait3A_345 : memref<1x80x128xf32, #tpu.memory_space<vmem>> -> memref<80x128xf32, #tpu.memory_space<vmem>>
    %dma_wait3A_347 = arith.constant 0 : i32
    %dma_wait3A_348 = arith.constant 0 : i32
    %dma_wait3A_349 = tpu.memref_slice %arg4[%dma_wait3A_347, %dma_wait3A_348] : memref<3276800x128xf32, #tpu.memory_space<hbm>> -> memref<80x128xf32, #tpu.memory_space<hbm>>
    %dma_wait3A_350 = arith.constant 0 : i32
    %dma_wait3A_351 = arith.constant 0 : i32
    %dma_wait3A_352 = tpu.memref_slice %arg4[%dma_wait3A_350, %dma_wait3A_351] : memref<3276800x128xf32, #tpu.memory_space<hbm>> -> memref<80x128xf32, #tpu.memory_space<hbm>>
    %dma_wait3A_353 = arith.constant 0 : i32
    %dma_wait3A_354 = arith.constant 0 : i32
    %dma_wait3A_355 = tpu.memref_slice %arg6[%dma_wait3A_342, %dma_wait3A_353, %dma_wait3A_354] : memref<8x80x128xf32, #tpu.memory_space<vmem>> -> memref<1x80x128xf32, #tpu.memory_space<vmem>>
    %dma_wait3A_356 = tpu.memref_squeeze %dma_wait3A_355 : memref<1x80x128xf32, #tpu.memory_space<vmem>> -> memref<80x128xf32, #tpu.memory_space<vmem>>
    tpu.wait_dma2 semaphore(%arg10 : memref<!tpu.dma_semaphore, #tpu.memory_space<semaphore_mem>>) src(%dma_wait3A_356 : memref<80x128xf32, #tpu.memory_space<vmem>>) dst(%dma_wait3A_352 : memref<80x128xf32, #tpu.memory_space<hbm>>)
    %dma_wait3A_357 = arith.constant 0 : i32
    %dma_wait3A_358 = arith.constant 0 : i32
    %dma_wait3A_359 = arith.constant 0 : i32
    %dma_wait3A_360 = tpu.memref_slice %arg5[%dma_wait3A_357, %dma_wait3A_358, %dma_wait3A_359] : memref<2x8x80xi32, #tpu.memory_space<vmem>> -> memref<1x8x80xi32, #tpu.memory_space<vmem>>
    %dma_wait3A_361 = tpu.memref_squeeze %dma_wait3A_360 : memref<1x8x80xi32, #tpu.memory_space<vmem>> -> memref<8x80xi32, #tpu.memory_space<vmem>>
    %dma_wait3A_362 = arith.constant 0 : i32
    %dma_wait3A_363 = arith.constant 0 : i32
    %dma_wait3A_364 = tpu.memref_slice %arg2[%dma_wait3A_362, %dma_wait3A_363] : memref<40960x80xi32, #tpu.memory_space<hbm>> -> memref<8x80xi32, #tpu.memory_space<hbm>>
    %dma_wait3A_365 = arith.constant 0 : i32
    %dma_wait3A_366 = arith.constant 0 : i32
    %dma_wait3A_367 = tpu.memref_slice %arg5[%dma_wait3A_357, %dma_wait3A_365, %dma_wait3A_366] : memref<2x8x80xi32, #tpu.memory_space<vmem>> -> memref<1x8x80xi32, #tpu.memory_space<vmem>>
    %dma_wait3A_368 = tpu.memref_squeeze %dma_wait3A_367 : memref<1x8x80xi32, #tpu.memory_space<vmem>> -> memref<8x80xi32, #tpu.memory_space<vmem>>
    %dma_wait3A_369 = arith.constant 0 : i32
    %dma_wait3A_370 = arith.constant 0 : i32
    %dma_wait3A_371 = tpu.memref_slice %arg2[%dma_wait3A_369, %dma_wait3A_370] : memref<40960x80xi32, #tpu.memory_space<hbm>> -> memref<8x80xi32, #tpu.memory_space<hbm>>
    tpu.wait_dma2 semaphore(%arg8 : memref<!tpu.dma_semaphore, #tpu.memory_space<semaphore_mem>>) src(%dma_wait3A_371 : memref<8x80xi32, #tpu.memory_space<hbm>>) dst(%dma_wait3A_368 : memref<8x80xi32, #tpu.memory_space<vmem>>)
    %dma_start3A_372 = arith.constant 1 : i32
    %dma_start3A_373 = arith.constant 0 : i32
    %dma_start3A_374 = arith.constant 0 : i32
    %dma_start3A_375 = arith.constant 0 : i32
    %dma_start3A_376 = arith.constant 0 : i32
    %dma_start3A_377 = tpu.memref_slice %arg6[%dma_start3A_374, %dma_start3A_375, %dma_start3A_376] : memref<8x80x128xf32, #tpu.memory_space<vmem>> -> memref<1x80x128xf32, #tpu.memory_space<vmem>>
    %dma_start3A_378 = tpu.memref_squeeze %dma_start3A_377 : memref<1x80x128xf32, #tpu.memory_space<vmem>> -> memref<80x128xf32, #tpu.memory_space<vmem>>
    %dma_start3A_379 = arith.constant 0 : i32
    %dma_start3A_380 = arith.constant 0 : i32
    %dma_start3A_381 = tpu.memref_slice %arg5[%dma_start3A_372, %dma_start3A_379, %dma_start3A_380] : memref<2x8x80xi32, #tpu.memory_space<vmem>> -> memref<1x8x80xi32, #tpu.memory_space<vmem>>
    %dma_start3A_382 = tpu.memref_squeeze %dma_start3A_381 : memref<1x8x80xi32, #tpu.memory_space<vmem>> -> memref<8x80xi32, #tpu.memory_space<vmem>>
    %dma_start3A_383 = arith.constant 0 : i32
    %dma_start3A_384 = tpu.memref_slice %dma_start3A_382[%dma_start3A_373, %dma_start3A_383] : memref<8x80xi32, #tpu.memory_space<vmem>> -> memref<1x80xi32, #tpu.memory_space<vmem>>
    %dma_start3A_385 = tpu.memref_squeeze %dma_start3A_384 : memref<1x80xi32, #tpu.memory_space<vmem>> -> memref<80xi32, #tpu.memory_space<vmem>>
    %dma_start3A_386 = arith.constant 0 : i32
    %dma_start3A_387 = arith.constant 0 : i32
    %dma_start3A_388 = tpu.memref_slice %arg7[%dma_start3A_386, %dma_start3A_387] : memref<1000x128xf32, #tpu.memory_space<vmem_shared>> -> memref<1000x128xf32, #tpu.memory_space<vmem_shared>>
    tpu.enqueue_indirect_dma source(%dma_start3A_388 : memref<1000x128xf32, #tpu.memory_space<vmem_shared>>) target(%dma_start3A_378 : memref<80x128xf32, #tpu.memory_space<vmem>>) offsets(%dma_start3A_385 : memref<80xi32, #tpu.memory_space<vmem>>) semaphore(%arg9 : memref<!tpu.dma_semaphore, #tpu.memory_space<semaphore_mem>>)
    %dma_wait3A_389 = arith.constant 0 : i32
    %dma_wait3A_390 = arith.constant 0 : i32
    %dma_wait3A_391 = arith.constant 0 : i32
    %dma_wait3A_392 = tpu.memref_slice %arg6[%dma_wait3A_389, %dma_wait3A_390, %dma_wait3A_391] : memref<8x80x128xf32, #tpu.memory_space<vmem>> -> memref<1x80x128xf32, #tpu.memory_space<vmem>>
    %dma_wait3A_393 = tpu.memref_squeeze %dma_wait3A_392 : memref<1x80x128xf32, #tpu.memory_space<vmem>> -> memref<80x128xf32, #tpu.memory_space<vmem>>
    %dma_wait3A_394 = arith.constant 0 : i32
    %dma_wait3A_395 = arith.constant 0 : i32
    %dma_wait3A_396 = tpu.memref_slice %arg4[%dma_wait3A_394, %dma_wait3A_395] : memref<3276800x128xf32, #tpu.memory_space<hbm>> -> memref<80x128xf32, #tpu.memory_space<hbm>>
    %dma_wait3A_397 = arith.constant 0 : i32
    %dma_wait3A_398 = arith.constant 0 : i32
    %dma_wait3A_399 = tpu.memref_slice %arg6[%dma_wait3A_389, %dma_wait3A_397, %dma_wait3A_398] : memref<8x80x128xf32, #tpu.memory_space<vmem>> -> memref<1x80x128xf32, #tpu.memory_space<vmem>>
    %dma_wait3A_400 = tpu.memref_squeeze %dma_wait3A_399 : memref<1x80x128xf32, #tpu.memory_space<vmem>> -> memref<80x128xf32, #tpu.memory_space<vmem>>
    %dma_wait3A_401 = arith.constant 0 : i32
    %dma_wait3A_402 = arith.constant 0 : i32
    %dma_wait3A_403 = tpu.memref_slice %arg4[%dma_wait3A_401, %dma_wait3A_402] : memref<3276800x128xf32, #tpu.memory_space<hbm>> -> memref<80x128xf32, #tpu.memory_space<hbm>>
    tpu.wait_dma2 semaphore(%arg9 : memref<!tpu.dma_semaphore, #tpu.memory_space<semaphore_mem>>) src(%dma_wait3A_403 : memref<80x128xf32, #tpu.memory_space<hbm>>) dst(%dma_wait3A_400 : memref<80x128xf32, #tpu.memory_space<vmem>>)
    %add3A_404 = arith.constant 5 : i32
    %add3A_405 = arith.addi %mul3A_2, %add3A_404 : i32
    %mul3A_406 = arith.constant 80 : i32
    %mul3A_407 = arith.muli %add3A_405, %mul3A_406 : i32
    %dma_start3A_408 = arith.constant 5 : i32
    %dma_start3A_409 = arith.constant 0 : i32
    %dma_start3A_410 = arith.constant 0 : i32
    %dma_start3A_411 = tpu.memref_slice %arg6[%dma_start3A_408, %dma_start3A_409, %dma_start3A_410] : memref<8x80x128xf32, #tpu.memory_space<vmem>> -> memref<1x80x128xf32, #tpu.memory_space<vmem>>
    %dma_start3A_412 = tpu.memref_squeeze %dma_start3A_411 : memref<1x80x128xf32, #tpu.memory_space<vmem>> -> memref<80x128xf32, #tpu.memory_space<vmem>>
    %dma_start3A_413 = arith.constant 0 : i32
    %dma_start3A_414 = tpu.memref_slice %arg4[%mul3A_407, %dma_start3A_413] : memref<3276800x128xf32, #tpu.memory_space<hbm>> -> memref<80x128xf32, #tpu.memory_space<hbm>>
    %dma_start3A_415 = arith.constant 0 : i32
    %dma_start3A_416 = tpu.memref_slice %arg4[%mul3A_407, %dma_start3A_415] : memref<3276800x128xf32, #tpu.memory_space<hbm>> -> memref<80x128xf32, #tpu.memory_space<hbm>>
    %dma_start3A_417 = arith.constant 0 : i32
    %dma_start3A_418 = arith.constant 0 : i32
    %dma_start3A_419 = tpu.memref_slice %arg6[%dma_start3A_408, %dma_start3A_417, %dma_start3A_418] : memref<8x80x128xf32, #tpu.memory_space<vmem>> -> memref<1x80x128xf32, #tpu.memory_space<vmem>>
    %dma_start3A_420 = tpu.memref_squeeze %dma_start3A_419 : memref<1x80x128xf32, #tpu.memory_space<vmem>> -> memref<80x128xf32, #tpu.memory_space<vmem>>
    tpu.enqueue_dma source(%dma_start3A_420 : memref<80x128xf32, #tpu.memory_space<vmem>>) target(%dma_start3A_416 : memref<80x128xf32, #tpu.memory_space<hbm>>) target_semaphore(%arg10 : memref<!tpu.dma_semaphore, #tpu.memory_space<semaphore_mem>>)
    %dma_wait3A_421 = arith.constant 0 : i32
    %dma_wait3A_422 = arith.constant 0 : i32
    %dma_wait3A_423 = arith.constant 0 : i32
    %dma_wait3A_424 = tpu.memref_slice %arg6[%dma_wait3A_421, %dma_wait3A_422, %dma_wait3A_423] : memref<8x80x128xf32, #tpu.memory_space<vmem>> -> memref<1x80x128xf32, #tpu.memory_space<vmem>>
    %dma_wait3A_425 = tpu.memref_squeeze %dma_wait3A_424 : memref<1x80x128xf32, #tpu.memory_space<vmem>> -> memref<80x128xf32, #tpu.memory_space<vmem>>
    %dma_wait3A_426 = arith.constant 0 : i32
    %dma_wait3A_427 = arith.constant 0 : i32
    %dma_wait3A_428 = tpu.memref_slice %arg4[%dma_wait3A_426, %dma_wait3A_427] : memref<3276800x128xf32, #tpu.memory_space<hbm>> -> memref<80x128xf32, #tpu.memory_space<hbm>>
    %dma_wait3A_429 = arith.constant 0 : i32
    %dma_wait3A_430 = arith.constant 0 : i32
    %dma_wait3A_431 = tpu.memref_slice %arg4[%dma_wait3A_429, %dma_wait3A_430] : memref<3276800x128xf32, #tpu.memory_space<hbm>> -> memref<80x128xf32, #tpu.memory_space<hbm>>
    %dma_wait3A_432 = arith.constant 0 : i32
    %dma_wait3A_433 = arith.constant 0 : i32
    %dma_wait3A_434 = tpu.memref_slice %arg6[%dma_wait3A_421, %dma_wait3A_432, %dma_wait3A_433] : memref<8x80x128xf32, #tpu.memory_space<vmem>> -> memref<1x80x128xf32, #tpu.memory_space<vmem>>
    %dma_wait3A_435 = tpu.memref_squeeze %dma_wait3A_434 : memref<1x80x128xf32, #tpu.memory_space<vmem>> -> memref<80x128xf32, #tpu.memory_space<vmem>>
    tpu.wait_dma2 semaphore(%arg10 : memref<!tpu.dma_semaphore, #tpu.memory_space<semaphore_mem>>) src(%dma_wait3A_435 : memref<80x128xf32, #tpu.memory_space<vmem>>) dst(%dma_wait3A_431 : memref<80x128xf32, #tpu.memory_space<hbm>>)
    %dma_start3A_436 = arith.constant 1 : i32
    %dma_start3A_437 = arith.constant 1 : i32
    %dma_start3A_438 = arith.constant 1 : i32
    %dma_start3A_439 = arith.constant 0 : i32
    %dma_start3A_440 = arith.constant 0 : i32
    %dma_start3A_441 = tpu.memref_slice %arg6[%dma_start3A_438, %dma_start3A_439, %dma_start3A_440] : memref<8x80x128xf32, #tpu.memory_space<vmem>> -> memref<1x80x128xf32, #tpu.memory_space<vmem>>
    %dma_start3A_442 = tpu.memref_squeeze %dma_start3A_441 : memref<1x80x128xf32, #tpu.memory_space<vmem>> -> memref<80x128xf32, #tpu.memory_space<vmem>>
    %dma_start3A_443 = arith.constant 0 : i32
    %dma_start3A_444 = arith.constant 0 : i32
    %dma_start3A_445 = tpu.memref_slice %arg5[%dma_start3A_436, %dma_start3A_443, %dma_start3A_444] : memref<2x8x80xi32, #tpu.memory_space<vmem>> -> memref<1x8x80xi32, #tpu.memory_space<vmem>>
    %dma_start3A_446 = tpu.memref_squeeze %dma_start3A_445 : memref<1x8x80xi32, #tpu.memory_space<vmem>> -> memref<8x80xi32, #tpu.memory_space<vmem>>
    %dma_start3A_447 = arith.constant 0 : i32
    %dma_start3A_448 = tpu.memref_slice %dma_start3A_446[%dma_start3A_437, %dma_start3A_447] : memref<8x80xi32, #tpu.memory_space<vmem>> -> memref<1x80xi32, #tpu.memory_space<vmem>>
    %dma_start3A_449 = tpu.memref_squeeze %dma_start3A_448 : memref<1x80xi32, #tpu.memory_space<vmem>> -> memref<80xi32, #tpu.memory_space<vmem>>
    %dma_start3A_450 = arith.constant 0 : i32
    %dma_start3A_451 = arith.constant 0 : i32
    %dma_start3A_452 = tpu.memref_slice %arg7[%dma_start3A_450, %dma_start3A_451] : memref<1000x128xf32, #tpu.memory_space<vmem_shared>> -> memref<1000x128xf32, #tpu.memory_space<vmem_shared>>
    tpu.enqueue_indirect_dma source(%dma_start3A_452 : memref<1000x128xf32, #tpu.memory_space<vmem_shared>>) target(%dma_start3A_442 : memref<80x128xf32, #tpu.memory_space<vmem>>) offsets(%dma_start3A_449 : memref<80xi32, #tpu.memory_space<vmem>>) semaphore(%arg9 : memref<!tpu.dma_semaphore, #tpu.memory_space<semaphore_mem>>)
    %dma_wait3A_453 = arith.constant 0 : i32
    %dma_wait3A_454 = arith.constant 0 : i32
    %dma_wait3A_455 = arith.constant 0 : i32
    %dma_wait3A_456 = tpu.memref_slice %arg6[%dma_wait3A_453, %dma_wait3A_454, %dma_wait3A_455] : memref<8x80x128xf32, #tpu.memory_space<vmem>> -> memref<1x80x128xf32, #tpu.memory_space<vmem>>
    %dma_wait3A_457 = tpu.memref_squeeze %dma_wait3A_456 : memref<1x80x128xf32, #tpu.memory_space<vmem>> -> memref<80x128xf32, #tpu.memory_space<vmem>>
    %dma_wait3A_458 = arith.constant 0 : i32
    %dma_wait3A_459 = arith.constant 0 : i32
    %dma_wait3A_460 = tpu.memref_slice %arg4[%dma_wait3A_458, %dma_wait3A_459] : memref<3276800x128xf32, #tpu.memory_space<hbm>> -> memref<80x128xf32, #tpu.memory_space<hbm>>
    %dma_wait3A_461 = arith.constant 0 : i32
    %dma_wait3A_462 = arith.constant 0 : i32
    %dma_wait3A_463 = tpu.memref_slice %arg6[%dma_wait3A_453, %dma_wait3A_461, %dma_wait3A_462] : memref<8x80x128xf32, #tpu.memory_space<vmem>> -> memref<1x80x128xf32, #tpu.memory_space<vmem>>
    %dma_wait3A_464 = tpu.memref_squeeze %dma_wait3A_463 : memref<1x80x128xf32, #tpu.memory_space<vmem>> -> memref<80x128xf32, #tpu.memory_space<vmem>>
    %dma_wait3A_465 = arith.constant 0 : i32
    %dma_wait3A_466 = arith.constant 0 : i32
    %dma_wait3A_467 = tpu.memref_slice %arg4[%dma_wait3A_465, %dma_wait3A_466] : memref<3276800x128xf32, #tpu.memory_space<hbm>> -> memref<80x128xf32, #tpu.memory_space<hbm>>
    tpu.wait_dma2 semaphore(%arg9 : memref<!tpu.dma_semaphore, #tpu.memory_space<semaphore_mem>>) src(%dma_wait3A_467 : memref<80x128xf32, #tpu.memory_space<hbm>>) dst(%dma_wait3A_464 : memref<80x128xf32, #tpu.memory_space<vmem>>)
    %add3A_468 = arith.constant 6 : i32
    %add3A_469 = arith.addi %mul3A_2, %add3A_468 : i32
    %mul3A_470 = arith.constant 80 : i32
    %mul3A_471 = arith.muli %add3A_469, %mul3A_470 : i32
    %dma_start3A_472 = arith.constant 6 : i32
    %dma_start3A_473 = arith.constant 0 : i32
    %dma_start3A_474 = arith.constant 0 : i32
    %dma_start3A_475 = tpu.memref_slice %arg6[%dma_start3A_472, %dma_start3A_473, %dma_start3A_474] : memref<8x80x128xf32, #tpu.memory_space<vmem>> -> memref<1x80x128xf32, #tpu.memory_space<vmem>>
    %dma_start3A_476 = tpu.memref_squeeze %dma_start3A_475 : memref<1x80x128xf32, #tpu.memory_space<vmem>> -> memref<80x128xf32, #tpu.memory_space<vmem>>
    %dma_start3A_477 = arith.constant 0 : i32
    %dma_start3A_478 = tpu.memref_slice %arg4[%mul3A_471, %dma_start3A_477] : memref<3276800x128xf32, #tpu.memory_space<hbm>> -> memref<80x128xf32, #tpu.memory_space<hbm>>
    %dma_start3A_479 = arith.constant 0 : i32
    %dma_start3A_480 = tpu.memref_slice %arg4[%mul3A_471, %dma_start3A_479] : memref<3276800x128xf32, #tpu.memory_space<hbm>> -> memref<80x128xf32, #tpu.memory_space<hbm>>
    %dma_start3A_481 = arith.constant 0 : i32
    %dma_start3A_482 = arith.constant 0 : i32
    %dma_start3A_483 = tpu.memref_slice %arg6[%dma_start3A_472, %dma_start3A_481, %dma_start3A_482] : memref<8x80x128xf32, #tpu.memory_space<vmem>> -> memref<1x80x128xf32, #tpu.memory_space<vmem>>
    %dma_start3A_484 = tpu.memref_squeeze %dma_start3A_483 : memref<1x80x128xf32, #tpu.memory_space<vmem>> -> memref<80x128xf32, #tpu.memory_space<vmem>>
    tpu.enqueue_dma source(%dma_start3A_484 : memref<80x128xf32, #tpu.memory_space<vmem>>) target(%dma_start3A_480 : memref<80x128xf32, #tpu.memory_space<hbm>>) target_semaphore(%arg10 : memref<!tpu.dma_semaphore, #tpu.memory_space<semaphore_mem>>)
    %dma_wait3A_485 = arith.constant 0 : i32
    %dma_wait3A_486 = arith.constant 0 : i32
    %dma_wait3A_487 = arith.constant 0 : i32
    %dma_wait3A_488 = tpu.memref_slice %arg6[%dma_wait3A_485, %dma_wait3A_486, %dma_wait3A_487] : memref<8x80x128xf32, #tpu.memory_space<vmem>> -> memref<1x80x128xf32, #tpu.memory_space<vmem>>
    %dma_wait3A_489 = tpu.memref_squeeze %dma_wait3A_488 : memref<1x80x128xf32, #tpu.memory_space<vmem>> -> memref<80x128xf32, #tpu.memory_space<vmem>>
    %dma_wait3A_490 = arith.constant 0 : i32
    %dma_wait3A_491 = arith.constant 0 : i32
    %dma_wait3A_492 = tpu.memref_slice %arg4[%dma_wait3A_490, %dma_wait3A_491] : memref<3276800x128xf32, #tpu.memory_space<hbm>> -> memref<80x128xf32, #tpu.memory_space<hbm>>
    %dma_wait3A_493 = arith.constant 0 : i32
    %dma_wait3A_494 = arith.constant 0 : i32
    %dma_wait3A_495 = tpu.memref_slice %arg4[%dma_wait3A_493, %dma_wait3A_494] : memref<3276800x128xf32, #tpu.memory_space<hbm>> -> memref<80x128xf32, #tpu.memory_space<hbm>>
    %dma_wait3A_496 = arith.constant 0 : i32
    %dma_wait3A_497 = arith.constant 0 : i32
    %dma_wait3A_498 = tpu.memref_slice %arg6[%dma_wait3A_485, %dma_wait3A_496, %dma_wait3A_497] : memref<8x80x128xf32, #tpu.memory_space<vmem>> -> memref<1x80x128xf32, #tpu.memory_space<vmem>>
    %dma_wait3A_499 = tpu.memref_squeeze %dma_wait3A_498 : memref<1x80x128xf32, #tpu.memory_space<vmem>> -> memref<80x128xf32, #tpu.memory_space<vmem>>
    tpu.wait_dma2 semaphore(%arg10 : memref<!tpu.dma_semaphore, #tpu.memory_space<semaphore_mem>>) src(%dma_wait3A_499 : memref<80x128xf32, #tpu.memory_space<vmem>>) dst(%dma_wait3A_495 : memref<80x128xf32, #tpu.memory_space<hbm>>)
    %dma_start3A_500 = arith.constant 1 : i32
    %dma_start3A_501 = arith.constant 2 : i32
    %dma_start3A_502 = arith.constant 2 : i32
    %dma_start3A_503 = arith.constant 0 : i32
    %dma_start3A_504 = arith.constant 0 : i32
    %dma_start3A_505 = tpu.memref_slice %arg6[%dma_start3A_502, %dma_start3A_503, %dma_start3A_504] : memref<8x80x128xf32, #tpu.memory_space<vmem>> -> memref<1x80x128xf32, #tpu.memory_space<vmem>>
    %dma_start3A_506 = tpu.memref_squeeze %dma_start3A_505 : memref<1x80x128xf32, #tpu.memory_space<vmem>> -> memref<80x128xf32, #tpu.memory_space<vmem>>
    %dma_start3A_507 = arith.constant 0 : i32
    %dma_start3A_508 = arith.constant 0 : i32
    %dma_start3A_509 = tpu.memref_slice %arg5[%dma_start3A_500, %dma_start3A_507, %dma_start3A_508] : memref<2x8x80xi32, #tpu.memory_space<vmem>> -> memref<1x8x80xi32, #tpu.memory_space<vmem>>
    %dma_start3A_510 = tpu.memref_squeeze %dma_start3A_509 : memref<1x8x80xi32, #tpu.memory_space<vmem>> -> memref<8x80xi32, #tpu.memory_space<vmem>>
    %dma_start3A_511 = arith.constant 0 : i32
    %dma_start3A_512 = tpu.memref_slice %dma_start3A_510[%dma_start3A_501, %dma_start3A_511] : memref<8x80xi32, #tpu.memory_space<vmem>> -> memref<1x80xi32, #tpu.memory_space<vmem>>
    %dma_start3A_513 = tpu.memref_squeeze %dma_start3A_512 : memref<1x80xi32, #tpu.memory_space<vmem>> -> memref<80xi32, #tpu.memory_space<vmem>>
    %dma_start3A_514 = arith.constant 0 : i32
    %dma_start3A_515 = arith.constant 0 : i32
    %dma_start3A_516 = tpu.memref_slice %arg7[%dma_start3A_514, %dma_start3A_515] : memref<1000x128xf32, #tpu.memory_space<vmem_shared>> -> memref<1000x128xf32, #tpu.memory_space<vmem_shared>>
    tpu.enqueue_indirect_dma source(%dma_start3A_516 : memref<1000x128xf32, #tpu.memory_space<vmem_shared>>) target(%dma_start3A_506 : memref<80x128xf32, #tpu.memory_space<vmem>>) offsets(%dma_start3A_513 : memref<80xi32, #tpu.memory_space<vmem>>) semaphore(%arg9 : memref<!tpu.dma_semaphore, #tpu.memory_space<semaphore_mem>>)
    %dma_wait3A_517 = arith.constant 0 : i32
    %dma_wait3A_518 = arith.constant 0 : i32
    %dma_wait3A_519 = arith.constant 0 : i32
    %dma_wait3A_520 = tpu.memref_slice %arg6[%dma_wait3A_517, %dma_wait3A_518, %dma_wait3A_519] : memref<8x80x128xf32, #tpu.memory_space<vmem>> -> memref<1x80x128xf32, #tpu.memory_space<vmem>>
    %dma_wait3A_521 = tpu.memref_squeeze %dma_wait3A_520 : memref<1x80x128xf32, #tpu.memory_space<vmem>> -> memref<80x128xf32, #tpu.memory_space<vmem>>
    %dma_wait3A_522 = arith.constant 0 : i32
    %dma_wait3A_523 = arith.constant 0 : i32
    %dma_wait3A_524 = tpu.memref_slice %arg4[%dma_wait3A_522, %dma_wait3A_523] : memref<3276800x128xf32, #tpu.memory_space<hbm>> -> memref<80x128xf32, #tpu.memory_space<hbm>>
    %dma_wait3A_525 = arith.constant 0 : i32
    %dma_wait3A_526 = arith.constant 0 : i32
    %dma_wait3A_527 = tpu.memref_slice %arg6[%dma_wait3A_517, %dma_wait3A_525, %dma_wait3A_526] : memref<8x80x128xf32, #tpu.memory_space<vmem>> -> memref<1x80x128xf32, #tpu.memory_space<vmem>>
    %dma_wait3A_528 = tpu.memref_squeeze %dma_wait3A_527 : memref<1x80x128xf32, #tpu.memory_space<vmem>> -> memref<80x128xf32, #tpu.memory_space<vmem>>
    %dma_wait3A_529 = arith.constant 0 : i32
    %dma_wait3A_530 = arith.constant 0 : i32
    %dma_wait3A_531 = tpu.memref_slice %arg4[%dma_wait3A_529, %dma_wait3A_530] : memref<3276800x128xf32, #tpu.memory_space<hbm>> -> memref<80x128xf32, #tpu.memory_space<hbm>>
    tpu.wait_dma2 semaphore(%arg9 : memref<!tpu.dma_semaphore, #tpu.memory_space<semaphore_mem>>) src(%dma_wait3A_531 : memref<80x128xf32, #tpu.memory_space<hbm>>) dst(%dma_wait3A_528 : memref<80x128xf32, #tpu.memory_space<vmem>>)
    %add3A_532 = arith.constant 7 : i32
    %add3A_533 = arith.addi %mul3A_2, %add3A_532 : i32
    %mul3A_534 = arith.constant 80 : i32
    %mul3A_535 = arith.muli %add3A_533, %mul3A_534 : i32
    %dma_start3A_536 = arith.constant 7 : i32
    %dma_start3A_537 = arith.constant 0 : i32
    %dma_start3A_538 = arith.constant 0 : i32
    %dma_start3A_539 = tpu.memref_slice %arg6[%dma_start3A_536, %dma_start3A_537, %dma_start3A_538] : memref<8x80x128xf32, #tpu.memory_space<vmem>> -> memref<1x80x128xf32, #tpu.memory_space<vmem>>
    %dma_start3A_540 = tpu.memref_squeeze %dma_start3A_539 : memref<1x80x128xf32, #tpu.memory_space<vmem>> -> memref<80x128xf32, #tpu.memory_space<vmem>>
    %dma_start3A_541 = arith.constant 0 : i32
    %dma_start3A_542 = tpu.memref_slice %arg4[%mul3A_535, %dma_start3A_541] : memref<3276800x128xf32, #tpu.memory_space<hbm>> -> memref<80x128xf32, #tpu.memory_space<hbm>>
    %dma_start3A_543 = arith.constant 0 : i32
    %dma_start3A_544 = tpu.memref_slice %arg4[%mul3A_535, %dma_start3A_543] : memref<3276800x128xf32, #tpu.memory_space<hbm>> -> memref<80x128xf32, #tpu.memory_space<hbm>>
    %dma_start3A_545 = arith.constant 0 : i32
    %dma_start3A_546 = arith.constant 0 : i32
    %dma_start3A_547 = tpu.memref_slice %arg6[%dma_start3A_536, %dma_start3A_545, %dma_start3A_546] : memref<8x80x128xf32, #tpu.memory_space<vmem>> -> memref<1x80x128xf32, #tpu.memory_space<vmem>>
    %dma_start3A_548 = tpu.memref_squeeze %dma_start3A_547 : memref<1x80x128xf32, #tpu.memory_space<vmem>> -> memref<80x128xf32, #tpu.memory_space<vmem>>
    tpu.enqueue_dma source(%dma_start3A_548 : memref<80x128xf32, #tpu.memory_space<vmem>>) target(%dma_start3A_544 : memref<80x128xf32, #tpu.memory_space<hbm>>) target_semaphore(%arg10 : memref<!tpu.dma_semaphore, #tpu.memory_space<semaphore_mem>>)
    %dma_wait3A_549 = arith.constant 0 : i32
    %dma_wait3A_550 = arith.constant 0 : i32
    %dma_wait3A_551 = arith.constant 0 : i32
    %dma_wait3A_552 = tpu.memref_slice %arg6[%dma_wait3A_549, %dma_wait3A_550, %dma_wait3A_551] : memref<8x80x128xf32, #tpu.memory_space<vmem>> -> memref<1x80x128xf32, #tpu.memory_space<vmem>>
    %dma_wait3A_553 = tpu.memref_squeeze %dma_wait3A_552 : memref<1x80x128xf32, #tpu.memory_space<vmem>> -> memref<80x128xf32, #tpu.memory_space<vmem>>
    %dma_wait3A_554 = arith.constant 0 : i32
    %dma_wait3A_555 = arith.constant 0 : i32
    %dma_wait3A_556 = tpu.memref_slice %arg4[%dma_wait3A_554, %dma_wait3A_555] : memref<3276800x128xf32, #tpu.memory_space<hbm>> -> memref<80x128xf32, #tpu.memory_space<hbm>>
    %dma_wait3A_557 = arith.constant 0 : i32
    %dma_wait3A_558 = arith.constant 0 : i32
    %dma_wait3A_559 = tpu.memref_slice %arg4[%dma_wait3A_557, %dma_wait3A_558] : memref<3276800x128xf32, #tpu.memory_space<hbm>> -> memref<80x128xf32, #tpu.memory_space<hbm>>
    %dma_wait3A_560 = arith.constant 0 : i32
    %dma_wait3A_561 = arith.constant 0 : i32
    %dma_wait3A_562 = tpu.memref_slice %arg6[%dma_wait3A_549, %dma_wait3A_560, %dma_wait3A_561] : memref<8x80x128xf32, #tpu.memory_space<vmem>> -> memref<1x80x128xf32, #tpu.memory_space<vmem>>
    %dma_wait3A_563 = tpu.memref_squeeze %dma_wait3A_562 : memref<1x80x128xf32, #tpu.memory_space<vmem>> -> memref<80x128xf32, #tpu.memory_space<vmem>>
    tpu.wait_dma2 semaphore(%arg10 : memref<!tpu.dma_semaphore, #tpu.memory_space<semaphore_mem>>) src(%dma_wait3A_563 : memref<80x128xf32, #tpu.memory_space<vmem>>) dst(%dma_wait3A_559 : memref<80x128xf32, #tpu.memory_space<hbm>>)
    %dma_start3A_564 = arith.constant 1 : i32
    %dma_start3A_565 = arith.constant 3 : i32
    %dma_start3A_566 = arith.constant 3 : i32
    %dma_start3A_567 = arith.constant 0 : i32
    %dma_start3A_568 = arith.constant 0 : i32
    %dma_start3A_569 = tpu.memref_slice %arg6[%dma_start3A_566, %dma_start3A_567, %dma_start3A_568] : memref<8x80x128xf32, #tpu.memory_space<vmem>> -> memref<1x80x128xf32, #tpu.memory_space<vmem>>
    %dma_start3A_570 = tpu.memref_squeeze %dma_start3A_569 : memref<1x80x128xf32, #tpu.memory_space<vmem>> -> memref<80x128xf32, #tpu.memory_space<vmem>>
    %dma_start3A_571 = arith.constant 0 : i32
    %dma_start3A_572 = arith.constant 0 : i32
    %dma_start3A_573 = tpu.memref_slice %arg5[%dma_start3A_564, %dma_start3A_571, %dma_start3A_572] : memref<2x8x80xi32, #tpu.memory_space<vmem>> -> memref<1x8x80xi32, #tpu.memory_space<vmem>>
    %dma_start3A_574 = tpu.memref_squeeze %dma_start3A_573 : memref<1x8x80xi32, #tpu.memory_space<vmem>> -> memref<8x80xi32, #tpu.memory_space<vmem>>
    %dma_start3A_575 = arith.constant 0 : i32
    %dma_start3A_576 = tpu.memref_slice %dma_start3A_574[%dma_start3A_565, %dma_start3A_575] : memref<8x80xi32, #tpu.memory_space<vmem>> -> memref<1x80xi32, #tpu.memory_space<vmem>>
    %dma_start3A_577 = tpu.memref_squeeze %dma_start3A_576 : memref<1x80xi32, #tpu.memory_space<vmem>> -> memref<80xi32, #tpu.memory_space<vmem>>
    %dma_start3A_578 = arith.constant 0 : i32
    %dma_start3A_579 = arith.constant 0 : i32
    %dma_start3A_580 = tpu.memref_slice %arg7[%dma_start3A_578, %dma_start3A_579] : memref<1000x128xf32, #tpu.memory_space<vmem_shared>> -> memref<1000x128xf32, #tpu.memory_space<vmem_shared>>
    tpu.enqueue_indirect_dma source(%dma_start3A_580 : memref<1000x128xf32, #tpu.memory_space<vmem_shared>>) target(%dma_start3A_570 : memref<80x128xf32, #tpu.memory_space<vmem>>) offsets(%dma_start3A_577 : memref<80xi32, #tpu.memory_space<vmem>>) semaphore(%arg9 : memref<!tpu.dma_semaphore, #tpu.memory_space<semaphore_mem>>)
    %add3A_581 = arith.constant 16 : i32
    %add3A_582 = arith.addi %mul3A_2, %add3A_581 : i32
    %dma_start3A_583 = arith.constant 0 : i32
    %dma_start3A_584 = arith.constant 0 : i32
    %dma_start3A_585 = arith.constant 0 : i32
    %dma_start3A_586 = tpu.memref_slice %arg5[%dma_start3A_583, %dma_start3A_584, %dma_start3A_585] : memref<2x8x80xi32, #tpu.memory_space<vmem>> -> memref<1x8x80xi32, #tpu.memory_space<vmem>>
    %dma_start3A_587 = tpu.memref_squeeze %dma_start3A_586 : memref<1x8x80xi32, #tpu.memory_space<vmem>> -> memref<8x80xi32, #tpu.memory_space<vmem>>
    %dma_start3A_588 = arith.constant 0 : i32
    %dma_start3A_589 = tpu.memref_slice %arg2[%add3A_582, %dma_start3A_588] : memref<40960x80xi32, #tpu.memory_space<hbm>> -> memref<8x80xi32, #tpu.memory_space<hbm>>
    %dma_start3A_590 = arith.constant 0 : i32
    %dma_start3A_591 = arith.constant 0 : i32
    %dma_start3A_592 = tpu.memref_slice %arg5[%dma_start3A_583, %dma_start3A_590, %dma_start3A_591] : memref<2x8x80xi32, #tpu.memory_space<vmem>> -> memref<1x8x80xi32, #tpu.memory_space<vmem>>
    %dma_start3A_593 = tpu.memref_squeeze %dma_start3A_592 : memref<1x8x80xi32, #tpu.memory_space<vmem>> -> memref<8x80xi32, #tpu.memory_space<vmem>>
    %dma_start3A_594 = arith.constant 0 : i32
    %dma_start3A_595 = tpu.memref_slice %arg2[%add3A_582, %dma_start3A_594] : memref<40960x80xi32, #tpu.memory_space<hbm>> -> memref<8x80xi32, #tpu.memory_space<hbm>>
    tpu.enqueue_dma source(%dma_start3A_595 : memref<8x80xi32, #tpu.memory_space<hbm>>) target(%dma_start3A_593 : memref<8x80xi32, #tpu.memory_space<vmem>>) target_semaphore(%arg8 : memref<!tpu.dma_semaphore, #tpu.memory_space<semaphore_mem>>)
    %scan3A = arith.constant 0 : i32
    %scan3A_596 = arith.constant 0 : i32
    %scan3A_597 = arith.constant 79 : i32
    %scan3A_598 = arith.addi %scan3A_596, %scan3A_597 : i32
    %scan3A_599 = arith.constant 1 : i32
    scf.for %scan3A_1122 = %scan3A_596 to %scan3A_598 step %scan3A_599  : i32 {
      %mul3A_1123 = arith.constant 2 : i32
      %mul3A_1124 = arith.muli %mul3A_1123, %scan3A_1122 : i32
      %add3A_1125 = arith.constant 1 : i32
      %add3A_1126 = arith.addi %add3A_1125, %mul3A_1124 : i32
      %mul3A_1127 = arith.constant 8 : i32
      %mul3A_1128 = arith.muli %add3A_1126, %mul3A_1127 : i32
      %add3A_1129 = arith.addi %mul3A_2, %mul3A_1128 : i32
      %dma_wait3A_1130 = arith.constant 0 : i32
      %dma_wait3A_1131 = arith.constant 0 : i32
      %dma_wait3A_1132 = arith.constant 0 : i32
      %dma_wait3A_1133 = tpu.memref_slice %arg6[%dma_wait3A_1130, %dma_wait3A_1131, %dma_wait3A_1132] : memref<8x80x128xf32, #tpu.memory_space<vmem>> -> memref<1x80x128xf32, #tpu.memory_space<vmem>>
      %dma_wait3A_1134 = tpu.memref_squeeze %dma_wait3A_1133 : memref<1x80x128xf32, #tpu.memory_space<vmem>> -> memref<80x128xf32, #tpu.memory_space<vmem>>
      %dma_wait3A_1135 = arith.constant 0 : i32
      %dma_wait3A_1136 = arith.constant 0 : i32
      %dma_wait3A_1137 = tpu.memref_slice %arg4[%dma_wait3A_1135, %dma_wait3A_1136] : memref<3276800x128xf32, #tpu.memory_space<hbm>> -> memref<80x128xf32, #tpu.memory_space<hbm>>
      %dma_wait3A_1138 = arith.constant 0 : i32
      %dma_wait3A_1139 = arith.constant 0 : i32
      %dma_wait3A_1140 = tpu.memref_slice %arg6[%dma_wait3A_1130, %dma_wait3A_1138, %dma_wait3A_1139] : memref<8x80x128xf32, #tpu.memory_space<vmem>> -> memref<1x80x128xf32, #tpu.memory_space<vmem>>
      %dma_wait3A_1141 = tpu.memref_squeeze %dma_wait3A_1140 : memref<1x80x128xf32, #tpu.memory_space<vmem>> -> memref<80x128xf32, #tpu.memory_space<vmem>>
      %dma_wait3A_1142 = arith.constant 0 : i32
      %dma_wait3A_1143 = arith.constant 0 : i32
      %dma_wait3A_1144 = tpu.memref_slice %arg4[%dma_wait3A_1142, %dma_wait3A_1143] : memref<3276800x128xf32, #tpu.memory_space<hbm>> -> memref<80x128xf32, #tpu.memory_space<hbm>>
      tpu.wait_dma2 semaphore(%arg9 : memref<!tpu.dma_semaphore, #tpu.memory_space<semaphore_mem>>) src(%dma_wait3A_1144 : memref<80x128xf32, #tpu.memory_space<hbm>>) dst(%dma_wait3A_1141 : memref<80x128xf32, #tpu.memory_space<vmem>>)
      %add3A_1145 = arith.constant 0 : i32
      %add3A_1146 = arith.addi %add3A_1129, %add3A_1145 : i32
      %mul3A_1147 = arith.constant 80 : i32
      %mul3A_1148 = arith.muli %add3A_1146, %mul3A_1147 : i32
      %dma_start3A_1149 = arith.constant 0 : i32
      %dma_start3A_1150 = arith.constant 0 : i32
      %dma_start3A_1151 = arith.constant 0 : i32
      %dma_start3A_1152 = tpu.memref_slice %arg6[%dma_start3A_1149, %dma_start3A_1150, %dma_start3A_1151] : memref<8x80x128xf32, #tpu.memory_space<vmem>> -> memref<1x80x128xf32, #tpu.memory_space<vmem>>
      %dma_start3A_1153 = tpu.memref_squeeze %dma_start3A_1152 : memref<1x80x128xf32, #tpu.memory_space<vmem>> -> memref<80x128xf32, #tpu.memory_space<vmem>>
      %dma_start3A_1154 = arith.constant 0 : i32
      %dma_start3A_1155 = tpu.memref_slice %arg4[%mul3A_1148, %dma_start3A_1154] : memref<3276800x128xf32, #tpu.memory_space<hbm>> -> memref<80x128xf32, #tpu.memory_space<hbm>>
      %dma_start3A_1156 = arith.constant 0 : i32
      %dma_start3A_1157 = tpu.memref_slice %arg4[%mul3A_1148, %dma_start3A_1156] : memref<3276800x128xf32, #tpu.memory_space<hbm>> -> memref<80x128xf32, #tpu.memory_space<hbm>>
      %dma_start3A_1158 = arith.constant 0 : i32
      %dma_start3A_1159 = arith.constant 0 : i32
      %dma_start3A_1160 = tpu.memref_slice %arg6[%dma_start3A_1149, %dma_start3A_1158, %dma_start3A_1159] : memref<8x80x128xf32, #tpu.memory_space<vmem>> -> memref<1x80x128xf32, #tpu.memory_space<vmem>>
      %dma_start3A_1161 = tpu.memref_squeeze %dma_start3A_1160 : memref<1x80x128xf32, #tpu.memory_space<vmem>> -> memref<80x128xf32, #tpu.memory_space<vmem>>
      tpu.enqueue_dma source(%dma_start3A_1161 : memref<80x128xf32, #tpu.memory_space<vmem>>) target(%dma_start3A_1157 : memref<80x128xf32, #tpu.memory_space<hbm>>) target_semaphore(%arg10 : memref<!tpu.dma_semaphore, #tpu.memory_space<semaphore_mem>>)
      %dma_wait3A_1162 = arith.constant 0 : i32
      %dma_wait3A_1163 = arith.constant 0 : i32
      %dma_wait3A_1164 = arith.constant 0 : i32
      %dma_wait3A_1165 = tpu.memref_slice %arg6[%dma_wait3A_1162, %dma_wait3A_1163, %dma_wait3A_1164] : memref<8x80x128xf32, #tpu.memory_space<vmem>> -> memref<1x80x128xf32, #tpu.memory_space<vmem>>
      %dma_wait3A_1166 = tpu.memref_squeeze %dma_wait3A_1165 : memref<1x80x128xf32, #tpu.memory_space<vmem>> -> memref<80x128xf32, #tpu.memory_space<vmem>>
      %dma_wait3A_1167 = arith.constant 0 : i32
      %dma_wait3A_1168 = arith.constant 0 : i32
      %dma_wait3A_1169 = tpu.memref_slice %arg4[%dma_wait3A_1167, %dma_wait3A_1168] : memref<3276800x128xf32, #tpu.memory_space<hbm>> -> memref<80x128xf32, #tpu.memory_space<hbm>>
      %dma_wait3A_1170 = arith.constant 0 : i32
      %dma_wait3A_1171 = arith.constant 0 : i32
      %dma_wait3A_1172 = tpu.memref_slice %arg4[%dma_wait3A_1170, %dma_wait3A_1171] : memref<3276800x128xf32, #tpu.memory_space<hbm>> -> memref<80x128xf32, #tpu.memory_space<hbm>>
      %dma_wait3A_1173 = arith.constant 0 : i32
      %dma_wait3A_1174 = arith.constant 0 : i32
      %dma_wait3A_1175 = tpu.memref_slice %arg6[%dma_wait3A_1162, %dma_wait3A_1173, %dma_wait3A_1174] : memref<8x80x128xf32, #tpu.memory_space<vmem>> -> memref<1x80x128xf32, #tpu.memory_space<vmem>>
      %dma_wait3A_1176 = tpu.memref_squeeze %dma_wait3A_1175 : memref<1x80x128xf32, #tpu.memory_space<vmem>> -> memref<80x128xf32, #tpu.memory_space<vmem>>
      tpu.wait_dma2 semaphore(%arg10 : memref<!tpu.dma_semaphore, #tpu.memory_space<semaphore_mem>>) src(%dma_wait3A_1176 : memref<80x128xf32, #tpu.memory_space<vmem>>) dst(%dma_wait3A_1172 : memref<80x128xf32, #tpu.memory_space<hbm>>)
      %dma_start3A_1177 = arith.constant 1 : i32
      %dma_start3A_1178 = arith.constant 4 : i32
      %dma_start3A_1179 = arith.constant 4 : i32
      %dma_start3A_1180 = arith.constant 0 : i32
      %dma_start3A_1181 = arith.constant 0 : i32
      %dma_start3A_1182 = tpu.memref_slice %arg6[%dma_start3A_1179, %dma_start3A_1180, %dma_start3A_1181] : memref<8x80x128xf32, #tpu.memory_space<vmem>> -> memref<1x80x128xf32, #tpu.memory_space<vmem>>
      %dma_start3A_1183 = tpu.memref_squeeze %dma_start3A_1182 : memref<1x80x128xf32, #tpu.memory_space<vmem>> -> memref<80x128xf32, #tpu.memory_space<vmem>>
      %dma_start3A_1184 = arith.constant 0 : i32
      %dma_start3A_1185 = arith.constant 0 : i32
      %dma_start3A_1186 = tpu.memref_slice %arg5[%dma_start3A_1177, %dma_start3A_1184, %dma_start3A_1185] : memref<2x8x80xi32, #tpu.memory_space<vmem>> -> memref<1x8x80xi32, #tpu.memory_space<vmem>>
      %dma_start3A_1187 = tpu.memref_squeeze %dma_start3A_1186 : memref<1x8x80xi32, #tpu.memory_space<vmem>> -> memref<8x80xi32, #tpu.memory_space<vmem>>
      %dma_start3A_1188 = arith.constant 0 : i32
      %dma_start3A_1189 = tpu.memref_slice %dma_start3A_1187[%dma_start3A_1178, %dma_start3A_1188] : memref<8x80xi32, #tpu.memory_space<vmem>> -> memref<1x80xi32, #tpu.memory_space<vmem>>
      %dma_start3A_1190 = tpu.memref_squeeze %dma_start3A_1189 : memref<1x80xi32, #tpu.memory_space<vmem>> -> memref<80xi32, #tpu.memory_space<vmem>>
      %dma_start3A_1191 = arith.constant 0 : i32
      %dma_start3A_1192 = arith.constant 0 : i32
      %dma_start3A_1193 = tpu.memref_slice %arg7[%dma_start3A_1191, %dma_start3A_1192] : memref<1000x128xf32, #tpu.memory_space<vmem_shared>> -> memref<1000x128xf32, #tpu.memory_space<vmem_shared>>
      tpu.enqueue_indirect_dma source(%dma_start3A_1193 : memref<1000x128xf32, #tpu.memory_space<vmem_shared>>) target(%dma_start3A_1183 : memref<80x128xf32, #tpu.memory_space<vmem>>) offsets(%dma_start3A_1190 : memref<80xi32, #tpu.memory_space<vmem>>) semaphore(%arg9 : memref<!tpu.dma_semaphore, #tpu.memory_space<semaphore_mem>>)
      %dma_wait3A_1194 = arith.constant 0 : i32
      %dma_wait3A_1195 = arith.constant 0 : i32
      %dma_wait3A_1196 = arith.constant 0 : i32
      %dma_wait3A_1197 = tpu.memref_slice %arg6[%dma_wait3A_1194, %dma_wait3A_1195, %dma_wait3A_1196] : memref<8x80x128xf32, #tpu.memory_space<vmem>> -> memref<1x80x128xf32, #tpu.memory_space<vmem>>
      %dma_wait3A_1198 = tpu.memref_squeeze %dma_wait3A_1197 : memref<1x80x128xf32, #tpu.memory_space<vmem>> -> memref<80x128xf32, #tpu.memory_space<vmem>>
      %dma_wait3A_1199 = arith.constant 0 : i32
      %dma_wait3A_1200 = arith.constant 0 : i32
      %dma_wait3A_1201 = tpu.memref_slice %arg4[%dma_wait3A_1199, %dma_wait3A_1200] : memref<3276800x128xf32, #tpu.memory_space<hbm>> -> memref<80x128xf32, #tpu.memory_space<hbm>>
      %dma_wait3A_1202 = arith.constant 0 : i32
      %dma_wait3A_1203 = arith.constant 0 : i32
      %dma_wait3A_1204 = tpu.memref_slice %arg6[%dma_wait3A_1194, %dma_wait3A_1202, %dma_wait3A_1203] : memref<8x80x128xf32, #tpu.memory_space<vmem>> -> memref<1x80x128xf32, #tpu.memory_space<vmem>>
      %dma_wait3A_1205 = tpu.memref_squeeze %dma_wait3A_1204 : memref<1x80x128xf32, #tpu.memory_space<vmem>> -> memref<80x128xf32, #tpu.memory_space<vmem>>
      %dma_wait3A_1206 = arith.constant 0 : i32
      %dma_wait3A_1207 = arith.constant 0 : i32
      %dma_wait3A_1208 = tpu.memref_slice %arg4[%dma_wait3A_1206, %dma_wait3A_1207] : memref<3276800x128xf32, #tpu.memory_space<hbm>> -> memref<80x128xf32, #tpu.memory_space<hbm>>
      tpu.wait_dma2 semaphore(%arg9 : memref<!tpu.dma_semaphore, #tpu.memory_space<semaphore_mem>>) src(%dma_wait3A_1208 : memref<80x128xf32, #tpu.memory_space<hbm>>) dst(%dma_wait3A_1205 : memref<80x128xf32, #tpu.memory_space<vmem>>)
      %add3A_1209 = arith.constant 1 : i32
      %add3A_1210 = arith.addi %add3A_1129, %add3A_1209 : i32
      %mul3A_1211 = arith.constant 80 : i32
      %mul3A_1212 = arith.muli %add3A_1210, %mul3A_1211 : i32
      %dma_start3A_1213 = arith.constant 1 : i32
      %dma_start3A_1214 = arith.constant 0 : i32
      %dma_start3A_1215 = arith.constant 0 : i32
      %dma_start3A_1216 = tpu.memref_slice %arg6[%dma_start3A_1213, %dma_start3A_1214, %dma_start3A_1215] : memref<8x80x128xf32, #tpu.memory_space<vmem>> -> memref<1x80x128xf32, #tpu.memory_space<vmem>>
      %dma_start3A_1217 = tpu.memref_squeeze %dma_start3A_1216 : memref<1x80x128xf32, #tpu.memory_space<vmem>> -> memref<80x128xf32, #tpu.memory_space<vmem>>
      %dma_start3A_1218 = arith.constant 0 : i32
      %dma_start3A_1219 = tpu.memref_slice %arg4[%mul3A_1212, %dma_start3A_1218] : memref<3276800x128xf32, #tpu.memory_space<hbm>> -> memref<80x128xf32, #tpu.memory_space<hbm>>
      %dma_start3A_1220 = arith.constant 0 : i32
      %dma_start3A_1221 = tpu.memref_slice %arg4[%mul3A_1212, %dma_start3A_1220] : memref<3276800x128xf32, #tpu.memory_space<hbm>> -> memref<80x128xf32, #tpu.memory_space<hbm>>
      %dma_start3A_1222 = arith.constant 0 : i32
      %dma_start3A_1223 = arith.constant 0 : i32
      %dma_start3A_1224 = tpu.memref_slice %arg6[%dma_start3A_1213, %dma_start3A_1222, %dma_start3A_1223] : memref<8x80x128xf32, #tpu.memory_space<vmem>> -> memref<1x80x128xf32, #tpu.memory_space<vmem>>
      %dma_start3A_1225 = tpu.memref_squeeze %dma_start3A_1224 : memref<1x80x128xf32, #tpu.memory_space<vmem>> -> memref<80x128xf32, #tpu.memory_space<vmem>>
      tpu.enqueue_dma source(%dma_start3A_1225 : memref<80x128xf32, #tpu.memory_space<vmem>>) target(%dma_start3A_1221 : memref<80x128xf32, #tpu.memory_space<hbm>>) target_semaphore(%arg10 : memref<!tpu.dma_semaphore, #tpu.memory_space<semaphore_mem>>)
      %dma_wait3A_1226 = arith.constant 0 : i32
      %dma_wait3A_1227 = arith.constant 0 : i32
      %dma_wait3A_1228 = arith.constant 0 : i32
      %dma_wait3A_1229 = tpu.memref_slice %arg6[%dma_wait3A_1226, %dma_wait3A_1227, %dma_wait3A_1228] : memref<8x80x128xf32, #tpu.memory_space<vmem>> -> memref<1x80x128xf32, #tpu.memory_space<vmem>>
      %dma_wait3A_1230 = tpu.memref_squeeze %dma_wait3A_1229 : memref<1x80x128xf32, #tpu.memory_space<vmem>> -> memref<80x128xf32, #tpu.memory_space<vmem>>
      %dma_wait3A_1231 = arith.constant 0 : i32
      %dma_wait3A_1232 = arith.constant 0 : i32
      %dma_wait3A_1233 = tpu.memref_slice %arg4[%dma_wait3A_1231, %dma_wait3A_1232] : memref<3276800x128xf32, #tpu.memory_space<hbm>> -> memref<80x128xf32, #tpu.memory_space<hbm>>
      %dma_wait3A_1234 = arith.constant 0 : i32
      %dma_wait3A_1235 = arith.constant 0 : i32
      %dma_wait3A_1236 = tpu.memref_slice %arg4[%dma_wait3A_1234, %dma_wait3A_1235] : memref<3276800x128xf32, #tpu.memory_space<hbm>> -> memref<80x128xf32, #tpu.memory_space<hbm>>
      %dma_wait3A_1237 = arith.constant 0 : i32
      %dma_wait3A_1238 = arith.constant 0 : i32
      %dma_wait3A_1239 = tpu.memref_slice %arg6[%dma_wait3A_1226, %dma_wait3A_1237, %dma_wait3A_1238] : memref<8x80x128xf32, #tpu.memory_space<vmem>> -> memref<1x80x128xf32, #tpu.memory_space<vmem>>
      %dma_wait3A_1240 = tpu.memref_squeeze %dma_wait3A_1239 : memref<1x80x128xf32, #tpu.memory_space<vmem>> -> memref<80x128xf32, #tpu.memory_space<vmem>>
      tpu.wait_dma2 semaphore(%arg10 : memref<!tpu.dma_semaphore, #tpu.memory_space<semaphore_mem>>) src(%dma_wait3A_1240 : memref<80x128xf32, #tpu.memory_space<vmem>>) dst(%dma_wait3A_1236 : memref<80x128xf32, #tpu.memory_space<hbm>>)
      %dma_start3A_1241 = arith.constant 1 : i32
      %dma_start3A_1242 = arith.constant 5 : i32
      %dma_start3A_1243 = arith.constant 5 : i32
      %dma_start3A_1244 = arith.constant 0 : i32
      %dma_start3A_1245 = arith.constant 0 : i32
      %dma_start3A_1246 = tpu.memref_slice %arg6[%dma_start3A_1243, %dma_start3A_1244, %dma_start3A_1245] : memref<8x80x128xf32, #tpu.memory_space<vmem>> -> memref<1x80x128xf32, #tpu.memory_space<vmem>>
      %dma_start3A_1247 = tpu.memref_squeeze %dma_start3A_1246 : memref<1x80x128xf32, #tpu.memory_space<vmem>> -> memref<80x128xf32, #tpu.memory_space<vmem>>
      %dma_start3A_1248 = arith.constant 0 : i32
      %dma_start3A_1249 = arith.constant 0 : i32
      %dma_start3A_1250 = tpu.memref_slice %arg5[%dma_start3A_1241, %dma_start3A_1248, %dma_start3A_1249] : memref<2x8x80xi32, #tpu.memory_space<vmem>> -> memref<1x8x80xi32, #tpu.memory_space<vmem>>
      %dma_start3A_1251 = tpu.memref_squeeze %dma_start3A_1250 : memref<1x8x80xi32, #tpu.memory_space<vmem>> -> memref<8x80xi32, #tpu.memory_space<vmem>>
      %dma_start3A_1252 = arith.constant 0 : i32
      %dma_start3A_1253 = tpu.memref_slice %dma_start3A_1251[%dma_start3A_1242, %dma_start3A_1252] : memref<8x80xi32, #tpu.memory_space<vmem>> -> memref<1x80xi32, #tpu.memory_space<vmem>>
      %dma_start3A_1254 = tpu.memref_squeeze %dma_start3A_1253 : memref<1x80xi32, #tpu.memory_space<vmem>> -> memref<80xi32, #tpu.memory_space<vmem>>
      %dma_start3A_1255 = arith.constant 0 : i32
      %dma_start3A_1256 = arith.constant 0 : i32
      %dma_start3A_1257 = tpu.memref_slice %arg7[%dma_start3A_1255, %dma_start3A_1256] : memref<1000x128xf32, #tpu.memory_space<vmem_shared>> -> memref<1000x128xf32, #tpu.memory_space<vmem_shared>>
      tpu.enqueue_indirect_dma source(%dma_start3A_1257 : memref<1000x128xf32, #tpu.memory_space<vmem_shared>>) target(%dma_start3A_1247 : memref<80x128xf32, #tpu.memory_space<vmem>>) offsets(%dma_start3A_1254 : memref<80xi32, #tpu.memory_space<vmem>>) semaphore(%arg9 : memref<!tpu.dma_semaphore, #tpu.memory_space<semaphore_mem>>)
      %dma_wait3A_1258 = arith.constant 0 : i32
      %dma_wait3A_1259 = arith.constant 0 : i32
      %dma_wait3A_1260 = arith.constant 0 : i32
      %dma_wait3A_1261 = tpu.memref_slice %arg6[%dma_wait3A_1258, %dma_wait3A_1259, %dma_wait3A_1260] : memref<8x80x128xf32, #tpu.memory_space<vmem>> -> memref<1x80x128xf32, #tpu.memory_space<vmem>>
      %dma_wait3A_1262 = tpu.memref_squeeze %dma_wait3A_1261 : memref<1x80x128xf32, #tpu.memory_space<vmem>> -> memref<80x128xf32, #tpu.memory_space<vmem>>
      %dma_wait3A_1263 = arith.constant 0 : i32
      %dma_wait3A_1264 = arith.constant 0 : i32
      %dma_wait3A_1265 = tpu.memref_slice %arg4[%dma_wait3A_1263, %dma_wait3A_1264] : memref<3276800x128xf32, #tpu.memory_space<hbm>> -> memref<80x128xf32, #tpu.memory_space<hbm>>
      %dma_wait3A_1266 = arith.constant 0 : i32
      %dma_wait3A_1267 = arith.constant 0 : i32
      %dma_wait3A_1268 = tpu.memref_slice %arg6[%dma_wait3A_1258, %dma_wait3A_1266, %dma_wait3A_1267] : memref<8x80x128xf32, #tpu.memory_space<vmem>> -> memref<1x80x128xf32, #tpu.memory_space<vmem>>
      %dma_wait3A_1269 = tpu.memref_squeeze %dma_wait3A_1268 : memref<1x80x128xf32, #tpu.memory_space<vmem>> -> memref<80x128xf32, #tpu.memory_space<vmem>>
      %dma_wait3A_1270 = arith.constant 0 : i32
      %dma_wait3A_1271 = arith.constant 0 : i32
      %dma_wait3A_1272 = tpu.memref_slice %arg4[%dma_wait3A_1270, %dma_wait3A_1271] : memref<3276800x128xf32, #tpu.memory_space<hbm>> -> memref<80x128xf32, #tpu.memory_space<hbm>>
      tpu.wait_dma2 semaphore(%arg9 : memref<!tpu.dma_semaphore, #tpu.memory_space<semaphore_mem>>) src(%dma_wait3A_1272 : memref<80x128xf32, #tpu.memory_space<hbm>>) dst(%dma_wait3A_1269 : memref<80x128xf32, #tpu.memory_space<vmem>>)
      %add3A_1273 = arith.constant 2 : i32
      %add3A_1274 = arith.addi %add3A_1129, %add3A_1273 : i32
      %mul3A_1275 = arith.constant 80 : i32
      %mul3A_1276 = arith.muli %add3A_1274, %mul3A_1275 : i32
      %dma_start3A_1277 = arith.constant 2 : i32
      %dma_start3A_1278 = arith.constant 0 : i32
      %dma_start3A_1279 = arith.constant 0 : i32
      %dma_start3A_1280 = tpu.memref_slice %arg6[%dma_start3A_1277, %dma_start3A_1278, %dma_start3A_1279] : memref<8x80x128xf32, #tpu.memory_space<vmem>> -> memref<1x80x128xf32, #tpu.memory_space<vmem>>
      %dma_start3A_1281 = tpu.memref_squeeze %dma_start3A_1280 : memref<1x80x128xf32, #tpu.memory_space<vmem>> -> memref<80x128xf32, #tpu.memory_space<vmem>>
      %dma_start3A_1282 = arith.constant 0 : i32
      %dma_start3A_1283 = tpu.memref_slice %arg4[%mul3A_1276, %dma_start3A_1282] : memref<3276800x128xf32, #tpu.memory_space<hbm>> -> memref<80x128xf32, #tpu.memory_space<hbm>>
      %dma_start3A_1284 = arith.constant 0 : i32
      %dma_start3A_1285 = tpu.memref_slice %arg4[%mul3A_1276, %dma_start3A_1284] : memref<3276800x128xf32, #tpu.memory_space<hbm>> -> memref<80x128xf32, #tpu.memory_space<hbm>>
      %dma_start3A_1286 = arith.constant 0 : i32
      %dma_start3A_1287 = arith.constant 0 : i32
      %dma_start3A_1288 = tpu.memref_slice %arg6[%dma_start3A_1277, %dma_start3A_1286, %dma_start3A_1287] : memref<8x80x128xf32, #tpu.memory_space<vmem>> -> memref<1x80x128xf32, #tpu.memory_space<vmem>>
      %dma_start3A_1289 = tpu.memref_squeeze %dma_start3A_1288 : memref<1x80x128xf32, #tpu.memory_space<vmem>> -> memref<80x128xf32, #tpu.memory_space<vmem>>
      tpu.enqueue_dma source(%dma_start3A_1289 : memref<80x128xf32, #tpu.memory_space<vmem>>) target(%dma_start3A_1285 : memref<80x128xf32, #tpu.memory_space<hbm>>) target_semaphore(%arg10 : memref<!tpu.dma_semaphore, #tpu.memory_space<semaphore_mem>>)
      %dma_wait3A_1290 = arith.constant 0 : i32
      %dma_wait3A_1291 = arith.constant 0 : i32
      %dma_wait3A_1292 = arith.constant 0 : i32
      %dma_wait3A_1293 = tpu.memref_slice %arg6[%dma_wait3A_1290, %dma_wait3A_1291, %dma_wait3A_1292] : memref<8x80x128xf32, #tpu.memory_space<vmem>> -> memref<1x80x128xf32, #tpu.memory_space<vmem>>
      %dma_wait3A_1294 = tpu.memref_squeeze %dma_wait3A_1293 : memref<1x80x128xf32, #tpu.memory_space<vmem>> -> memref<80x128xf32, #tpu.memory_space<vmem>>
      %dma_wait3A_1295 = arith.constant 0 : i32
      %dma_wait3A_1296 = arith.constant 0 : i32
      %dma_wait3A_1297 = tpu.memref_slice %arg4[%dma_wait3A_1295, %dma_wait3A_1296] : memref<3276800x128xf32, #tpu.memory_space<hbm>> -> memref<80x128xf32, #tpu.memory_space<hbm>>
      %dma_wait3A_1298 = arith.constant 0 : i32
      %dma_wait3A_1299 = arith.constant 0 : i32
      %dma_wait3A_1300 = tpu.memref_slice %arg4[%dma_wait3A_1298, %dma_wait3A_1299] : memref<3276800x128xf32, #tpu.memory_space<hbm>> -> memref<80x128xf32, #tpu.memory_space<hbm>>
      %dma_wait3A_1301 = arith.constant 0 : i32
      %dma_wait3A_1302 = arith.constant 0 : i32
      %dma_wait3A_1303 = tpu.memref_slice %arg6[%dma_wait3A_1290, %dma_wait3A_1301, %dma_wait3A_1302] : memref<8x80x128xf32, #tpu.memory_space<vmem>> -> memref<1x80x128xf32, #tpu.memory_space<vmem>>
      %dma_wait3A_1304 = tpu.memref_squeeze %dma_wait3A_1303 : memref<1x80x128xf32, #tpu.memory_space<vmem>> -> memref<80x128xf32, #tpu.memory_space<vmem>>
      tpu.wait_dma2 semaphore(%arg10 : memref<!tpu.dma_semaphore, #tpu.memory_space<semaphore_mem>>) src(%dma_wait3A_1304 : memref<80x128xf32, #tpu.memory_space<vmem>>) dst(%dma_wait3A_1300 : memref<80x128xf32, #tpu.memory_space<hbm>>)
      %dma_start3A_1305 = arith.constant 1 : i32
      %dma_start3A_1306 = arith.constant 6 : i32
      %dma_start3A_1307 = arith.constant 6 : i32
      %dma_start3A_1308 = arith.constant 0 : i32
      %dma_start3A_1309 = arith.constant 0 : i32
      %dma_start3A_1310 = tpu.memref_slice %arg6[%dma_start3A_1307, %dma_start3A_1308, %dma_start3A_1309] : memref<8x80x128xf32, #tpu.memory_space<vmem>> -> memref<1x80x128xf32, #tpu.memory_space<vmem>>
      %dma_start3A_1311 = tpu.memref_squeeze %dma_start3A_1310 : memref<1x80x128xf32, #tpu.memory_space<vmem>> -> memref<80x128xf32, #tpu.memory_space<vmem>>
      %dma_start3A_1312 = arith.constant 0 : i32
      %dma_start3A_1313 = arith.constant 0 : i32
      %dma_start3A_1314 = tpu.memref_slice %arg5[%dma_start3A_1305, %dma_start3A_1312, %dma_start3A_1313] : memref<2x8x80xi32, #tpu.memory_space<vmem>> -> memref<1x8x80xi32, #tpu.memory_space<vmem>>
      %dma_start3A_1315 = tpu.memref_squeeze %dma_start3A_1314 : memref<1x8x80xi32, #tpu.memory_space<vmem>> -> memref<8x80xi32, #tpu.memory_space<vmem>>
      %dma_start3A_1316 = arith.constant 0 : i32
      %dma_start3A_1317 = tpu.memref_slice %dma_start3A_1315[%dma_start3A_1306, %dma_start3A_1316] : memref<8x80xi32, #tpu.memory_space<vmem>> -> memref<1x80xi32, #tpu.memory_space<vmem>>
      %dma_start3A_1318 = tpu.memref_squeeze %dma_start3A_1317 : memref<1x80xi32, #tpu.memory_space<vmem>> -> memref<80xi32, #tpu.memory_space<vmem>>
      %dma_start3A_1319 = arith.constant 0 : i32
      %dma_start3A_1320 = arith.constant 0 : i32
      %dma_start3A_1321 = tpu.memref_slice %arg7[%dma_start3A_1319, %dma_start3A_1320] : memref<1000x128xf32, #tpu.memory_space<vmem_shared>> -> memref<1000x128xf32, #tpu.memory_space<vmem_shared>>
      tpu.enqueue_indirect_dma source(%dma_start3A_1321 : memref<1000x128xf32, #tpu.memory_space<vmem_shared>>) target(%dma_start3A_1311 : memref<80x128xf32, #tpu.memory_space<vmem>>) offsets(%dma_start3A_1318 : memref<80xi32, #tpu.memory_space<vmem>>) semaphore(%arg9 : memref<!tpu.dma_semaphore, #tpu.memory_space<semaphore_mem>>)
      %dma_wait3A_1322 = arith.constant 0 : i32
      %dma_wait3A_1323 = arith.constant 0 : i32
      %dma_wait3A_1324 = arith.constant 0 : i32
      %dma_wait3A_1325 = tpu.memref_slice %arg6[%dma_wait3A_1322, %dma_wait3A_1323, %dma_wait3A_1324] : memref<8x80x128xf32, #tpu.memory_space<vmem>> -> memref<1x80x128xf32, #tpu.memory_space<vmem>>
      %dma_wait3A_1326 = tpu.memref_squeeze %dma_wait3A_1325 : memref<1x80x128xf32, #tpu.memory_space<vmem>> -> memref<80x128xf32, #tpu.memory_space<vmem>>
      %dma_wait3A_1327 = arith.constant 0 : i32
      %dma_wait3A_1328 = arith.constant 0 : i32
      %dma_wait3A_1329 = tpu.memref_slice %arg4[%dma_wait3A_1327, %dma_wait3A_1328] : memref<3276800x128xf32, #tpu.memory_space<hbm>> -> memref<80x128xf32, #tpu.memory_space<hbm>>
      %dma_wait3A_1330 = arith.constant 0 : i32
      %dma_wait3A_1331 = arith.constant 0 : i32
      %dma_wait3A_1332 = tpu.memref_slice %arg6[%dma_wait3A_1322, %dma_wait3A_1330, %dma_wait3A_1331] : memref<8x80x128xf32, #tpu.memory_space<vmem>> -> memref<1x80x128xf32, #tpu.memory_space<vmem>>
      %dma_wait3A_1333 = tpu.memref_squeeze %dma_wait3A_1332 : memref<1x80x128xf32, #tpu.memory_space<vmem>> -> memref<80x128xf32, #tpu.memory_space<vmem>>
      %dma_wait3A_1334 = arith.constant 0 : i32
      %dma_wait3A_1335 = arith.constant 0 : i32
      %dma_wait3A_1336 = tpu.memref_slice %arg4[%dma_wait3A_1334, %dma_wait3A_1335] : memref<3276800x128xf32, #tpu.memory_space<hbm>> -> memref<80x128xf32, #tpu.memory_space<hbm>>
      tpu.wait_dma2 semaphore(%arg9 : memref<!tpu.dma_semaphore, #tpu.memory_space<semaphore_mem>>) src(%dma_wait3A_1336 : memref<80x128xf32, #tpu.memory_space<hbm>>) dst(%dma_wait3A_1333 : memref<80x128xf32, #tpu.memory_space<vmem>>)
      %add3A_1337 = arith.constant 3 : i32
      %add3A_1338 = arith.addi %add3A_1129, %add3A_1337 : i32
      %mul3A_1339 = arith.constant 80 : i32
      %mul3A_1340 = arith.muli %add3A_1338, %mul3A_1339 : i32
      %dma_start3A_1341 = arith.constant 3 : i32
      %dma_start3A_1342 = arith.constant 0 : i32
      %dma_start3A_1343 = arith.constant 0 : i32
      %dma_start3A_1344 = tpu.memref_slice %arg6[%dma_start3A_1341, %dma_start3A_1342, %dma_start3A_1343] : memref<8x80x128xf32, #tpu.memory_space<vmem>> -> memref<1x80x128xf32, #tpu.memory_space<vmem>>
      %dma_start3A_1345 = tpu.memref_squeeze %dma_start3A_1344 : memref<1x80x128xf32, #tpu.memory_space<vmem>> -> memref<80x128xf32, #tpu.memory_space<vmem>>
      %dma_start3A_1346 = arith.constant 0 : i32
      %dma_start3A_1347 = tpu.memref_slice %arg4[%mul3A_1340, %dma_start3A_1346] : memref<3276800x128xf32, #tpu.memory_space<hbm>> -> memref<80x128xf32, #tpu.memory_space<hbm>>
      %dma_start3A_1348 = arith.constant 0 : i32
      %dma_start3A_1349 = tpu.memref_slice %arg4[%mul3A_1340, %dma_start3A_1348] : memref<3276800x128xf32, #tpu.memory_space<hbm>> -> memref<80x128xf32, #tpu.memory_space<hbm>>
      %dma_start3A_1350 = arith.constant 0 : i32
      %dma_start3A_1351 = arith.constant 0 : i32
      %dma_start3A_1352 = tpu.memref_slice %arg6[%dma_start3A_1341, %dma_start3A_1350, %dma_start3A_1351] : memref<8x80x128xf32, #tpu.memory_space<vmem>> -> memref<1x80x128xf32, #tpu.memory_space<vmem>>
      %dma_start3A_1353 = tpu.memref_squeeze %dma_start3A_1352 : memref<1x80x128xf32, #tpu.memory_space<vmem>> -> memref<80x128xf32, #tpu.memory_space<vmem>>
      tpu.enqueue_dma source(%dma_start3A_1353 : memref<80x128xf32, #tpu.memory_space<vmem>>) target(%dma_start3A_1349 : memref<80x128xf32, #tpu.memory_space<hbm>>) target_semaphore(%arg10 : memref<!tpu.dma_semaphore, #tpu.memory_space<semaphore_mem>>)
      %dma_wait3A_1354 = arith.constant 0 : i32
      %dma_wait3A_1355 = arith.constant 0 : i32
      %dma_wait3A_1356 = arith.constant 0 : i32
      %dma_wait3A_1357 = tpu.memref_slice %arg6[%dma_wait3A_1354, %dma_wait3A_1355, %dma_wait3A_1356] : memref<8x80x128xf32, #tpu.memory_space<vmem>> -> memref<1x80x128xf32, #tpu.memory_space<vmem>>
      %dma_wait3A_1358 = tpu.memref_squeeze %dma_wait3A_1357 : memref<1x80x128xf32, #tpu.memory_space<vmem>> -> memref<80x128xf32, #tpu.memory_space<vmem>>
      %dma_wait3A_1359 = arith.constant 0 : i32
      %dma_wait3A_1360 = arith.constant 0 : i32
      %dma_wait3A_1361 = tpu.memref_slice %arg4[%dma_wait3A_1359, %dma_wait3A_1360] : memref<3276800x128xf32, #tpu.memory_space<hbm>> -> memref<80x128xf32, #tpu.memory_space<hbm>>
      %dma_wait3A_1362 = arith.constant 0 : i32
      %dma_wait3A_1363 = arith.constant 0 : i32
      %dma_wait3A_1364 = tpu.memref_slice %arg4[%dma_wait3A_1362, %dma_wait3A_1363] : memref<3276800x128xf32, #tpu.memory_space<hbm>> -> memref<80x128xf32, #tpu.memory_space<hbm>>
      %dma_wait3A_1365 = arith.constant 0 : i32
      %dma_wait3A_1366 = arith.constant 0 : i32
      %dma_wait3A_1367 = tpu.memref_slice %arg6[%dma_wait3A_1354, %dma_wait3A_1365, %dma_wait3A_1366] : memref<8x80x128xf32, #tpu.memory_space<vmem>> -> memref<1x80x128xf32, #tpu.memory_space<vmem>>
      %dma_wait3A_1368 = tpu.memref_squeeze %dma_wait3A_1367 : memref<1x80x128xf32, #tpu.memory_space<vmem>> -> memref<80x128xf32, #tpu.memory_space<vmem>>
      tpu.wait_dma2 semaphore(%arg10 : memref<!tpu.dma_semaphore, #tpu.memory_space<semaphore_mem>>) src(%dma_wait3A_1368 : memref<80x128xf32, #tpu.memory_space<vmem>>) dst(%dma_wait3A_1364 : memref<80x128xf32, #tpu.memory_space<hbm>>)
      %dma_start3A_1369 = arith.constant 1 : i32
      %dma_start3A_1370 = arith.constant 7 : i32
      %dma_start3A_1371 = arith.constant 7 : i32
      %dma_start3A_1372 = arith.constant 0 : i32
      %dma_start3A_1373 = arith.constant 0 : i32
      %dma_start3A_1374 = tpu.memref_slice %arg6[%dma_start3A_1371, %dma_start3A_1372, %dma_start3A_1373] : memref<8x80x128xf32, #tpu.memory_space<vmem>> -> memref<1x80x128xf32, #tpu.memory_space<vmem>>
      %dma_start3A_1375 = tpu.memref_squeeze %dma_start3A_1374 : memref<1x80x128xf32, #tpu.memory_space<vmem>> -> memref<80x128xf32, #tpu.memory_space<vmem>>
      %dma_start3A_1376 = arith.constant 0 : i32
      %dma_start3A_1377 = arith.constant 0 : i32
      %dma_start3A_1378 = tpu.memref_slice %arg5[%dma_start3A_1369, %dma_start3A_1376, %dma_start3A_1377] : memref<2x8x80xi32, #tpu.memory_space<vmem>> -> memref<1x8x80xi32, #tpu.memory_space<vmem>>
      %dma_start3A_1379 = tpu.memref_squeeze %dma_start3A_1378 : memref<1x8x80xi32, #tpu.memory_space<vmem>> -> memref<8x80xi32, #tpu.memory_space<vmem>>
      %dma_start3A_1380 = arith.constant 0 : i32
      %dma_start3A_1381 = tpu.memref_slice %dma_start3A_1379[%dma_start3A_1370, %dma_start3A_1380] : memref<8x80xi32, #tpu.memory_space<vmem>> -> memref<1x80xi32, #tpu.memory_space<vmem>>
      %dma_start3A_1382 = tpu.memref_squeeze %dma_start3A_1381 : memref<1x80xi32, #tpu.memory_space<vmem>> -> memref<80xi32, #tpu.memory_space<vmem>>
      %dma_start3A_1383 = arith.constant 0 : i32
      %dma_start3A_1384 = arith.constant 0 : i32
      %dma_start3A_1385 = tpu.memref_slice %arg7[%dma_start3A_1383, %dma_start3A_1384] : memref<1000x128xf32, #tpu.memory_space<vmem_shared>> -> memref<1000x128xf32, #tpu.memory_space<vmem_shared>>
      tpu.enqueue_indirect_dma source(%dma_start3A_1385 : memref<1000x128xf32, #tpu.memory_space<vmem_shared>>) target(%dma_start3A_1375 : memref<80x128xf32, #tpu.memory_space<vmem>>) offsets(%dma_start3A_1382 : memref<80xi32, #tpu.memory_space<vmem>>) semaphore(%arg9 : memref<!tpu.dma_semaphore, #tpu.memory_space<semaphore_mem>>)
      %dma_wait3A_1386 = arith.constant 0 : i32
      %dma_wait3A_1387 = arith.constant 0 : i32
      %dma_wait3A_1388 = arith.constant 0 : i32
      %dma_wait3A_1389 = tpu.memref_slice %arg6[%dma_wait3A_1386, %dma_wait3A_1387, %dma_wait3A_1388] : memref<8x80x128xf32, #tpu.memory_space<vmem>> -> memref<1x80x128xf32, #tpu.memory_space<vmem>>
      %dma_wait3A_1390 = tpu.memref_squeeze %dma_wait3A_1389 : memref<1x80x128xf32, #tpu.memory_space<vmem>> -> memref<80x128xf32, #tpu.memory_space<vmem>>
      %dma_wait3A_1391 = arith.constant 0 : i32
      %dma_wait3A_1392 = arith.constant 0 : i32
      %dma_wait3A_1393 = tpu.memref_slice %arg4[%dma_wait3A_1391, %dma_wait3A_1392] : memref<3276800x128xf32, #tpu.memory_space<hbm>> -> memref<80x128xf32, #tpu.memory_space<hbm>>
      %dma_wait3A_1394 = arith.constant 0 : i32
      %dma_wait3A_1395 = arith.constant 0 : i32
      %dma_wait3A_1396 = tpu.memref_slice %arg6[%dma_wait3A_1386, %dma_wait3A_1394, %dma_wait3A_1395] : memref<8x80x128xf32, #tpu.memory_space<vmem>> -> memref<1x80x128xf32, #tpu.memory_space<vmem>>
      %dma_wait3A_1397 = tpu.memref_squeeze %dma_wait3A_1396 : memref<1x80x128xf32, #tpu.memory_space<vmem>> -> memref<80x128xf32, #tpu.memory_space<vmem>>
      %dma_wait3A_1398 = arith.constant 0 : i32
      %dma_wait3A_1399 = arith.constant 0 : i32
      %dma_wait3A_1400 = tpu.memref_slice %arg4[%dma_wait3A_1398, %dma_wait3A_1399] : memref<3276800x128xf32, #tpu.memory_space<hbm>> -> memref<80x128xf32, #tpu.memory_space<hbm>>
      tpu.wait_dma2 semaphore(%arg9 : memref<!tpu.dma_semaphore, #tpu.memory_space<semaphore_mem>>) src(%dma_wait3A_1400 : memref<80x128xf32, #tpu.memory_space<hbm>>) dst(%dma_wait3A_1397 : memref<80x128xf32, #tpu.memory_space<vmem>>)
      %add3A_1401 = arith.constant 4 : i32
      %add3A_1402 = arith.addi %add3A_1129, %add3A_1401 : i32
      %mul3A_1403 = arith.constant 80 : i32
      %mul3A_1404 = arith.muli %add3A_1402, %mul3A_1403 : i32
      %dma_start3A_1405 = arith.constant 4 : i32
      %dma_start3A_1406 = arith.constant 0 : i32
      %dma_start3A_1407 = arith.constant 0 : i32
      %dma_start3A_1408 = tpu.memref_slice %arg6[%dma_start3A_1405, %dma_start3A_1406, %dma_start3A_1407] : memref<8x80x128xf32, #tpu.memory_space<vmem>> -> memref<1x80x128xf32, #tpu.memory_space<vmem>>
      %dma_start3A_1409 = tpu.memref_squeeze %dma_start3A_1408 : memref<1x80x128xf32, #tpu.memory_space<vmem>> -> memref<80x128xf32, #tpu.memory_space<vmem>>
      %dma_start3A_1410 = arith.constant 0 : i32
      %dma_start3A_1411 = tpu.memref_slice %arg4[%mul3A_1404, %dma_start3A_1410] : memref<3276800x128xf32, #tpu.memory_space<hbm>> -> memref<80x128xf32, #tpu.memory_space<hbm>>
      %dma_start3A_1412 = arith.constant 0 : i32
      %dma_start3A_1413 = tpu.memref_slice %arg4[%mul3A_1404, %dma_start3A_1412] : memref<3276800x128xf32, #tpu.memory_space<hbm>> -> memref<80x128xf32, #tpu.memory_space<hbm>>
      %dma_start3A_1414 = arith.constant 0 : i32
      %dma_start3A_1415 = arith.constant 0 : i32
      %dma_start3A_1416 = tpu.memref_slice %arg6[%dma_start3A_1405, %dma_start3A_1414, %dma_start3A_1415] : memref<8x80x128xf32, #tpu.memory_space<vmem>> -> memref<1x80x128xf32, #tpu.memory_space<vmem>>
      %dma_start3A_1417 = tpu.memref_squeeze %dma_start3A_1416 : memref<1x80x128xf32, #tpu.memory_space<vmem>> -> memref<80x128xf32, #tpu.memory_space<vmem>>
      tpu.enqueue_dma source(%dma_start3A_1417 : memref<80x128xf32, #tpu.memory_space<vmem>>) target(%dma_start3A_1413 : memref<80x128xf32, #tpu.memory_space<hbm>>) target_semaphore(%arg10 : memref<!tpu.dma_semaphore, #tpu.memory_space<semaphore_mem>>)
      %dma_wait3A_1418 = arith.constant 0 : i32
      %dma_wait3A_1419 = arith.constant 0 : i32
      %dma_wait3A_1420 = arith.constant 0 : i32
      %dma_wait3A_1421 = tpu.memref_slice %arg6[%dma_wait3A_1418, %dma_wait3A_1419, %dma_wait3A_1420] : memref<8x80x128xf32, #tpu.memory_space<vmem>> -> memref<1x80x128xf32, #tpu.memory_space<vmem>>
      %dma_wait3A_1422 = tpu.memref_squeeze %dma_wait3A_1421 : memref<1x80x128xf32, #tpu.memory_space<vmem>> -> memref<80x128xf32, #tpu.memory_space<vmem>>
      %dma_wait3A_1423 = arith.constant 0 : i32
      %dma_wait3A_1424 = arith.constant 0 : i32
      %dma_wait3A_1425 = tpu.memref_slice %arg4[%dma_wait3A_1423, %dma_wait3A_1424] : memref<3276800x128xf32, #tpu.memory_space<hbm>> -> memref<80x128xf32, #tpu.memory_space<hbm>>
      %dma_wait3A_1426 = arith.constant 0 : i32
      %dma_wait3A_1427 = arith.constant 0 : i32
      %dma_wait3A_1428 = tpu.memref_slice %arg4[%dma_wait3A_1426, %dma_wait3A_1427] : memref<3276800x128xf32, #tpu.memory_space<hbm>> -> memref<80x128xf32, #tpu.memory_space<hbm>>
      %dma_wait3A_1429 = arith.constant 0 : i32
      %dma_wait3A_1430 = arith.constant 0 : i32
      %dma_wait3A_1431 = tpu.memref_slice %arg6[%dma_wait3A_1418, %dma_wait3A_1429, %dma_wait3A_1430] : memref<8x80x128xf32, #tpu.memory_space<vmem>> -> memref<1x80x128xf32, #tpu.memory_space<vmem>>
      %dma_wait3A_1432 = tpu.memref_squeeze %dma_wait3A_1431 : memref<1x80x128xf32, #tpu.memory_space<vmem>> -> memref<80x128xf32, #tpu.memory_space<vmem>>
      tpu.wait_dma2 semaphore(%arg10 : memref<!tpu.dma_semaphore, #tpu.memory_space<semaphore_mem>>) src(%dma_wait3A_1432 : memref<80x128xf32, #tpu.memory_space<vmem>>) dst(%dma_wait3A_1428 : memref<80x128xf32, #tpu.memory_space<hbm>>)
      %dma_wait3A_1433 = arith.constant 0 : i32
      %dma_wait3A_1434 = arith.constant 0 : i32
      %dma_wait3A_1435 = arith.constant 0 : i32
      %dma_wait3A_1436 = tpu.memref_slice %arg5[%dma_wait3A_1433, %dma_wait3A_1434, %dma_wait3A_1435] : memref<2x8x80xi32, #tpu.memory_space<vmem>> -> memref<1x8x80xi32, #tpu.memory_space<vmem>>
      %dma_wait3A_1437 = tpu.memref_squeeze %dma_wait3A_1436 : memref<1x8x80xi32, #tpu.memory_space<vmem>> -> memref<8x80xi32, #tpu.memory_space<vmem>>
      %dma_wait3A_1438 = arith.constant 0 : i32
      %dma_wait3A_1439 = arith.constant 0 : i32
      %dma_wait3A_1440 = tpu.memref_slice %arg2[%dma_wait3A_1438, %dma_wait3A_1439] : memref<40960x80xi32, #tpu.memory_space<hbm>> -> memref<8x80xi32, #tpu.memory_space<hbm>>
      %dma_wait3A_1441 = arith.constant 0 : i32
      %dma_wait3A_1442 = arith.constant 0 : i32
      %dma_wait3A_1443 = tpu.memref_slice %arg5[%dma_wait3A_1433, %dma_wait3A_1441, %dma_wait3A_1442] : memref<2x8x80xi32, #tpu.memory_space<vmem>> -> memref<1x8x80xi32, #tpu.memory_space<vmem>>
      %dma_wait3A_1444 = tpu.memref_squeeze %dma_wait3A_1443 : memref<1x8x80xi32, #tpu.memory_space<vmem>> -> memref<8x80xi32, #tpu.memory_space<vmem>>
      %dma_wait3A_1445 = arith.constant 0 : i32
      %dma_wait3A_1446 = arith.constant 0 : i32
      %dma_wait3A_1447 = tpu.memref_slice %arg2[%dma_wait3A_1445, %dma_wait3A_1446] : memref<40960x80xi32, #tpu.memory_space<hbm>> -> memref<8x80xi32, #tpu.memory_space<hbm>>
      tpu.wait_dma2 semaphore(%arg8 : memref<!tpu.dma_semaphore, #tpu.memory_space<semaphore_mem>>) src(%dma_wait3A_1447 : memref<8x80xi32, #tpu.memory_space<hbm>>) dst(%dma_wait3A_1444 : memref<8x80xi32, #tpu.memory_space<vmem>>)
      %dma_start3A_1448 = arith.constant 0 : i32
      %dma_start3A_1449 = arith.constant 0 : i32
      %dma_start3A_1450 = arith.constant 0 : i32
      %dma_start3A_1451 = arith.constant 0 : i32
      %dma_start3A_1452 = arith.constant 0 : i32
      %dma_start3A_1453 = tpu.memref_slice %arg6[%dma_start3A_1450, %dma_start3A_1451, %dma_start3A_1452] : memref<8x80x128xf32, #tpu.memory_space<vmem>> -> memref<1x80x128xf32, #tpu.memory_space<vmem>>
      %dma_start3A_1454 = tpu.memref_squeeze %dma_start3A_1453 : memref<1x80x128xf32, #tpu.memory_space<vmem>> -> memref<80x128xf32, #tpu.memory_space<vmem>>
      %dma_start3A_1455 = arith.constant 0 : i32
      %dma_start3A_1456 = arith.constant 0 : i32
      %dma_start3A_1457 = tpu.memref_slice %arg5[%dma_start3A_1448, %dma_start3A_1455, %dma_start3A_1456] : memref<2x8x80xi32, #tpu.memory_space<vmem>> -> memref<1x8x80xi32, #tpu.memory_space<vmem>>
      %dma_start3A_1458 = tpu.memref_squeeze %dma_start3A_1457 : memref<1x8x80xi32, #tpu.memory_space<vmem>> -> memref<8x80xi32, #tpu.memory_space<vmem>>
      %dma_start3A_1459 = arith.constant 0 : i32
      %dma_start3A_1460 = tpu.memref_slice %dma_start3A_1458[%dma_start3A_1449, %dma_start3A_1459] : memref<8x80xi32, #tpu.memory_space<vmem>> -> memref<1x80xi32, #tpu.memory_space<vmem>>
      %dma_start3A_1461 = tpu.memref_squeeze %dma_start3A_1460 : memref<1x80xi32, #tpu.memory_space<vmem>> -> memref<80xi32, #tpu.memory_space<vmem>>
      %dma_start3A_1462 = arith.constant 0 : i32
      %dma_start3A_1463 = arith.constant 0 : i32
      %dma_start3A_1464 = tpu.memref_slice %arg7[%dma_start3A_1462, %dma_start3A_1463] : memref<1000x128xf32, #tpu.memory_space<vmem_shared>> -> memref<1000x128xf32, #tpu.memory_space<vmem_shared>>
      tpu.enqueue_indirect_dma source(%dma_start3A_1464 : memref<1000x128xf32, #tpu.memory_space<vmem_shared>>) target(%dma_start3A_1454 : memref<80x128xf32, #tpu.memory_space<vmem>>) offsets(%dma_start3A_1461 : memref<80xi32, #tpu.memory_space<vmem>>) semaphore(%arg9 : memref<!tpu.dma_semaphore, #tpu.memory_space<semaphore_mem>>)
      %dma_wait3A_1465 = arith.constant 0 : i32
      %dma_wait3A_1466 = arith.constant 0 : i32
      %dma_wait3A_1467 = arith.constant 0 : i32
      %dma_wait3A_1468 = tpu.memref_slice %arg6[%dma_wait3A_1465, %dma_wait3A_1466, %dma_wait3A_1467] : memref<8x80x128xf32, #tpu.memory_space<vmem>> -> memref<1x80x128xf32, #tpu.memory_space<vmem>>
      %dma_wait3A_1469 = tpu.memref_squeeze %dma_wait3A_1468 : memref<1x80x128xf32, #tpu.memory_space<vmem>> -> memref<80x128xf32, #tpu.memory_space<vmem>>
      %dma_wait3A_1470 = arith.constant 0 : i32
      %dma_wait3A_1471 = arith.constant 0 : i32
      %dma_wait3A_1472 = tpu.memref_slice %arg4[%dma_wait3A_1470, %dma_wait3A_1471] : memref<3276800x128xf32, #tpu.memory_space<hbm>> -> memref<80x128xf32, #tpu.memory_space<hbm>>
      %dma_wait3A_1473 = arith.constant 0 : i32
      %dma_wait3A_1474 = arith.constant 0 : i32
      %dma_wait3A_1475 = tpu.memref_slice %arg6[%dma_wait3A_1465, %dma_wait3A_1473, %dma_wait3A_1474] : memref<8x80x128xf32, #tpu.memory_space<vmem>> -> memref<1x80x128xf32, #tpu.memory_space<vmem>>
      %dma_wait3A_1476 = tpu.memref_squeeze %dma_wait3A_1475 : memref<1x80x128xf32, #tpu.memory_space<vmem>> -> memref<80x128xf32, #tpu.memory_space<vmem>>
      %dma_wait3A_1477 = arith.constant 0 : i32
      %dma_wait3A_1478 = arith.constant 0 : i32
      %dma_wait3A_1479 = tpu.memref_slice %arg4[%dma_wait3A_1477, %dma_wait3A_1478] : memref<3276800x128xf32, #tpu.memory_space<hbm>> -> memref<80x128xf32, #tpu.memory_space<hbm>>
      tpu.wait_dma2 semaphore(%arg9 : memref<!tpu.dma_semaphore, #tpu.memory_space<semaphore_mem>>) src(%dma_wait3A_1479 : memref<80x128xf32, #tpu.memory_space<hbm>>) dst(%dma_wait3A_1476 : memref<80x128xf32, #tpu.memory_space<vmem>>)
      %add3A_1480 = arith.constant 5 : i32
      %add3A_1481 = arith.addi %add3A_1129, %add3A_1480 : i32
      %mul3A_1482 = arith.constant 80 : i32
      %mul3A_1483 = arith.muli %add3A_1481, %mul3A_1482 : i32
      %dma_start3A_1484 = arith.constant 5 : i32
      %dma_start3A_1485 = arith.constant 0 : i32
      %dma_start3A_1486 = arith.constant 0 : i32
      %dma_start3A_1487 = tpu.memref_slice %arg6[%dma_start3A_1484, %dma_start3A_1485, %dma_start3A_1486] : memref<8x80x128xf32, #tpu.memory_space<vmem>> -> memref<1x80x128xf32, #tpu.memory_space<vmem>>
      %dma_start3A_1488 = tpu.memref_squeeze %dma_start3A_1487 : memref<1x80x128xf32, #tpu.memory_space<vmem>> -> memref<80x128xf32, #tpu.memory_space<vmem>>
      %dma_start3A_1489 = arith.constant 0 : i32
      %dma_start3A_1490 = tpu.memref_slice %arg4[%mul3A_1483, %dma_start3A_1489] : memref<3276800x128xf32, #tpu.memory_space<hbm>> -> memref<80x128xf32, #tpu.memory_space<hbm>>
      %dma_start3A_1491 = arith.constant 0 : i32
      %dma_start3A_1492 = tpu.memref_slice %arg4[%mul3A_1483, %dma_start3A_1491] : memref<3276800x128xf32, #tpu.memory_space<hbm>> -> memref<80x128xf32, #tpu.memory_space<hbm>>
      %dma_start3A_1493 = arith.constant 0 : i32
      %dma_start3A_1494 = arith.constant 0 : i32
      %dma_start3A_1495 = tpu.memref_slice %arg6[%dma_start3A_1484, %dma_start3A_1493, %dma_start3A_1494] : memref<8x80x128xf32, #tpu.memory_space<vmem>> -> memref<1x80x128xf32, #tpu.memory_space<vmem>>
      %dma_start3A_1496 = tpu.memref_squeeze %dma_start3A_1495 : memref<1x80x128xf32, #tpu.memory_space<vmem>> -> memref<80x128xf32, #tpu.memory_space<vmem>>
      tpu.enqueue_dma source(%dma_start3A_1496 : memref<80x128xf32, #tpu.memory_space<vmem>>) target(%dma_start3A_1492 : memref<80x128xf32, #tpu.memory_space<hbm>>) target_semaphore(%arg10 : memref<!tpu.dma_semaphore, #tpu.memory_space<semaphore_mem>>)
      %dma_wait3A_1497 = arith.constant 0 : i32
      %dma_wait3A_1498 = arith.constant 0 : i32
      %dma_wait3A_1499 = arith.constant 0 : i32
      %dma_wait3A_1500 = tpu.memref_slice %arg6[%dma_wait3A_1497, %dma_wait3A_1498, %dma_wait3A_1499] : memref<8x80x128xf32, #tpu.memory_space<vmem>> -> memref<1x80x128xf32, #tpu.memory_space<vmem>>
      %dma_wait3A_1501 = tpu.memref_squeeze %dma_wait3A_1500 : memref<1x80x128xf32, #tpu.memory_space<vmem>> -> memref<80x128xf32, #tpu.memory_space<vmem>>
      %dma_wait3A_1502 = arith.constant 0 : i32
      %dma_wait3A_1503 = arith.constant 0 : i32
      %dma_wait3A_1504 = tpu.memref_slice %arg4[%dma_wait3A_1502, %dma_wait3A_1503] : memref<3276800x128xf32, #tpu.memory_space<hbm>> -> memref<80x128xf32, #tpu.memory_space<hbm>>
      %dma_wait3A_1505 = arith.constant 0 : i32
      %dma_wait3A_1506 = arith.constant 0 : i32
      %dma_wait3A_1507 = tpu.memref_slice %arg4[%dma_wait3A_1505, %dma_wait3A_1506] : memref<3276800x128xf32, #tpu.memory_space<hbm>> -> memref<80x128xf32, #tpu.memory_space<hbm>>
      %dma_wait3A_1508 = arith.constant 0 : i32
      %dma_wait3A_1509 = arith.constant 0 : i32
      %dma_wait3A_1510 = tpu.memref_slice %arg6[%dma_wait3A_1497, %dma_wait3A_1508, %dma_wait3A_1509] : memref<8x80x128xf32, #tpu.memory_space<vmem>> -> memref<1x80x128xf32, #tpu.memory_space<vmem>>
      %dma_wait3A_1511 = tpu.memref_squeeze %dma_wait3A_1510 : memref<1x80x128xf32, #tpu.memory_space<vmem>> -> memref<80x128xf32, #tpu.memory_space<vmem>>
      tpu.wait_dma2 semaphore(%arg10 : memref<!tpu.dma_semaphore, #tpu.memory_space<semaphore_mem>>) src(%dma_wait3A_1511 : memref<80x128xf32, #tpu.memory_space<vmem>>) dst(%dma_wait3A_1507 : memref<80x128xf32, #tpu.memory_space<hbm>>)
      %dma_start3A_1512 = arith.constant 0 : i32
      %dma_start3A_1513 = arith.constant 1 : i32
      %dma_start3A_1514 = arith.constant 1 : i32
      %dma_start3A_1515 = arith.constant 0 : i32
      %dma_start3A_1516 = arith.constant 0 : i32
      %dma_start3A_1517 = tpu.memref_slice %arg6[%dma_start3A_1514, %dma_start3A_1515, %dma_start3A_1516] : memref<8x80x128xf32, #tpu.memory_space<vmem>> -> memref<1x80x128xf32, #tpu.memory_space<vmem>>
      %dma_start3A_1518 = tpu.memref_squeeze %dma_start3A_1517 : memref<1x80x128xf32, #tpu.memory_space<vmem>> -> memref<80x128xf32, #tpu.memory_space<vmem>>
      %dma_start3A_1519 = arith.constant 0 : i32
      %dma_start3A_1520 = arith.constant 0 : i32
      %dma_start3A_1521 = tpu.memref_slice %arg5[%dma_start3A_1512, %dma_start3A_1519, %dma_start3A_1520] : memref<2x8x80xi32, #tpu.memory_space<vmem>> -> memref<1x8x80xi32, #tpu.memory_space<vmem>>
      %dma_start3A_1522 = tpu.memref_squeeze %dma_start3A_1521 : memref<1x8x80xi32, #tpu.memory_space<vmem>> -> memref<8x80xi32, #tpu.memory_space<vmem>>
      %dma_start3A_1523 = arith.constant 0 : i32
      %dma_start3A_1524 = tpu.memref_slice %dma_start3A_1522[%dma_start3A_1513, %dma_start3A_1523] : memref<8x80xi32, #tpu.memory_space<vmem>> -> memref<1x80xi32, #tpu.memory_space<vmem>>
      %dma_start3A_1525 = tpu.memref_squeeze %dma_start3A_1524 : memref<1x80xi32, #tpu.memory_space<vmem>> -> memref<80xi32, #tpu.memory_space<vmem>>
      %dma_start3A_1526 = arith.constant 0 : i32
      %dma_start3A_1527 = arith.constant 0 : i32
      %dma_start3A_1528 = tpu.memref_slice %arg7[%dma_start3A_1526, %dma_start3A_1527] : memref<1000x128xf32, #tpu.memory_space<vmem_shared>> -> memref<1000x128xf32, #tpu.memory_space<vmem_shared>>
      tpu.enqueue_indirect_dma source(%dma_start3A_1528 : memref<1000x128xf32, #tpu.memory_space<vmem_shared>>) target(%dma_start3A_1518 : memref<80x128xf32, #tpu.memory_space<vmem>>) offsets(%dma_start3A_1525 : memref<80xi32, #tpu.memory_space<vmem>>) semaphore(%arg9 : memref<!tpu.dma_semaphore, #tpu.memory_space<semaphore_mem>>)
      %dma_wait3A_1529 = arith.constant 0 : i32
      %dma_wait3A_1530 = arith.constant 0 : i32
      %dma_wait3A_1531 = arith.constant 0 : i32
      %dma_wait3A_1532 = tpu.memref_slice %arg6[%dma_wait3A_1529, %dma_wait3A_1530, %dma_wait3A_1531] : memref<8x80x128xf32, #tpu.memory_space<vmem>> -> memref<1x80x128xf32, #tpu.memory_space<vmem>>
      %dma_wait3A_1533 = tpu.memref_squeeze %dma_wait3A_1532 : memref<1x80x128xf32, #tpu.memory_space<vmem>> -> memref<80x128xf32, #tpu.memory_space<vmem>>
      %dma_wait3A_1534 = arith.constant 0 : i32
      %dma_wait3A_1535 = arith.constant 0 : i32
      %dma_wait3A_1536 = tpu.memref_slice %arg4[%dma_wait3A_1534, %dma_wait3A_1535] : memref<3276800x128xf32, #tpu.memory_space<hbm>> -> memref<80x128xf32, #tpu.memory_space<hbm>>
      %dma_wait3A_1537 = arith.constant 0 : i32
      %dma_wait3A_1538 = arith.constant 0 : i32
      %dma_wait3A_1539 = tpu.memref_slice %arg6[%dma_wait3A_1529, %dma_wait3A_1537, %dma_wait3A_1538] : memref<8x80x128xf32, #tpu.memory_space<vmem>> -> memref<1x80x128xf32, #tpu.memory_space<vmem>>
      %dma_wait3A_1540 = tpu.memref_squeeze %dma_wait3A_1539 : memref<1x80x128xf32, #tpu.memory_space<vmem>> -> memref<80x128xf32, #tpu.memory_space<vmem>>
      %dma_wait3A_1541 = arith.constant 0 : i32
      %dma_wait3A_1542 = arith.constant 0 : i32
      %dma_wait3A_1543 = tpu.memref_slice %arg4[%dma_wait3A_1541, %dma_wait3A_1542] : memref<3276800x128xf32, #tpu.memory_space<hbm>> -> memref<80x128xf32, #tpu.memory_space<hbm>>
      tpu.wait_dma2 semaphore(%arg9 : memref<!tpu.dma_semaphore, #tpu.memory_space<semaphore_mem>>) src(%dma_wait3A_1543 : memref<80x128xf32, #tpu.memory_space<hbm>>) dst(%dma_wait3A_1540 : memref<80x128xf32, #tpu.memory_space<vmem>>)
      %add3A_1544 = arith.constant 6 : i32
      %add3A_1545 = arith.addi %add3A_1129, %add3A_1544 : i32
      %mul3A_1546 = arith.constant 80 : i32
      %mul3A_1547 = arith.muli %add3A_1545, %mul3A_1546 : i32
      %dma_start3A_1548 = arith.constant 6 : i32
      %dma_start3A_1549 = arith.constant 0 : i32
      %dma_start3A_1550 = arith.constant 0 : i32
      %dma_start3A_1551 = tpu.memref_slice %arg6[%dma_start3A_1548, %dma_start3A_1549, %dma_start3A_1550] : memref<8x80x128xf32, #tpu.memory_space<vmem>> -> memref<1x80x128xf32, #tpu.memory_space<vmem>>
      %dma_start3A_1552 = tpu.memref_squeeze %dma_start3A_1551 : memref<1x80x128xf32, #tpu.memory_space<vmem>> -> memref<80x128xf32, #tpu.memory_space<vmem>>
      %dma_start3A_1553 = arith.constant 0 : i32
      %dma_start3A_1554 = tpu.memref_slice %arg4[%mul3A_1547, %dma_start3A_1553] : memref<3276800x128xf32, #tpu.memory_space<hbm>> -> memref<80x128xf32, #tpu.memory_space<hbm>>
      %dma_start3A_1555 = arith.constant 0 : i32
      %dma_start3A_1556 = tpu.memref_slice %arg4[%mul3A_1547, %dma_start3A_1555] : memref<3276800x128xf32, #tpu.memory_space<hbm>> -> memref<80x128xf32, #tpu.memory_space<hbm>>
      %dma_start3A_1557 = arith.constant 0 : i32
      %dma_start3A_1558 = arith.constant 0 : i32
      %dma_start3A_1559 = tpu.memref_slice %arg6[%dma_start3A_1548, %dma_start3A_1557, %dma_start3A_1558] : memref<8x80x128xf32, #tpu.memory_space<vmem>> -> memref<1x80x128xf32, #tpu.memory_space<vmem>>
      %dma_start3A_1560 = tpu.memref_squeeze %dma_start3A_1559 : memref<1x80x128xf32, #tpu.memory_space<vmem>> -> memref<80x128xf32, #tpu.memory_space<vmem>>
      tpu.enqueue_dma source(%dma_start3A_1560 : memref<80x128xf32, #tpu.memory_space<vmem>>) target(%dma_start3A_1556 : memref<80x128xf32, #tpu.memory_space<hbm>>) target_semaphore(%arg10 : memref<!tpu.dma_semaphore, #tpu.memory_space<semaphore_mem>>)
      %dma_wait3A_1561 = arith.constant 0 : i32
      %dma_wait3A_1562 = arith.constant 0 : i32
      %dma_wait3A_1563 = arith.constant 0 : i32
      %dma_wait3A_1564 = tpu.memref_slice %arg6[%dma_wait3A_1561, %dma_wait3A_1562, %dma_wait3A_1563] : memref<8x80x128xf32, #tpu.memory_space<vmem>> -> memref<1x80x128xf32, #tpu.memory_space<vmem>>
      %dma_wait3A_1565 = tpu.memref_squeeze %dma_wait3A_1564 : memref<1x80x128xf32, #tpu.memory_space<vmem>> -> memref<80x128xf32, #tpu.memory_space<vmem>>
      %dma_wait3A_1566 = arith.constant 0 : i32
      %dma_wait3A_1567 = arith.constant 0 : i32
      %dma_wait3A_1568 = tpu.memref_slice %arg4[%dma_wait3A_1566, %dma_wait3A_1567] : memref<3276800x128xf32, #tpu.memory_space<hbm>> -> memref<80x128xf32, #tpu.memory_space<hbm>>
      %dma_wait3A_1569 = arith.constant 0 : i32
      %dma_wait3A_1570 = arith.constant 0 : i32
      %dma_wait3A_1571 = tpu.memref_slice %arg4[%dma_wait3A_1569, %dma_wait3A_1570] : memref<3276800x128xf32, #tpu.memory_space<hbm>> -> memref<80x128xf32, #tpu.memory_space<hbm>>
      %dma_wait3A_1572 = arith.constant 0 : i32
      %dma_wait3A_1573 = arith.constant 0 : i32
      %dma_wait3A_1574 = tpu.memref_slice %arg6[%dma_wait3A_1561, %dma_wait3A_1572, %dma_wait3A_1573] : memref<8x80x128xf32, #tpu.memory_space<vmem>> -> memref<1x80x128xf32, #tpu.memory_space<vmem>>
      %dma_wait3A_1575 = tpu.memref_squeeze %dma_wait3A_1574 : memref<1x80x128xf32, #tpu.memory_space<vmem>> -> memref<80x128xf32, #tpu.memory_space<vmem>>
      tpu.wait_dma2 semaphore(%arg10 : memref<!tpu.dma_semaphore, #tpu.memory_space<semaphore_mem>>) src(%dma_wait3A_1575 : memref<80x128xf32, #tpu.memory_space<vmem>>) dst(%dma_wait3A_1571 : memref<80x128xf32, #tpu.memory_space<hbm>>)
      %dma_start3A_1576 = arith.constant 0 : i32
      %dma_start3A_1577 = arith.constant 2 : i32
      %dma_start3A_1578 = arith.constant 2 : i32
      %dma_start3A_1579 = arith.constant 0 : i32
      %dma_start3A_1580 = arith.constant 0 : i32
      %dma_start3A_1581 = tpu.memref_slice %arg6[%dma_start3A_1578, %dma_start3A_1579, %dma_start3A_1580] : memref<8x80x128xf32, #tpu.memory_space<vmem>> -> memref<1x80x128xf32, #tpu.memory_space<vmem>>
      %dma_start3A_1582 = tpu.memref_squeeze %dma_start3A_1581 : memref<1x80x128xf32, #tpu.memory_space<vmem>> -> memref<80x128xf32, #tpu.memory_space<vmem>>
      %dma_start3A_1583 = arith.constant 0 : i32
      %dma_start3A_1584 = arith.constant 0 : i32
      %dma_start3A_1585 = tpu.memref_slice %arg5[%dma_start3A_1576, %dma_start3A_1583, %dma_start3A_1584] : memref<2x8x80xi32, #tpu.memory_space<vmem>> -> memref<1x8x80xi32, #tpu.memory_space<vmem>>
      %dma_start3A_1586 = tpu.memref_squeeze %dma_start3A_1585 : memref<1x8x80xi32, #tpu.memory_space<vmem>> -> memref<8x80xi32, #tpu.memory_space<vmem>>
      %dma_start3A_1587 = arith.constant 0 : i32
      %dma_start3A_1588 = tpu.memref_slice %dma_start3A_1586[%dma_start3A_1577, %dma_start3A_1587] : memref<8x80xi32, #tpu.memory_space<vmem>> -> memref<1x80xi32, #tpu.memory_space<vmem>>
      %dma_start3A_1589 = tpu.memref_squeeze %dma_start3A_1588 : memref<1x80xi32, #tpu.memory_space<vmem>> -> memref<80xi32, #tpu.memory_space<vmem>>
      %dma_start3A_1590 = arith.constant 0 : i32
      %dma_start3A_1591 = arith.constant 0 : i32
      %dma_start3A_1592 = tpu.memref_slice %arg7[%dma_start3A_1590, %dma_start3A_1591] : memref<1000x128xf32, #tpu.memory_space<vmem_shared>> -> memref<1000x128xf32, #tpu.memory_space<vmem_shared>>
      tpu.enqueue_indirect_dma source(%dma_start3A_1592 : memref<1000x128xf32, #tpu.memory_space<vmem_shared>>) target(%dma_start3A_1582 : memref<80x128xf32, #tpu.memory_space<vmem>>) offsets(%dma_start3A_1589 : memref<80xi32, #tpu.memory_space<vmem>>) semaphore(%arg9 : memref<!tpu.dma_semaphore, #tpu.memory_space<semaphore_mem>>)
      %dma_wait3A_1593 = arith.constant 0 : i32
      %dma_wait3A_1594 = arith.constant 0 : i32
      %dma_wait3A_1595 = arith.constant 0 : i32
      %dma_wait3A_1596 = tpu.memref_slice %arg6[%dma_wait3A_1593, %dma_wait3A_1594, %dma_wait3A_1595] : memref<8x80x128xf32, #tpu.memory_space<vmem>> -> memref<1x80x128xf32, #tpu.memory_space<vmem>>
      %dma_wait3A_1597 = tpu.memref_squeeze %dma_wait3A_1596 : memref<1x80x128xf32, #tpu.memory_space<vmem>> -> memref<80x128xf32, #tpu.memory_space<vmem>>
      %dma_wait3A_1598 = arith.constant 0 : i32
      %dma_wait3A_1599 = arith.constant 0 : i32
      %dma_wait3A_1600 = tpu.memref_slice %arg4[%dma_wait3A_1598, %dma_wait3A_1599] : memref<3276800x128xf32, #tpu.memory_space<hbm>> -> memref<80x128xf32, #tpu.memory_space<hbm>>
      %dma_wait3A_1601 = arith.constant 0 : i32
      %dma_wait3A_1602 = arith.constant 0 : i32
      %dma_wait3A_1603 = tpu.memref_slice %arg6[%dma_wait3A_1593, %dma_wait3A_1601, %dma_wait3A_1602] : memref<8x80x128xf32, #tpu.memory_space<vmem>> -> memref<1x80x128xf32, #tpu.memory_space<vmem>>
      %dma_wait3A_1604 = tpu.memref_squeeze %dma_wait3A_1603 : memref<1x80x128xf32, #tpu.memory_space<vmem>> -> memref<80x128xf32, #tpu.memory_space<vmem>>
      %dma_wait3A_1605 = arith.constant 0 : i32
      %dma_wait3A_1606 = arith.constant 0 : i32
      %dma_wait3A_1607 = tpu.memref_slice %arg4[%dma_wait3A_1605, %dma_wait3A_1606] : memref<3276800x128xf32, #tpu.memory_space<hbm>> -> memref<80x128xf32, #tpu.memory_space<hbm>>
      tpu.wait_dma2 semaphore(%arg9 : memref<!tpu.dma_semaphore, #tpu.memory_space<semaphore_mem>>) src(%dma_wait3A_1607 : memref<80x128xf32, #tpu.memory_space<hbm>>) dst(%dma_wait3A_1604 : memref<80x128xf32, #tpu.memory_space<vmem>>)
      %add3A_1608 = arith.constant 7 : i32
      %add3A_1609 = arith.addi %add3A_1129, %add3A_1608 : i32
      %mul3A_1610 = arith.constant 80 : i32
      %mul3A_1611 = arith.muli %add3A_1609, %mul3A_1610 : i32
      %dma_start3A_1612 = arith.constant 7 : i32
      %dma_start3A_1613 = arith.constant 0 : i32
      %dma_start3A_1614 = arith.constant 0 : i32
      %dma_start3A_1615 = tpu.memref_slice %arg6[%dma_start3A_1612, %dma_start3A_1613, %dma_start3A_1614] : memref<8x80x128xf32, #tpu.memory_space<vmem>> -> memref<1x80x128xf32, #tpu.memory_space<vmem>>
      %dma_start3A_1616 = tpu.memref_squeeze %dma_start3A_1615 : memref<1x80x128xf32, #tpu.memory_space<vmem>> -> memref<80x128xf32, #tpu.memory_space<vmem>>
      %dma_start3A_1617 = arith.constant 0 : i32
      %dma_start3A_1618 = tpu.memref_slice %arg4[%mul3A_1611, %dma_start3A_1617] : memref<3276800x128xf32, #tpu.memory_space<hbm>> -> memref<80x128xf32, #tpu.memory_space<hbm>>
      %dma_start3A_1619 = arith.constant 0 : i32
      %dma_start3A_1620 = tpu.memref_slice %arg4[%mul3A_1611, %dma_start3A_1619] : memref<3276800x128xf32, #tpu.memory_space<hbm>> -> memref<80x128xf32, #tpu.memory_space<hbm>>
      %dma_start3A_1621 = arith.constant 0 : i32
      %dma_start3A_1622 = arith.constant 0 : i32
      %dma_start3A_1623 = tpu.memref_slice %arg6[%dma_start3A_1612, %dma_start3A_1621, %dma_start3A_1622] : memref<8x80x128xf32, #tpu.memory_space<vmem>> -> memref<1x80x128xf32, #tpu.memory_space<vmem>>
      %dma_start3A_1624 = tpu.memref_squeeze %dma_start3A_1623 : memref<1x80x128xf32, #tpu.memory_space<vmem>> -> memref<80x128xf32, #tpu.memory_space<vmem>>
      tpu.enqueue_dma source(%dma_start3A_1624 : memref<80x128xf32, #tpu.memory_space<vmem>>) target(%dma_start3A_1620 : memref<80x128xf32, #tpu.memory_space<hbm>>) target_semaphore(%arg10 : memref<!tpu.dma_semaphore, #tpu.memory_space<semaphore_mem>>)
      %dma_wait3A_1625 = arith.constant 0 : i32
      %dma_wait3A_1626 = arith.constant 0 : i32
      %dma_wait3A_1627 = arith.constant 0 : i32
      %dma_wait3A_1628 = tpu.memref_slice %arg6[%dma_wait3A_1625, %dma_wait3A_1626, %dma_wait3A_1627] : memref<8x80x128xf32, #tpu.memory_space<vmem>> -> memref<1x80x128xf32, #tpu.memory_space<vmem>>
      %dma_wait3A_1629 = tpu.memref_squeeze %dma_wait3A_1628 : memref<1x80x128xf32, #tpu.memory_space<vmem>> -> memref<80x128xf32, #tpu.memory_space<vmem>>
      %dma_wait3A_1630 = arith.constant 0 : i32
      %dma_wait3A_1631 = arith.constant 0 : i32
      %dma_wait3A_1632 = tpu.memref_slice %arg4[%dma_wait3A_1630, %dma_wait3A_1631] : memref<3276800x128xf32, #tpu.memory_space<hbm>> -> memref<80x128xf32, #tpu.memory_space<hbm>>
      %dma_wait3A_1633 = arith.constant 0 : i32
      %dma_wait3A_1634 = arith.constant 0 : i32
      %dma_wait3A_1635 = tpu.memref_slice %arg4[%dma_wait3A_1633, %dma_wait3A_1634] : memref<3276800x128xf32, #tpu.memory_space<hbm>> -> memref<80x128xf32, #tpu.memory_space<hbm>>
      %dma_wait3A_1636 = arith.constant 0 : i32
      %dma_wait3A_1637 = arith.constant 0 : i32
      %dma_wait3A_1638 = tpu.memref_slice %arg6[%dma_wait3A_1625, %dma_wait3A_1636, %dma_wait3A_1637] : memref<8x80x128xf32, #tpu.memory_space<vmem>> -> memref<1x80x128xf32, #tpu.memory_space<vmem>>
      %dma_wait3A_1639 = tpu.memref_squeeze %dma_wait3A_1638 : memref<1x80x128xf32, #tpu.memory_space<vmem>> -> memref<80x128xf32, #tpu.memory_space<vmem>>
      tpu.wait_dma2 semaphore(%arg10 : memref<!tpu.dma_semaphore, #tpu.memory_space<semaphore_mem>>) src(%dma_wait3A_1639 : memref<80x128xf32, #tpu.memory_space<vmem>>) dst(%dma_wait3A_1635 : memref<80x128xf32, #tpu.memory_space<hbm>>)
      %dma_start3A_1640 = arith.constant 0 : i32
      %dma_start3A_1641 = arith.constant 3 : i32
      %dma_start3A_1642 = arith.constant 3 : i32
      %dma_start3A_1643 = arith.constant 0 : i32
      %dma_start3A_1644 = arith.constant 0 : i32
      %dma_start3A_1645 = tpu.memref_slice %arg6[%dma_start3A_1642, %dma_start3A_1643, %dma_start3A_1644] : memref<8x80x128xf32, #tpu.memory_space<vmem>> -> memref<1x80x128xf32, #tpu.memory_space<vmem>>
      %dma_start3A_1646 = tpu.memref_squeeze %dma_start3A_1645 : memref<1x80x128xf32, #tpu.memory_space<vmem>> -> memref<80x128xf32, #tpu.memory_space<vmem>>
      %dma_start3A_1647 = arith.constant 0 : i32
      %dma_start3A_1648 = arith.constant 0 : i32
      %dma_start3A_1649 = tpu.memref_slice %arg5[%dma_start3A_1640, %dma_start3A_1647, %dma_start3A_1648] : memref<2x8x80xi32, #tpu.memory_space<vmem>> -> memref<1x8x80xi32, #tpu.memory_space<vmem>>
      %dma_start3A_1650 = tpu.memref_squeeze %dma_start3A_1649 : memref<1x8x80xi32, #tpu.memory_space<vmem>> -> memref<8x80xi32, #tpu.memory_space<vmem>>
      %dma_start3A_1651 = arith.constant 0 : i32
      %dma_start3A_1652 = tpu.memref_slice %dma_start3A_1650[%dma_start3A_1641, %dma_start3A_1651] : memref<8x80xi32, #tpu.memory_space<vmem>> -> memref<1x80xi32, #tpu.memory_space<vmem>>
      %dma_start3A_1653 = tpu.memref_squeeze %dma_start3A_1652 : memref<1x80xi32, #tpu.memory_space<vmem>> -> memref<80xi32, #tpu.memory_space<vmem>>
      %dma_start3A_1654 = arith.constant 0 : i32
      %dma_start3A_1655 = arith.constant 0 : i32
      %dma_start3A_1656 = tpu.memref_slice %arg7[%dma_start3A_1654, %dma_start3A_1655] : memref<1000x128xf32, #tpu.memory_space<vmem_shared>> -> memref<1000x128xf32, #tpu.memory_space<vmem_shared>>
      tpu.enqueue_indirect_dma source(%dma_start3A_1656 : memref<1000x128xf32, #tpu.memory_space<vmem_shared>>) target(%dma_start3A_1646 : memref<80x128xf32, #tpu.memory_space<vmem>>) offsets(%dma_start3A_1653 : memref<80xi32, #tpu.memory_space<vmem>>) semaphore(%arg9 : memref<!tpu.dma_semaphore, #tpu.memory_space<semaphore_mem>>)
      %add3A_1657 = arith.constant 2 : i32
      %add3A_1658 = arith.addi %add3A_1126, %add3A_1657 : i32
      %min3A = arith.constant 159 : i32
      %min3A_1659 = arith.minsi %add3A_1658, %min3A : i32
      %mul3A_1660 = arith.constant 8 : i32
      %mul3A_1661 = arith.muli %min3A_1659, %mul3A_1660 : i32
      %add3A_1662 = arith.addi %mul3A_2, %mul3A_1661 : i32
      %dma_start3A_1663 = arith.constant 1 : i32
      %dma_start3A_1664 = arith.constant 0 : i32
      %dma_start3A_1665 = arith.constant 0 : i32
      %dma_start3A_1666 = tpu.memref_slice %arg5[%dma_start3A_1663, %dma_start3A_1664, %dma_start3A_1665] : memref<2x8x80xi32, #tpu.memory_space<vmem>> -> memref<1x8x80xi32, #tpu.memory_space<vmem>>
      %dma_start3A_1667 = tpu.memref_squeeze %dma_start3A_1666 : memref<1x8x80xi32, #tpu.memory_space<vmem>> -> memref<8x80xi32, #tpu.memory_space<vmem>>
      %dma_start3A_1668 = arith.constant 0 : i32
      %dma_start3A_1669 = tpu.memref_slice %arg2[%add3A_1662, %dma_start3A_1668] : memref<40960x80xi32, #tpu.memory_space<hbm>> -> memref<8x80xi32, #tpu.memory_space<hbm>>
      %dma_start3A_1670 = arith.constant 0 : i32
      %dma_start3A_1671 = arith.constant 0 : i32
      %dma_start3A_1672 = tpu.memref_slice %arg5[%dma_start3A_1663, %dma_start3A_1670, %dma_start3A_1671] : memref<2x8x80xi32, #tpu.memory_space<vmem>> -> memref<1x8x80xi32, #tpu.memory_space<vmem>>
      %dma_start3A_1673 = tpu.memref_squeeze %dma_start3A_1672 : memref<1x8x80xi32, #tpu.memory_space<vmem>> -> memref<8x80xi32, #tpu.memory_space<vmem>>
      %dma_start3A_1674 = arith.constant 0 : i32
      %dma_start3A_1675 = tpu.memref_slice %arg2[%add3A_1662, %dma_start3A_1674] : memref<40960x80xi32, #tpu.memory_space<hbm>> -> memref<8x80xi32, #tpu.memory_space<hbm>>
      tpu.enqueue_dma source(%dma_start3A_1675 : memref<8x80xi32, #tpu.memory_space<hbm>>) target(%dma_start3A_1673 : memref<8x80xi32, #tpu.memory_space<vmem>>) target_semaphore(%arg8 : memref<!tpu.dma_semaphore, #tpu.memory_space<semaphore_mem>>)
      %mul3A_1676 = arith.constant 2 : i32
      %mul3A_1677 = arith.muli %mul3A_1676, %scan3A_1122 : i32
      %add3A_1678 = arith.constant 2 : i32
      %add3A_1679 = arith.addi %add3A_1678, %mul3A_1677 : i32
      %mul3A_1680 = arith.constant 8 : i32
      %mul3A_1681 = arith.muli %add3A_1679, %mul3A_1680 : i32
      %add3A_1682 = arith.addi %mul3A_2, %mul3A_1681 : i32
      %dma_wait3A_1683 = arith.constant 0 : i32
      %dma_wait3A_1684 = arith.constant 0 : i32
      %dma_wait3A_1685 = arith.constant 0 : i32
      %dma_wait3A_1686 = tpu.memref_slice %arg6[%dma_wait3A_1683, %dma_wait3A_1684, %dma_wait3A_1685] : memref<8x80x128xf32, #tpu.memory_space<vmem>> -> memref<1x80x128xf32, #tpu.memory_space<vmem>>
      %dma_wait3A_1687 = tpu.memref_squeeze %dma_wait3A_1686 : memref<1x80x128xf32, #tpu.memory_space<vmem>> -> memref<80x128xf32, #tpu.memory_space<vmem>>
      %dma_wait3A_1688 = arith.constant 0 : i32
      %dma_wait3A_1689 = arith.constant 0 : i32
      %dma_wait3A_1690 = tpu.memref_slice %arg4[%dma_wait3A_1688, %dma_wait3A_1689] : memref<3276800x128xf32, #tpu.memory_space<hbm>> -> memref<80x128xf32, #tpu.memory_space<hbm>>
      %dma_wait3A_1691 = arith.constant 0 : i32
      %dma_wait3A_1692 = arith.constant 0 : i32
      %dma_wait3A_1693 = tpu.memref_slice %arg6[%dma_wait3A_1683, %dma_wait3A_1691, %dma_wait3A_1692] : memref<8x80x128xf32, #tpu.memory_space<vmem>> -> memref<1x80x128xf32, #tpu.memory_space<vmem>>
      %dma_wait3A_1694 = tpu.memref_squeeze %dma_wait3A_1693 : memref<1x80x128xf32, #tpu.memory_space<vmem>> -> memref<80x128xf32, #tpu.memory_space<vmem>>
      %dma_wait3A_1695 = arith.constant 0 : i32
      %dma_wait3A_1696 = arith.constant 0 : i32
      %dma_wait3A_1697 = tpu.memref_slice %arg4[%dma_wait3A_1695, %dma_wait3A_1696] : memref<3276800x128xf32, #tpu.memory_space<hbm>> -> memref<80x128xf32, #tpu.memory_space<hbm>>
      tpu.wait_dma2 semaphore(%arg9 : memref<!tpu.dma_semaphore, #tpu.memory_space<semaphore_mem>>) src(%dma_wait3A_1697 : memref<80x128xf32, #tpu.memory_space<hbm>>) dst(%dma_wait3A_1694 : memref<80x128xf32, #tpu.memory_space<vmem>>)
      %add3A_1698 = arith.constant 0 : i32
      %add3A_1699 = arith.addi %add3A_1682, %add3A_1698 : i32
      %mul3A_1700 = arith.constant 80 : i32
      %mul3A_1701 = arith.muli %add3A_1699, %mul3A_1700 : i32
      %dma_start3A_1702 = arith.constant 0 : i32
      %dma_start3A_1703 = arith.constant 0 : i32
      %dma_start3A_1704 = arith.constant 0 : i32
      %dma_start3A_1705 = tpu.memref_slice %arg6[%dma_start3A_1702, %dma_start3A_1703, %dma_start3A_1704] : memref<8x80x128xf32, #tpu.memory_space<vmem>> -> memref<1x80x128xf32, #tpu.memory_space<vmem>>
      %dma_start3A_1706 = tpu.memref_squeeze %dma_start3A_1705 : memref<1x80x128xf32, #tpu.memory_space<vmem>> -> memref<80x128xf32, #tpu.memory_space<vmem>>
      %dma_start3A_1707 = arith.constant 0 : i32
      %dma_start3A_1708 = tpu.memref_slice %arg4[%mul3A_1701, %dma_start3A_1707] : memref<3276800x128xf32, #tpu.memory_space<hbm>> -> memref<80x128xf32, #tpu.memory_space<hbm>>
      %dma_start3A_1709 = arith.constant 0 : i32
      %dma_start3A_1710 = tpu.memref_slice %arg4[%mul3A_1701, %dma_start3A_1709] : memref<3276800x128xf32, #tpu.memory_space<hbm>> -> memref<80x128xf32, #tpu.memory_space<hbm>>
      %dma_start3A_1711 = arith.constant 0 : i32
      %dma_start3A_1712 = arith.constant 0 : i32
      %dma_start3A_1713 = tpu.memref_slice %arg6[%dma_start3A_1702, %dma_start3A_1711, %dma_start3A_1712] : memref<8x80x128xf32, #tpu.memory_space<vmem>> -> memref<1x80x128xf32, #tpu.memory_space<vmem>>
      %dma_start3A_1714 = tpu.memref_squeeze %dma_start3A_1713 : memref<1x80x128xf32, #tpu.memory_space<vmem>> -> memref<80x128xf32, #tpu.memory_space<vmem>>
      tpu.enqueue_dma source(%dma_start3A_1714 : memref<80x128xf32, #tpu.memory_space<vmem>>) target(%dma_start3A_1710 : memref<80x128xf32, #tpu.memory_space<hbm>>) target_semaphore(%arg10 : memref<!tpu.dma_semaphore, #tpu.memory_space<semaphore_mem>>)
      %dma_wait3A_1715 = arith.constant 0 : i32
      %dma_wait3A_1716 = arith.constant 0 : i32
      %dma_wait3A_1717 = arith.constant 0 : i32
      %dma_wait3A_1718 = tpu.memref_slice %arg6[%dma_wait3A_1715, %dma_wait3A_1716, %dma_wait3A_1717] : memref<8x80x128xf32, #tpu.memory_space<vmem>> -> memref<1x80x128xf32, #tpu.memory_space<vmem>>
      %dma_wait3A_1719 = tpu.memref_squeeze %dma_wait3A_1718 : memref<1x80x128xf32, #tpu.memory_space<vmem>> -> memref<80x128xf32, #tpu.memory_space<vmem>>
      %dma_wait3A_1720 = arith.constant 0 : i32
      %dma_wait3A_1721 = arith.constant 0 : i32
      %dma_wait3A_1722 = tpu.memref_slice %arg4[%dma_wait3A_1720, %dma_wait3A_1721] : memref<3276800x128xf32, #tpu.memory_space<hbm>> -> memref<80x128xf32, #tpu.memory_space<hbm>>
      %dma_wait3A_1723 = arith.constant 0 : i32
      %dma_wait3A_1724 = arith.constant 0 : i32
      %dma_wait3A_1725 = tpu.memref_slice %arg4[%dma_wait3A_1723, %dma_wait3A_1724] : memref<3276800x128xf32, #tpu.memory_space<hbm>> -> memref<80x128xf32, #tpu.memory_space<hbm>>
      %dma_wait3A_1726 = arith.constant 0 : i32
      %dma_wait3A_1727 = arith.constant 0 : i32
      %dma_wait3A_1728 = tpu.memref_slice %arg6[%dma_wait3A_1715, %dma_wait3A_1726, %dma_wait3A_1727] : memref<8x80x128xf32, #tpu.memory_space<vmem>> -> memref<1x80x128xf32, #tpu.memory_space<vmem>>
      %dma_wait3A_1729 = tpu.memref_squeeze %dma_wait3A_1728 : memref<1x80x128xf32, #tpu.memory_space<vmem>> -> memref<80x128xf32, #tpu.memory_space<vmem>>
      tpu.wait_dma2 semaphore(%arg10 : memref<!tpu.dma_semaphore, #tpu.memory_space<semaphore_mem>>) src(%dma_wait3A_1729 : memref<80x128xf32, #tpu.memory_space<vmem>>) dst(%dma_wait3A_1725 : memref<80x128xf32, #tpu.memory_space<hbm>>)
      %dma_start3A_1730 = arith.constant 0 : i32
      %dma_start3A_1731 = arith.constant 4 : i32
      %dma_start3A_1732 = arith.constant 4 : i32
      %dma_start3A_1733 = arith.constant 0 : i32
      %dma_start3A_1734 = arith.constant 0 : i32
      %dma_start3A_1735 = tpu.memref_slice %arg6[%dma_start3A_1732, %dma_start3A_1733, %dma_start3A_1734] : memref<8x80x128xf32, #tpu.memory_space<vmem>> -> memref<1x80x128xf32, #tpu.memory_space<vmem>>
      %dma_start3A_1736 = tpu.memref_squeeze %dma_start3A_1735 : memref<1x80x128xf32, #tpu.memory_space<vmem>> -> memref<80x128xf32, #tpu.memory_space<vmem>>
      %dma_start3A_1737 = arith.constant 0 : i32
      %dma_start3A_1738 = arith.constant 0 : i32
      %dma_start3A_1739 = tpu.memref_slice %arg5[%dma_start3A_1730, %dma_start3A_1737, %dma_start3A_1738] : memref<2x8x80xi32, #tpu.memory_space<vmem>> -> memref<1x8x80xi32, #tpu.memory_space<vmem>>
      %dma_start3A_1740 = tpu.memref_squeeze %dma_start3A_1739 : memref<1x8x80xi32, #tpu.memory_space<vmem>> -> memref<8x80xi32, #tpu.memory_space<vmem>>
      %dma_start3A_1741 = arith.constant 0 : i32
      %dma_start3A_1742 = tpu.memref_slice %dma_start3A_1740[%dma_start3A_1731, %dma_start3A_1741] : memref<8x80xi32, #tpu.memory_space<vmem>> -> memref<1x80xi32, #tpu.memory_space<vmem>>
      %dma_start3A_1743 = tpu.memref_squeeze %dma_start3A_1742 : memref<1x80xi32, #tpu.memory_space<vmem>> -> memref<80xi32, #tpu.memory_space<vmem>>
      %dma_start3A_1744 = arith.constant 0 : i32
      %dma_start3A_1745 = arith.constant 0 : i32
      %dma_start3A_1746 = tpu.memref_slice %arg7[%dma_start3A_1744, %dma_start3A_1745] : memref<1000x128xf32, #tpu.memory_space<vmem_shared>> -> memref<1000x128xf32, #tpu.memory_space<vmem_shared>>
      tpu.enqueue_indirect_dma source(%dma_start3A_1746 : memref<1000x128xf32, #tpu.memory_space<vmem_shared>>) target(%dma_start3A_1736 : memref<80x128xf32, #tpu.memory_space<vmem>>) offsets(%dma_start3A_1743 : memref<80xi32, #tpu.memory_space<vmem>>) semaphore(%arg9 : memref<!tpu.dma_semaphore, #tpu.memory_space<semaphore_mem>>)
      %dma_wait3A_1747 = arith.constant 0 : i32
      %dma_wait3A_1748 = arith.constant 0 : i32
      %dma_wait3A_1749 = arith.constant 0 : i32
      %dma_wait3A_1750 = tpu.memref_slice %arg6[%dma_wait3A_1747, %dma_wait3A_1748, %dma_wait3A_1749] : memref<8x80x128xf32, #tpu.memory_space<vmem>> -> memref<1x80x128xf32, #tpu.memory_space<vmem>>
      %dma_wait3A_1751 = tpu.memref_squeeze %dma_wait3A_1750 : memref<1x80x128xf32, #tpu.memory_space<vmem>> -> memref<80x128xf32, #tpu.memory_space<vmem>>
      %dma_wait3A_1752 = arith.constant 0 : i32
      %dma_wait3A_1753 = arith.constant 0 : i32
      %dma_wait3A_1754 = tpu.memref_slice %arg4[%dma_wait3A_1752, %dma_wait3A_1753] : memref<3276800x128xf32, #tpu.memory_space<hbm>> -> memref<80x128xf32, #tpu.memory_space<hbm>>
      %dma_wait3A_1755 = arith.constant 0 : i32
      %dma_wait3A_1756 = arith.constant 0 : i32
      %dma_wait3A_1757 = tpu.memref_slice %arg6[%dma_wait3A_1747, %dma_wait3A_1755, %dma_wait3A_1756] : memref<8x80x128xf32, #tpu.memory_space<vmem>> -> memref<1x80x128xf32, #tpu.memory_space<vmem>>
      %dma_wait3A_1758 = tpu.memref_squeeze %dma_wait3A_1757 : memref<1x80x128xf32, #tpu.memory_space<vmem>> -> memref<80x128xf32, #tpu.memory_space<vmem>>
      %dma_wait3A_1759 = arith.constant 0 : i32
      %dma_wait3A_1760 = arith.constant 0 : i32
      %dma_wait3A_1761 = tpu.memref_slice %arg4[%dma_wait3A_1759, %dma_wait3A_1760] : memref<3276800x128xf32, #tpu.memory_space<hbm>> -> memref<80x128xf32, #tpu.memory_space<hbm>>
      tpu.wait_dma2 semaphore(%arg9 : memref<!tpu.dma_semaphore, #tpu.memory_space<semaphore_mem>>) src(%dma_wait3A_1761 : memref<80x128xf32, #tpu.memory_space<hbm>>) dst(%dma_wait3A_1758 : memref<80x128xf32, #tpu.memory_space<vmem>>)
      %add3A_1762 = arith.constant 1 : i32
      %add3A_1763 = arith.addi %add3A_1682, %add3A_1762 : i32
      %mul3A_1764 = arith.constant 80 : i32
      %mul3A_1765 = arith.muli %add3A_1763, %mul3A_1764 : i32
      %dma_start3A_1766 = arith.constant 1 : i32
      %dma_start3A_1767 = arith.constant 0 : i32
      %dma_start3A_1768 = arith.constant 0 : i32
      %dma_start3A_1769 = tpu.memref_slice %arg6[%dma_start3A_1766, %dma_start3A_1767, %dma_start3A_1768] : memref<8x80x128xf32, #tpu.memory_space<vmem>> -> memref<1x80x128xf32, #tpu.memory_space<vmem>>
      %dma_start3A_1770 = tpu.memref_squeeze %dma_start3A_1769 : memref<1x80x128xf32, #tpu.memory_space<vmem>> -> memref<80x128xf32, #tpu.memory_space<vmem>>
      %dma_start3A_1771 = arith.constant 0 : i32
      %dma_start3A_1772 = tpu.memref_slice %arg4[%mul3A_1765, %dma_start3A_1771] : memref<3276800x128xf32, #tpu.memory_space<hbm>> -> memref<80x128xf32, #tpu.memory_space<hbm>>
      %dma_start3A_1773 = arith.constant 0 : i32
      %dma_start3A_1774 = tpu.memref_slice %arg4[%mul3A_1765, %dma_start3A_1773] : memref<3276800x128xf32, #tpu.memory_space<hbm>> -> memref<80x128xf32, #tpu.memory_space<hbm>>
      %dma_start3A_1775 = arith.constant 0 : i32
      %dma_start3A_1776 = arith.constant 0 : i32
      %dma_start3A_1777 = tpu.memref_slice %arg6[%dma_start3A_1766, %dma_start3A_1775, %dma_start3A_1776] : memref<8x80x128xf32, #tpu.memory_space<vmem>> -> memref<1x80x128xf32, #tpu.memory_space<vmem>>
      %dma_start3A_1778 = tpu.memref_squeeze %dma_start3A_1777 : memref<1x80x128xf32, #tpu.memory_space<vmem>> -> memref<80x128xf32, #tpu.memory_space<vmem>>
      tpu.enqueue_dma source(%dma_start3A_1778 : memref<80x128xf32, #tpu.memory_space<vmem>>) target(%dma_start3A_1774 : memref<80x128xf32, #tpu.memory_space<hbm>>) target_semaphore(%arg10 : memref<!tpu.dma_semaphore, #tpu.memory_space<semaphore_mem>>)
      %dma_wait3A_1779 = arith.constant 0 : i32
      %dma_wait3A_1780 = arith.constant 0 : i32
      %dma_wait3A_1781 = arith.constant 0 : i32
      %dma_wait3A_1782 = tpu.memref_slice %arg6[%dma_wait3A_1779, %dma_wait3A_1780, %dma_wait3A_1781] : memref<8x80x128xf32, #tpu.memory_space<vmem>> -> memref<1x80x128xf32, #tpu.memory_space<vmem>>
      %dma_wait3A_1783 = tpu.memref_squeeze %dma_wait3A_1782 : memref<1x80x128xf32, #tpu.memory_space<vmem>> -> memref<80x128xf32, #tpu.memory_space<vmem>>
      %dma_wait3A_1784 = arith.constant 0 : i32
      %dma_wait3A_1785 = arith.constant 0 : i32
      %dma_wait3A_1786 = tpu.memref_slice %arg4[%dma_wait3A_1784, %dma_wait3A_1785] : memref<3276800x128xf32, #tpu.memory_space<hbm>> -> memref<80x128xf32, #tpu.memory_space<hbm>>
      %dma_wait3A_1787 = arith.constant 0 : i32
      %dma_wait3A_1788 = arith.constant 0 : i32
      %dma_wait3A_1789 = tpu.memref_slice %arg4[%dma_wait3A_1787, %dma_wait3A_1788] : memref<3276800x128xf32, #tpu.memory_space<hbm>> -> memref<80x128xf32, #tpu.memory_space<hbm>>
      %dma_wait3A_1790 = arith.constant 0 : i32
      %dma_wait3A_1791 = arith.constant 0 : i32
      %dma_wait3A_1792 = tpu.memref_slice %arg6[%dma_wait3A_1779, %dma_wait3A_1790, %dma_wait3A_1791] : memref<8x80x128xf32, #tpu.memory_space<vmem>> -> memref<1x80x128xf32, #tpu.memory_space<vmem>>
      %dma_wait3A_1793 = tpu.memref_squeeze %dma_wait3A_1792 : memref<1x80x128xf32, #tpu.memory_space<vmem>> -> memref<80x128xf32, #tpu.memory_space<vmem>>
      tpu.wait_dma2 semaphore(%arg10 : memref<!tpu.dma_semaphore, #tpu.memory_space<semaphore_mem>>) src(%dma_wait3A_1793 : memref<80x128xf32, #tpu.memory_space<vmem>>) dst(%dma_wait3A_1789 : memref<80x128xf32, #tpu.memory_space<hbm>>)
      %dma_start3A_1794 = arith.constant 0 : i32
      %dma_start3A_1795 = arith.constant 5 : i32
      %dma_start3A_1796 = arith.constant 5 : i32
      %dma_start3A_1797 = arith.constant 0 : i32
      %dma_start3A_1798 = arith.constant 0 : i32
      %dma_start3A_1799 = tpu.memref_slice %arg6[%dma_start3A_1796, %dma_start3A_1797, %dma_start3A_1798] : memref<8x80x128xf32, #tpu.memory_space<vmem>> -> memref<1x80x128xf32, #tpu.memory_space<vmem>>
      %dma_start3A_1800 = tpu.memref_squeeze %dma_start3A_1799 : memref<1x80x128xf32, #tpu.memory_space<vmem>> -> memref<80x128xf32, #tpu.memory_space<vmem>>
      %dma_start3A_1801 = arith.constant 0 : i32
      %dma_start3A_1802 = arith.constant 0 : i32
      %dma_start3A_1803 = tpu.memref_slice %arg5[%dma_start3A_1794, %dma_start3A_1801, %dma_start3A_1802] : memref<2x8x80xi32, #tpu.memory_space<vmem>> -> memref<1x8x80xi32, #tpu.memory_space<vmem>>
      %dma_start3A_1804 = tpu.memref_squeeze %dma_start3A_1803 : memref<1x8x80xi32, #tpu.memory_space<vmem>> -> memref<8x80xi32, #tpu.memory_space<vmem>>
      %dma_start3A_1805 = arith.constant 0 : i32
      %dma_start3A_1806 = tpu.memref_slice %dma_start3A_1804[%dma_start3A_1795, %dma_start3A_1805] : memref<8x80xi32, #tpu.memory_space<vmem>> -> memref<1x80xi32, #tpu.memory_space<vmem>>
      %dma_start3A_1807 = tpu.memref_squeeze %dma_start3A_1806 : memref<1x80xi32, #tpu.memory_space<vmem>> -> memref<80xi32, #tpu.memory_space<vmem>>
      %dma_start3A_1808 = arith.constant 0 : i32
      %dma_start3A_1809 = arith.constant 0 : i32
      %dma_start3A_1810 = tpu.memref_slice %arg7[%dma_start3A_1808, %dma_start3A_1809] : memref<1000x128xf32, #tpu.memory_space<vmem_shared>> -> memref<1000x128xf32, #tpu.memory_space<vmem_shared>>
      tpu.enqueue_indirect_dma source(%dma_start3A_1810 : memref<1000x128xf32, #tpu.memory_space<vmem_shared>>) target(%dma_start3A_1800 : memref<80x128xf32, #tpu.memory_space<vmem>>) offsets(%dma_start3A_1807 : memref<80xi32, #tpu.memory_space<vmem>>) semaphore(%arg9 : memref<!tpu.dma_semaphore, #tpu.memory_space<semaphore_mem>>)
      %dma_wait3A_1811 = arith.constant 0 : i32
      %dma_wait3A_1812 = arith.constant 0 : i32
      %dma_wait3A_1813 = arith.constant 0 : i32
      %dma_wait3A_1814 = tpu.memref_slice %arg6[%dma_wait3A_1811, %dma_wait3A_1812, %dma_wait3A_1813] : memref<8x80x128xf32, #tpu.memory_space<vmem>> -> memref<1x80x128xf32, #tpu.memory_space<vmem>>
      %dma_wait3A_1815 = tpu.memref_squeeze %dma_wait3A_1814 : memref<1x80x128xf32, #tpu.memory_space<vmem>> -> memref<80x128xf32, #tpu.memory_space<vmem>>
      %dma_wait3A_1816 = arith.constant 0 : i32
      %dma_wait3A_1817 = arith.constant 0 : i32
      %dma_wait3A_1818 = tpu.memref_slice %arg4[%dma_wait3A_1816, %dma_wait3A_1817] : memref<3276800x128xf32, #tpu.memory_space<hbm>> -> memref<80x128xf32, #tpu.memory_space<hbm>>
      %dma_wait3A_1819 = arith.constant 0 : i32
      %dma_wait3A_1820 = arith.constant 0 : i32
      %dma_wait3A_1821 = tpu.memref_slice %arg6[%dma_wait3A_1811, %dma_wait3A_1819, %dma_wait3A_1820] : memref<8x80x128xf32, #tpu.memory_space<vmem>> -> memref<1x80x128xf32, #tpu.memory_space<vmem>>
      %dma_wait3A_1822 = tpu.memref_squeeze %dma_wait3A_1821 : memref<1x80x128xf32, #tpu.memory_space<vmem>> -> memref<80x128xf32, #tpu.memory_space<vmem>>
      %dma_wait3A_1823 = arith.constant 0 : i32
      %dma_wait3A_1824 = arith.constant 0 : i32
      %dma_wait3A_1825 = tpu.memref_slice %arg4[%dma_wait3A_1823, %dma_wait3A_1824] : memref<3276800x128xf32, #tpu.memory_space<hbm>> -> memref<80x128xf32, #tpu.memory_space<hbm>>
      tpu.wait_dma2 semaphore(%arg9 : memref<!tpu.dma_semaphore, #tpu.memory_space<semaphore_mem>>) src(%dma_wait3A_1825 : memref<80x128xf32, #tpu.memory_space<hbm>>) dst(%dma_wait3A_1822 : memref<80x128xf32, #tpu.memory_space<vmem>>)
      %add3A_1826 = arith.constant 2 : i32
      %add3A_1827 = arith.addi %add3A_1682, %add3A_1826 : i32
      %mul3A_1828 = arith.constant 80 : i32
      %mul3A_1829 = arith.muli %add3A_1827, %mul3A_1828 : i32
      %dma_start3A_1830 = arith.constant 2 : i32
      %dma_start3A_1831 = arith.constant 0 : i32
      %dma_start3A_1832 = arith.constant 0 : i32
      %dma_start3A_1833 = tpu.memref_slice %arg6[%dma_start3A_1830, %dma_start3A_1831, %dma_start3A_1832] : memref<8x80x128xf32, #tpu.memory_space<vmem>> -> memref<1x80x128xf32, #tpu.memory_space<vmem>>
      %dma_start3A_1834 = tpu.memref_squeeze %dma_start3A_1833 : memref<1x80x128xf32, #tpu.memory_space<vmem>> -> memref<80x128xf32, #tpu.memory_space<vmem>>
      %dma_start3A_1835 = arith.constant 0 : i32
      %dma_start3A_1836 = tpu.memref_slice %arg4[%mul3A_1829, %dma_start3A_1835] : memref<3276800x128xf32, #tpu.memory_space<hbm>> -> memref<80x128xf32, #tpu.memory_space<hbm>>
      %dma_start3A_1837 = arith.constant 0 : i32
      %dma_start3A_1838 = tpu.memref_slice %arg4[%mul3A_1829, %dma_start3A_1837] : memref<3276800x128xf32, #tpu.memory_space<hbm>> -> memref<80x128xf32, #tpu.memory_space<hbm>>
      %dma_start3A_1839 = arith.constant 0 : i32
      %dma_start3A_1840 = arith.constant 0 : i32
      %dma_start3A_1841 = tpu.memref_slice %arg6[%dma_start3A_1830, %dma_start3A_1839, %dma_start3A_1840] : memref<8x80x128xf32, #tpu.memory_space<vmem>> -> memref<1x80x128xf32, #tpu.memory_space<vmem>>
      %dma_start3A_1842 = tpu.memref_squeeze %dma_start3A_1841 : memref<1x80x128xf32, #tpu.memory_space<vmem>> -> memref<80x128xf32, #tpu.memory_space<vmem>>
      tpu.enqueue_dma source(%dma_start3A_1842 : memref<80x128xf32, #tpu.memory_space<vmem>>) target(%dma_start3A_1838 : memref<80x128xf32, #tpu.memory_space<hbm>>) target_semaphore(%arg10 : memref<!tpu.dma_semaphore, #tpu.memory_space<semaphore_mem>>)
      %dma_wait3A_1843 = arith.constant 0 : i32
      %dma_wait3A_1844 = arith.constant 0 : i32
      %dma_wait3A_1845 = arith.constant 0 : i32
      %dma_wait3A_1846 = tpu.memref_slice %arg6[%dma_wait3A_1843, %dma_wait3A_1844, %dma_wait3A_1845] : memref<8x80x128xf32, #tpu.memory_space<vmem>> -> memref<1x80x128xf32, #tpu.memory_space<vmem>>
      %dma_wait3A_1847 = tpu.memref_squeeze %dma_wait3A_1846 : memref<1x80x128xf32, #tpu.memory_space<vmem>> -> memref<80x128xf32, #tpu.memory_space<vmem>>
      %dma_wait3A_1848 = arith.constant 0 : i32
      %dma_wait3A_1849 = arith.constant 0 : i32
      %dma_wait3A_1850 = tpu.memref_slice %arg4[%dma_wait3A_1848, %dma_wait3A_1849] : memref<3276800x128xf32, #tpu.memory_space<hbm>> -> memref<80x128xf32, #tpu.memory_space<hbm>>
      %dma_wait3A_1851 = arith.constant 0 : i32
      %dma_wait3A_1852 = arith.constant 0 : i32
      %dma_wait3A_1853 = tpu.memref_slice %arg4[%dma_wait3A_1851, %dma_wait3A_1852] : memref<3276800x128xf32, #tpu.memory_space<hbm>> -> memref<80x128xf32, #tpu.memory_space<hbm>>
      %dma_wait3A_1854 = arith.constant 0 : i32
      %dma_wait3A_1855 = arith.constant 0 : i32
      %dma_wait3A_1856 = tpu.memref_slice %arg6[%dma_wait3A_1843, %dma_wait3A_1854, %dma_wait3A_1855] : memref<8x80x128xf32, #tpu.memory_space<vmem>> -> memref<1x80x128xf32, #tpu.memory_space<vmem>>
      %dma_wait3A_1857 = tpu.memref_squeeze %dma_wait3A_1856 : memref<1x80x128xf32, #tpu.memory_space<vmem>> -> memref<80x128xf32, #tpu.memory_space<vmem>>
      tpu.wait_dma2 semaphore(%arg10 : memref<!tpu.dma_semaphore, #tpu.memory_space<semaphore_mem>>) src(%dma_wait3A_1857 : memref<80x128xf32, #tpu.memory_space<vmem>>) dst(%dma_wait3A_1853 : memref<80x128xf32, #tpu.memory_space<hbm>>)
      %dma_start3A_1858 = arith.constant 0 : i32
      %dma_start3A_1859 = arith.constant 6 : i32
      %dma_start3A_1860 = arith.constant 6 : i32
      %dma_start3A_1861 = arith.constant 0 : i32
      %dma_start3A_1862 = arith.constant 0 : i32
      %dma_start3A_1863 = tpu.memref_slice %arg6[%dma_start3A_1860, %dma_start3A_1861, %dma_start3A_1862] : memref<8x80x128xf32, #tpu.memory_space<vmem>> -> memref<1x80x128xf32, #tpu.memory_space<vmem>>
      %dma_start3A_1864 = tpu.memref_squeeze %dma_start3A_1863 : memref<1x80x128xf32, #tpu.memory_space<vmem>> -> memref<80x128xf32, #tpu.memory_space<vmem>>
      %dma_start3A_1865 = arith.constant 0 : i32
      %dma_start3A_1866 = arith.constant 0 : i32
      %dma_start3A_1867 = tpu.memref_slice %arg5[%dma_start3A_1858, %dma_start3A_1865, %dma_start3A_1866] : memref<2x8x80xi32, #tpu.memory_space<vmem>> -> memref<1x8x80xi32, #tpu.memory_space<vmem>>
      %dma_start3A_1868 = tpu.memref_squeeze %dma_start3A_1867 : memref<1x8x80xi32, #tpu.memory_space<vmem>> -> memref<8x80xi32, #tpu.memory_space<vmem>>
      %dma_start3A_1869 = arith.constant 0 : i32
      %dma_start3A_1870 = tpu.memref_slice %dma_start3A_1868[%dma_start3A_1859, %dma_start3A_1869] : memref<8x80xi32, #tpu.memory_space<vmem>> -> memref<1x80xi32, #tpu.memory_space<vmem>>
      %dma_start3A_1871 = tpu.memref_squeeze %dma_start3A_1870 : memref<1x80xi32, #tpu.memory_space<vmem>> -> memref<80xi32, #tpu.memory_space<vmem>>
      %dma_start3A_1872 = arith.constant 0 : i32
      %dma_start3A_1873 = arith.constant 0 : i32
      %dma_start3A_1874 = tpu.memref_slice %arg7[%dma_start3A_1872, %dma_start3A_1873] : memref<1000x128xf32, #tpu.memory_space<vmem_shared>> -> memref<1000x128xf32, #tpu.memory_space<vmem_shared>>
      tpu.enqueue_indirect_dma source(%dma_start3A_1874 : memref<1000x128xf32, #tpu.memory_space<vmem_shared>>) target(%dma_start3A_1864 : memref<80x128xf32, #tpu.memory_space<vmem>>) offsets(%dma_start3A_1871 : memref<80xi32, #tpu.memory_space<vmem>>) semaphore(%arg9 : memref<!tpu.dma_semaphore, #tpu.memory_space<semaphore_mem>>)
      %dma_wait3A_1875 = arith.constant 0 : i32
      %dma_wait3A_1876 = arith.constant 0 : i32
      %dma_wait3A_1877 = arith.constant 0 : i32
      %dma_wait3A_1878 = tpu.memref_slice %arg6[%dma_wait3A_1875, %dma_wait3A_1876, %dma_wait3A_1877] : memref<8x80x128xf32, #tpu.memory_space<vmem>> -> memref<1x80x128xf32, #tpu.memory_space<vmem>>
      %dma_wait3A_1879 = tpu.memref_squeeze %dma_wait3A_1878 : memref<1x80x128xf32, #tpu.memory_space<vmem>> -> memref<80x128xf32, #tpu.memory_space<vmem>>
      %dma_wait3A_1880 = arith.constant 0 : i32
      %dma_wait3A_1881 = arith.constant 0 : i32
      %dma_wait3A_1882 = tpu.memref_slice %arg4[%dma_wait3A_1880, %dma_wait3A_1881] : memref<3276800x128xf32, #tpu.memory_space<hbm>> -> memref<80x128xf32, #tpu.memory_space<hbm>>
      %dma_wait3A_1883 = arith.constant 0 : i32
      %dma_wait3A_1884 = arith.constant 0 : i32
      %dma_wait3A_1885 = tpu.memref_slice %arg6[%dma_wait3A_1875, %dma_wait3A_1883, %dma_wait3A_1884] : memref<8x80x128xf32, #tpu.memory_space<vmem>> -> memref<1x80x128xf32, #tpu.memory_space<vmem>>
      %dma_wait3A_1886 = tpu.memref_squeeze %dma_wait3A_1885 : memref<1x80x128xf32, #tpu.memory_space<vmem>> -> memref<80x128xf32, #tpu.memory_space<vmem>>
      %dma_wait3A_1887 = arith.constant 0 : i32
      %dma_wait3A_1888 = arith.constant 0 : i32
      %dma_wait3A_1889 = tpu.memref_slice %arg4[%dma_wait3A_1887, %dma_wait3A_1888] : memref<3276800x128xf32, #tpu.memory_space<hbm>> -> memref<80x128xf32, #tpu.memory_space<hbm>>
      tpu.wait_dma2 semaphore(%arg9 : memref<!tpu.dma_semaphore, #tpu.memory_space<semaphore_mem>>) src(%dma_wait3A_1889 : memref<80x128xf32, #tpu.memory_space<hbm>>) dst(%dma_wait3A_1886 : memref<80x128xf32, #tpu.memory_space<vmem>>)
      %add3A_1890 = arith.constant 3 : i32
      %add3A_1891 = arith.addi %add3A_1682, %add3A_1890 : i32
      %mul3A_1892 = arith.constant 80 : i32
      %mul3A_1893 = arith.muli %add3A_1891, %mul3A_1892 : i32
      %dma_start3A_1894 = arith.constant 3 : i32
      %dma_start3A_1895 = arith.constant 0 : i32
      %dma_start3A_1896 = arith.constant 0 : i32
      %dma_start3A_1897 = tpu.memref_slice %arg6[%dma_start3A_1894, %dma_start3A_1895, %dma_start3A_1896] : memref<8x80x128xf32, #tpu.memory_space<vmem>> -> memref<1x80x128xf32, #tpu.memory_space<vmem>>
      %dma_start3A_1898 = tpu.memref_squeeze %dma_start3A_1897 : memref<1x80x128xf32, #tpu.memory_space<vmem>> -> memref<80x128xf32, #tpu.memory_space<vmem>>
      %dma_start3A_1899 = arith.constant 0 : i32
      %dma_start3A_1900 = tpu.memref_slice %arg4[%mul3A_1893, %dma_start3A_1899] : memref<3276800x128xf32, #tpu.memory_space<hbm>> -> memref<80x128xf32, #tpu.memory_space<hbm>>
      %dma_start3A_1901 = arith.constant 0 : i32
      %dma_start3A_1902 = tpu.memref_slice %arg4[%mul3A_1893, %dma_start3A_1901] : memref<3276800x128xf32, #tpu.memory_space<hbm>> -> memref<80x128xf32, #tpu.memory_space<hbm>>
      %dma_start3A_1903 = arith.constant 0 : i32
      %dma_start3A_1904 = arith.constant 0 : i32
      %dma_start3A_1905 = tpu.memref_slice %arg6[%dma_start3A_1894, %dma_start3A_1903, %dma_start3A_1904] : memref<8x80x128xf32, #tpu.memory_space<vmem>> -> memref<1x80x128xf32, #tpu.memory_space<vmem>>
      %dma_start3A_1906 = tpu.memref_squeeze %dma_start3A_1905 : memref<1x80x128xf32, #tpu.memory_space<vmem>> -> memref<80x128xf32, #tpu.memory_space<vmem>>
      tpu.enqueue_dma source(%dma_start3A_1906 : memref<80x128xf32, #tpu.memory_space<vmem>>) target(%dma_start3A_1902 : memref<80x128xf32, #tpu.memory_space<hbm>>) target_semaphore(%arg10 : memref<!tpu.dma_semaphore, #tpu.memory_space<semaphore_mem>>)
      %dma_wait3A_1907 = arith.constant 0 : i32
      %dma_wait3A_1908 = arith.constant 0 : i32
      %dma_wait3A_1909 = arith.constant 0 : i32
      %dma_wait3A_1910 = tpu.memref_slice %arg6[%dma_wait3A_1907, %dma_wait3A_1908, %dma_wait3A_1909] : memref<8x80x128xf32, #tpu.memory_space<vmem>> -> memref<1x80x128xf32, #tpu.memory_space<vmem>>
      %dma_wait3A_1911 = tpu.memref_squeeze %dma_wait3A_1910 : memref<1x80x128xf32, #tpu.memory_space<vmem>> -> memref<80x128xf32, #tpu.memory_space<vmem>>
      %dma_wait3A_1912 = arith.constant 0 : i32
      %dma_wait3A_1913 = arith.constant 0 : i32
      %dma_wait3A_1914 = tpu.memref_slice %arg4[%dma_wait3A_1912, %dma_wait3A_1913] : memref<3276800x128xf32, #tpu.memory_space<hbm>> -> memref<80x128xf32, #tpu.memory_space<hbm>>
      %dma_wait3A_1915 = arith.constant 0 : i32
      %dma_wait3A_1916 = arith.constant 0 : i32
      %dma_wait3A_1917 = tpu.memref_slice %arg4[%dma_wait3A_1915, %dma_wait3A_1916] : memref<3276800x128xf32, #tpu.memory_space<hbm>> -> memref<80x128xf32, #tpu.memory_space<hbm>>
      %dma_wait3A_1918 = arith.constant 0 : i32
      %dma_wait3A_1919 = arith.constant 0 : i32
      %dma_wait3A_1920 = tpu.memref_slice %arg6[%dma_wait3A_1907, %dma_wait3A_1918, %dma_wait3A_1919] : memref<8x80x128xf32, #tpu.memory_space<vmem>> -> memref<1x80x128xf32, #tpu.memory_space<vmem>>
      %dma_wait3A_1921 = tpu.memref_squeeze %dma_wait3A_1920 : memref<1x80x128xf32, #tpu.memory_space<vmem>> -> memref<80x128xf32, #tpu.memory_space<vmem>>
      tpu.wait_dma2 semaphore(%arg10 : memref<!tpu.dma_semaphore, #tpu.memory_space<semaphore_mem>>) src(%dma_wait3A_1921 : memref<80x128xf32, #tpu.memory_space<vmem>>) dst(%dma_wait3A_1917 : memref<80x128xf32, #tpu.memory_space<hbm>>)
      %dma_start3A_1922 = arith.constant 0 : i32
      %dma_start3A_1923 = arith.constant 7 : i32
      %dma_start3A_1924 = arith.constant 7 : i32
      %dma_start3A_1925 = arith.constant 0 : i32
      %dma_start3A_1926 = arith.constant 0 : i32
      %dma_start3A_1927 = tpu.memref_slice %arg6[%dma_start3A_1924, %dma_start3A_1925, %dma_start3A_1926] : memref<8x80x128xf32, #tpu.memory_space<vmem>> -> memref<1x80x128xf32, #tpu.memory_space<vmem>>
      %dma_start3A_1928 = tpu.memref_squeeze %dma_start3A_1927 : memref<1x80x128xf32, #tpu.memory_space<vmem>> -> memref<80x128xf32, #tpu.memory_space<vmem>>
      %dma_start3A_1929 = arith.constant 0 : i32
      %dma_start3A_1930 = arith.constant 0 : i32
      %dma_start3A_1931 = tpu.memref_slice %arg5[%dma_start3A_1922, %dma_start3A_1929, %dma_start3A_1930] : memref<2x8x80xi32, #tpu.memory_space<vmem>> -> memref<1x8x80xi32, #tpu.memory_space<vmem>>
      %dma_start3A_1932 = tpu.memref_squeeze %dma_start3A_1931 : memref<1x8x80xi32, #tpu.memory_space<vmem>> -> memref<8x80xi32, #tpu.memory_space<vmem>>
      %dma_start3A_1933 = arith.constant 0 : i32
      %dma_start3A_1934 = tpu.memref_slice %dma_start3A_1932[%dma_start3A_1923, %dma_start3A_1933] : memref<8x80xi32, #tpu.memory_space<vmem>> -> memref<1x80xi32, #tpu.memory_space<vmem>>
      %dma_start3A_1935 = tpu.memref_squeeze %dma_start3A_1934 : memref<1x80xi32, #tpu.memory_space<vmem>> -> memref<80xi32, #tpu.memory_space<vmem>>
      %dma_start3A_1936 = arith.constant 0 : i32
      %dma_start3A_1937 = arith.constant 0 : i32
      %dma_start3A_1938 = tpu.memref_slice %arg7[%dma_start3A_1936, %dma_start3A_1937] : memref<1000x128xf32, #tpu.memory_space<vmem_shared>> -> memref<1000x128xf32, #tpu.memory_space<vmem_shared>>
      tpu.enqueue_indirect_dma source(%dma_start3A_1938 : memref<1000x128xf32, #tpu.memory_space<vmem_shared>>) target(%dma_start3A_1928 : memref<80x128xf32, #tpu.memory_space<vmem>>) offsets(%dma_start3A_1935 : memref<80xi32, #tpu.memory_space<vmem>>) semaphore(%arg9 : memref<!tpu.dma_semaphore, #tpu.memory_space<semaphore_mem>>)
      %dma_wait3A_1939 = arith.constant 0 : i32
      %dma_wait3A_1940 = arith.constant 0 : i32
      %dma_wait3A_1941 = arith.constant 0 : i32
      %dma_wait3A_1942 = tpu.memref_slice %arg6[%dma_wait3A_1939, %dma_wait3A_1940, %dma_wait3A_1941] : memref<8x80x128xf32, #tpu.memory_space<vmem>> -> memref<1x80x128xf32, #tpu.memory_space<vmem>>
      %dma_wait3A_1943 = tpu.memref_squeeze %dma_wait3A_1942 : memref<1x80x128xf32, #tpu.memory_space<vmem>> -> memref<80x128xf32, #tpu.memory_space<vmem>>
      %dma_wait3A_1944 = arith.constant 0 : i32
      %dma_wait3A_1945 = arith.constant 0 : i32
      %dma_wait3A_1946 = tpu.memref_slice %arg4[%dma_wait3A_1944, %dma_wait3A_1945] : memref<3276800x128xf32, #tpu.memory_space<hbm>> -> memref<80x128xf32, #tpu.memory_space<hbm>>
      %dma_wait3A_1947 = arith.constant 0 : i32
      %dma_wait3A_1948 = arith.constant 0 : i32
      %dma_wait3A_1949 = tpu.memref_slice %arg6[%dma_wait3A_1939, %dma_wait3A_1947, %dma_wait3A_1948] : memref<8x80x128xf32, #tpu.memory_space<vmem>> -> memref<1x80x128xf32, #tpu.memory_space<vmem>>
      %dma_wait3A_1950 = tpu.memref_squeeze %dma_wait3A_1949 : memref<1x80x128xf32, #tpu.memory_space<vmem>> -> memref<80x128xf32, #tpu.memory_space<vmem>>
      %dma_wait3A_1951 = arith.constant 0 : i32
      %dma_wait3A_1952 = arith.constant 0 : i32
      %dma_wait3A_1953 = tpu.memref_slice %arg4[%dma_wait3A_1951, %dma_wait3A_1952] : memref<3276800x128xf32, #tpu.memory_space<hbm>> -> memref<80x128xf32, #tpu.memory_space<hbm>>
      tpu.wait_dma2 semaphore(%arg9 : memref<!tpu.dma_semaphore, #tpu.memory_space<semaphore_mem>>) src(%dma_wait3A_1953 : memref<80x128xf32, #tpu.memory_space<hbm>>) dst(%dma_wait3A_1950 : memref<80x128xf32, #tpu.memory_space<vmem>>)
      %add3A_1954 = arith.constant 4 : i32
      %add3A_1955 = arith.addi %add3A_1682, %add3A_1954 : i32
      %mul3A_1956 = arith.constant 80 : i32
      %mul3A_1957 = arith.muli %add3A_1955, %mul3A_1956 : i32
      %dma_start3A_1958 = arith.constant 4 : i32
      %dma_start3A_1959 = arith.constant 0 : i32
      %dma_start3A_1960 = arith.constant 0 : i32
      %dma_start3A_1961 = tpu.memref_slice %arg6[%dma_start3A_1958, %dma_start3A_1959, %dma_start3A_1960] : memref<8x80x128xf32, #tpu.memory_space<vmem>> -> memref<1x80x128xf32, #tpu.memory_space<vmem>>
      %dma_start3A_1962 = tpu.memref_squeeze %dma_start3A_1961 : memref<1x80x128xf32, #tpu.memory_space<vmem>> -> memref<80x128xf32, #tpu.memory_space<vmem>>
      %dma_start3A_1963 = arith.constant 0 : i32
      %dma_start3A_1964 = tpu.memref_slice %arg4[%mul3A_1957, %dma_start3A_1963] : memref<3276800x128xf32, #tpu.memory_space<hbm>> -> memref<80x128xf32, #tpu.memory_space<hbm>>
      %dma_start3A_1965 = arith.constant 0 : i32
      %dma_start3A_1966 = tpu.memref_slice %arg4[%mul3A_1957, %dma_start3A_1965] : memref<3276800x128xf32, #tpu.memory_space<hbm>> -> memref<80x128xf32, #tpu.memory_space<hbm>>
      %dma_start3A_1967 = arith.constant 0 : i32
      %dma_start3A_1968 = arith.constant 0 : i32
      %dma_start3A_1969 = tpu.memref_slice %arg6[%dma_start3A_1958, %dma_start3A_1967, %dma_start3A_1968] : memref<8x80x128xf32, #tpu.memory_space<vmem>> -> memref<1x80x128xf32, #tpu.memory_space<vmem>>
      %dma_start3A_1970 = tpu.memref_squeeze %dma_start3A_1969 : memref<1x80x128xf32, #tpu.memory_space<vmem>> -> memref<80x128xf32, #tpu.memory_space<vmem>>
      tpu.enqueue_dma source(%dma_start3A_1970 : memref<80x128xf32, #tpu.memory_space<vmem>>) target(%dma_start3A_1966 : memref<80x128xf32, #tpu.memory_space<hbm>>) target_semaphore(%arg10 : memref<!tpu.dma_semaphore, #tpu.memory_space<semaphore_mem>>)
      %dma_wait3A_1971 = arith.constant 0 : i32
      %dma_wait3A_1972 = arith.constant 0 : i32
      %dma_wait3A_1973 = arith.constant 0 : i32
      %dma_wait3A_1974 = tpu.memref_slice %arg6[%dma_wait3A_1971, %dma_wait3A_1972, %dma_wait3A_1973] : memref<8x80x128xf32, #tpu.memory_space<vmem>> -> memref<1x80x128xf32, #tpu.memory_space<vmem>>
      %dma_wait3A_1975 = tpu.memref_squeeze %dma_wait3A_1974 : memref<1x80x128xf32, #tpu.memory_space<vmem>> -> memref<80x128xf32, #tpu.memory_space<vmem>>
      %dma_wait3A_1976 = arith.constant 0 : i32
      %dma_wait3A_1977 = arith.constant 0 : i32
      %dma_wait3A_1978 = tpu.memref_slice %arg4[%dma_wait3A_1976, %dma_wait3A_1977] : memref<3276800x128xf32, #tpu.memory_space<hbm>> -> memref<80x128xf32, #tpu.memory_space<hbm>>
      %dma_wait3A_1979 = arith.constant 0 : i32
      %dma_wait3A_1980 = arith.constant 0 : i32
      %dma_wait3A_1981 = tpu.memref_slice %arg4[%dma_wait3A_1979, %dma_wait3A_1980] : memref<3276800x128xf32, #tpu.memory_space<hbm>> -> memref<80x128xf32, #tpu.memory_space<hbm>>
      %dma_wait3A_1982 = arith.constant 0 : i32
      %dma_wait3A_1983 = arith.constant 0 : i32
      %dma_wait3A_1984 = tpu.memref_slice %arg6[%dma_wait3A_1971, %dma_wait3A_1982, %dma_wait3A_1983] : memref<8x80x128xf32, #tpu.memory_space<vmem>> -> memref<1x80x128xf32, #tpu.memory_space<vmem>>
      %dma_wait3A_1985 = tpu.memref_squeeze %dma_wait3A_1984 : memref<1x80x128xf32, #tpu.memory_space<vmem>> -> memref<80x128xf32, #tpu.memory_space<vmem>>
      tpu.wait_dma2 semaphore(%arg10 : memref<!tpu.dma_semaphore, #tpu.memory_space<semaphore_mem>>) src(%dma_wait3A_1985 : memref<80x128xf32, #tpu.memory_space<vmem>>) dst(%dma_wait3A_1981 : memref<80x128xf32, #tpu.memory_space<hbm>>)
      %dma_wait3A_1986 = arith.constant 0 : i32
      %dma_wait3A_1987 = arith.constant 0 : i32
      %dma_wait3A_1988 = arith.constant 0 : i32
      %dma_wait3A_1989 = tpu.memref_slice %arg5[%dma_wait3A_1986, %dma_wait3A_1987, %dma_wait3A_1988] : memref<2x8x80xi32, #tpu.memory_space<vmem>> -> memref<1x8x80xi32, #tpu.memory_space<vmem>>
      %dma_wait3A_1990 = tpu.memref_squeeze %dma_wait3A_1989 : memref<1x8x80xi32, #tpu.memory_space<vmem>> -> memref<8x80xi32, #tpu.memory_space<vmem>>
      %dma_wait3A_1991 = arith.constant 0 : i32
      %dma_wait3A_1992 = arith.constant 0 : i32
      %dma_wait3A_1993 = tpu.memref_slice %arg2[%dma_wait3A_1991, %dma_wait3A_1992] : memref<40960x80xi32, #tpu.memory_space<hbm>> -> memref<8x80xi32, #tpu.memory_space<hbm>>
      %dma_wait3A_1994 = arith.constant 0 : i32
      %dma_wait3A_1995 = arith.constant 0 : i32
      %dma_wait3A_1996 = tpu.memref_slice %arg5[%dma_wait3A_1986, %dma_wait3A_1994, %dma_wait3A_1995] : memref<2x8x80xi32, #tpu.memory_space<vmem>> -> memref<1x8x80xi32, #tpu.memory_space<vmem>>
      %dma_wait3A_1997 = tpu.memref_squeeze %dma_wait3A_1996 : memref<1x8x80xi32, #tpu.memory_space<vmem>> -> memref<8x80xi32, #tpu.memory_space<vmem>>
      %dma_wait3A_1998 = arith.constant 0 : i32
      %dma_wait3A_1999 = arith.constant 0 : i32
      %dma_wait3A_2000 = tpu.memref_slice %arg2[%dma_wait3A_1998, %dma_wait3A_1999] : memref<40960x80xi32, #tpu.memory_space<hbm>> -> memref<8x80xi32, #tpu.memory_space<hbm>>
      tpu.wait_dma2 semaphore(%arg8 : memref<!tpu.dma_semaphore, #tpu.memory_space<semaphore_mem>>) src(%dma_wait3A_2000 : memref<8x80xi32, #tpu.memory_space<hbm>>) dst(%dma_wait3A_1997 : memref<8x80xi32, #tpu.memory_space<vmem>>)
      %dma_start3A_2001 = arith.constant 1 : i32
      %dma_start3A_2002 = arith.constant 0 : i32
      %dma_start3A_2003 = arith.constant 0 : i32
      %dma_start3A_2004 = arith.constant 0 : i32
      %dma_start3A_2005 = arith.constant 0 : i32
      %dma_start3A_2006 = tpu.memref_slice %arg6[%dma_start3A_2003, %dma_start3A_2004, %dma_start3A_2005] : memref<8x80x128xf32, #tpu.memory_space<vmem>> -> memref<1x80x128xf32, #tpu.memory_space<vmem>>
      %dma_start3A_2007 = tpu.memref_squeeze %dma_start3A_2006 : memref<1x80x128xf32, #tpu.memory_space<vmem>> -> memref<80x128xf32, #tpu.memory_space<vmem>>
      %dma_start3A_2008 = arith.constant 0 : i32
      %dma_start3A_2009 = arith.constant 0 : i32
      %dma_start3A_2010 = tpu.memref_slice %arg5[%dma_start3A_2001, %dma_start3A_2008, %dma_start3A_2009] : memref<2x8x80xi32, #tpu.memory_space<vmem>> -> memref<1x8x80xi32, #tpu.memory_space<vmem>>
      %dma_start3A_2011 = tpu.memref_squeeze %dma_start3A_2010 : memref<1x8x80xi32, #tpu.memory_space<vmem>> -> memref<8x80xi32, #tpu.memory_space<vmem>>
      %dma_start3A_2012 = arith.constant 0 : i32
      %dma_start3A_2013 = tpu.memref_slice %dma_start3A_2011[%dma_start3A_2002, %dma_start3A_2012] : memref<8x80xi32, #tpu.memory_space<vmem>> -> memref<1x80xi32, #tpu.memory_space<vmem>>
      %dma_start3A_2014 = tpu.memref_squeeze %dma_start3A_2013 : memref<1x80xi32, #tpu.memory_space<vmem>> -> memref<80xi32, #tpu.memory_space<vmem>>
      %dma_start3A_2015 = arith.constant 0 : i32
      %dma_start3A_2016 = arith.constant 0 : i32
      %dma_start3A_2017 = tpu.memref_slice %arg7[%dma_start3A_2015, %dma_start3A_2016] : memref<1000x128xf32, #tpu.memory_space<vmem_shared>> -> memref<1000x128xf32, #tpu.memory_space<vmem_shared>>
      tpu.enqueue_indirect_dma source(%dma_start3A_2017 : memref<1000x128xf32, #tpu.memory_space<vmem_shared>>) target(%dma_start3A_2007 : memref<80x128xf32, #tpu.memory_space<vmem>>) offsets(%dma_start3A_2014 : memref<80xi32, #tpu.memory_space<vmem>>) semaphore(%arg9 : memref<!tpu.dma_semaphore, #tpu.memory_space<semaphore_mem>>)
      %dma_wait3A_2018 = arith.constant 0 : i32
      %dma_wait3A_2019 = arith.constant 0 : i32
      %dma_wait3A_2020 = arith.constant 0 : i32
      %dma_wait3A_2021 = tpu.memref_slice %arg6[%dma_wait3A_2018, %dma_wait3A_2019, %dma_wait3A_2020] : memref<8x80x128xf32, #tpu.memory_space<vmem>> -> memref<1x80x128xf32, #tpu.memory_space<vmem>>
      %dma_wait3A_2022 = tpu.memref_squeeze %dma_wait3A_2021 : memref<1x80x128xf32, #tpu.memory_space<vmem>> -> memref<80x128xf32, #tpu.memory_space<vmem>>
      %dma_wait3A_2023 = arith.constant 0 : i32
      %dma_wait3A_2024 = arith.constant 0 : i32
      %dma_wait3A_2025 = tpu.memref_slice %arg4[%dma_wait3A_2023, %dma_wait3A_2024] : memref<3276800x128xf32, #tpu.memory_space<hbm>> -> memref<80x128xf32, #tpu.memory_space<hbm>>
      %dma_wait3A_2026 = arith.constant 0 : i32
      %dma_wait3A_2027 = arith.constant 0 : i32
      %dma_wait3A_2028 = tpu.memref_slice %arg6[%dma_wait3A_2018, %dma_wait3A_2026, %dma_wait3A_2027] : memref<8x80x128xf32, #tpu.memory_space<vmem>> -> memref<1x80x128xf32, #tpu.memory_space<vmem>>
      %dma_wait3A_2029 = tpu.memref_squeeze %dma_wait3A_2028 : memref<1x80x128xf32, #tpu.memory_space<vmem>> -> memref<80x128xf32, #tpu.memory_space<vmem>>
      %dma_wait3A_2030 = arith.constant 0 : i32
      %dma_wait3A_2031 = arith.constant 0 : i32
      %dma_wait3A_2032 = tpu.memref_slice %arg4[%dma_wait3A_2030, %dma_wait3A_2031] : memref<3276800x128xf32, #tpu.memory_space<hbm>> -> memref<80x128xf32, #tpu.memory_space<hbm>>
      tpu.wait_dma2 semaphore(%arg9 : memref<!tpu.dma_semaphore, #tpu.memory_space<semaphore_mem>>) src(%dma_wait3A_2032 : memref<80x128xf32, #tpu.memory_space<hbm>>) dst(%dma_wait3A_2029 : memref<80x128xf32, #tpu.memory_space<vmem>>)
      %add3A_2033 = arith.constant 5 : i32
      %add3A_2034 = arith.addi %add3A_1682, %add3A_2033 : i32
      %mul3A_2035 = arith.constant 80 : i32
      %mul3A_2036 = arith.muli %add3A_2034, %mul3A_2035 : i32
      %dma_start3A_2037 = arith.constant 5 : i32
      %dma_start3A_2038 = arith.constant 0 : i32
      %dma_start3A_2039 = arith.constant 0 : i32
      %dma_start3A_2040 = tpu.memref_slice %arg6[%dma_start3A_2037, %dma_start3A_2038, %dma_start3A_2039] : memref<8x80x128xf32, #tpu.memory_space<vmem>> -> memref<1x80x128xf32, #tpu.memory_space<vmem>>
      %dma_start3A_2041 = tpu.memref_squeeze %dma_start3A_2040 : memref<1x80x128xf32, #tpu.memory_space<vmem>> -> memref<80x128xf32, #tpu.memory_space<vmem>>
      %dma_start3A_2042 = arith.constant 0 : i32
      %dma_start3A_2043 = tpu.memref_slice %arg4[%mul3A_2036, %dma_start3A_2042] : memref<3276800x128xf32, #tpu.memory_space<hbm>> -> memref<80x128xf32, #tpu.memory_space<hbm>>
      %dma_start3A_2044 = arith.constant 0 : i32
      %dma_start3A_2045 = tpu.memref_slice %arg4[%mul3A_2036, %dma_start3A_2044] : memref<3276800x128xf32, #tpu.memory_space<hbm>> -> memref<80x128xf32, #tpu.memory_space<hbm>>
      %dma_start3A_2046 = arith.constant 0 : i32
      %dma_start3A_2047 = arith.constant 0 : i32
      %dma_start3A_2048 = tpu.memref_slice %arg6[%dma_start3A_2037, %dma_start3A_2046, %dma_start3A_2047] : memref<8x80x128xf32, #tpu.memory_space<vmem>> -> memref<1x80x128xf32, #tpu.memory_space<vmem>>
      %dma_start3A_2049 = tpu.memref_squeeze %dma_start3A_2048 : memref<1x80x128xf32, #tpu.memory_space<vmem>> -> memref<80x128xf32, #tpu.memory_space<vmem>>
      tpu.enqueue_dma source(%dma_start3A_2049 : memref<80x128xf32, #tpu.memory_space<vmem>>) target(%dma_start3A_2045 : memref<80x128xf32, #tpu.memory_space<hbm>>) target_semaphore(%arg10 : memref<!tpu.dma_semaphore, #tpu.memory_space<semaphore_mem>>)
      %dma_wait3A_2050 = arith.constant 0 : i32
      %dma_wait3A_2051 = arith.constant 0 : i32
      %dma_wait3A_2052 = arith.constant 0 : i32
      %dma_wait3A_2053 = tpu.memref_slice %arg6[%dma_wait3A_2050, %dma_wait3A_2051, %dma_wait3A_2052] : memref<8x80x128xf32, #tpu.memory_space<vmem>> -> memref<1x80x128xf32, #tpu.memory_space<vmem>>
      %dma_wait3A_2054 = tpu.memref_squeeze %dma_wait3A_2053 : memref<1x80x128xf32, #tpu.memory_space<vmem>> -> memref<80x128xf32, #tpu.memory_space<vmem>>
      %dma_wait3A_2055 = arith.constant 0 : i32
      %dma_wait3A_2056 = arith.constant 0 : i32
      %dma_wait3A_2057 = tpu.memref_slice %arg4[%dma_wait3A_2055, %dma_wait3A_2056] : memref<3276800x128xf32, #tpu.memory_space<hbm>> -> memref<80x128xf32, #tpu.memory_space<hbm>>
      %dma_wait3A_2058 = arith.constant 0 : i32
      %dma_wait3A_2059 = arith.constant 0 : i32
      %dma_wait3A_2060 = tpu.memref_slice %arg4[%dma_wait3A_2058, %dma_wait3A_2059] : memref<3276800x128xf32, #tpu.memory_space<hbm>> -> memref<80x128xf32, #tpu.memory_space<hbm>>
      %dma_wait3A_2061 = arith.constant 0 : i32
      %dma_wait3A_2062 = arith.constant 0 : i32
      %dma_wait3A_2063 = tpu.memref_slice %arg6[%dma_wait3A_2050, %dma_wait3A_2061, %dma_wait3A_2062] : memref<8x80x128xf32, #tpu.memory_space<vmem>> -> memref<1x80x128xf32, #tpu.memory_space<vmem>>
      %dma_wait3A_2064 = tpu.memref_squeeze %dma_wait3A_2063 : memref<1x80x128xf32, #tpu.memory_space<vmem>> -> memref<80x128xf32, #tpu.memory_space<vmem>>
      tpu.wait_dma2 semaphore(%arg10 : memref<!tpu.dma_semaphore, #tpu.memory_space<semaphore_mem>>) src(%dma_wait3A_2064 : memref<80x128xf32, #tpu.memory_space<vmem>>) dst(%dma_wait3A_2060 : memref<80x128xf32, #tpu.memory_space<hbm>>)
      %dma_start3A_2065 = arith.constant 1 : i32
      %dma_start3A_2066 = arith.constant 1 : i32
      %dma_start3A_2067 = arith.constant 1 : i32
      %dma_start3A_2068 = arith.constant 0 : i32
      %dma_start3A_2069 = arith.constant 0 : i32
      %dma_start3A_2070 = tpu.memref_slice %arg6[%dma_start3A_2067, %dma_start3A_2068, %dma_start3A_2069] : memref<8x80x128xf32, #tpu.memory_space<vmem>> -> memref<1x80x128xf32, #tpu.memory_space<vmem>>
      %dma_start3A_2071 = tpu.memref_squeeze %dma_start3A_2070 : memref<1x80x128xf32, #tpu.memory_space<vmem>> -> memref<80x128xf32, #tpu.memory_space<vmem>>
      %dma_start3A_2072 = arith.constant 0 : i32
      %dma_start3A_2073 = arith.constant 0 : i32
      %dma_start3A_2074 = tpu.memref_slice %arg5[%dma_start3A_2065, %dma_start3A_2072, %dma_start3A_2073] : memref<2x8x80xi32, #tpu.memory_space<vmem>> -> memref<1x8x80xi32, #tpu.memory_space<vmem>>
      %dma_start3A_2075 = tpu.memref_squeeze %dma_start3A_2074 : memref<1x8x80xi32, #tpu.memory_space<vmem>> -> memref<8x80xi32, #tpu.memory_space<vmem>>
      %dma_start3A_2076 = arith.constant 0 : i32
      %dma_start3A_2077 = tpu.memref_slice %dma_start3A_2075[%dma_start3A_2066, %dma_start3A_2076] : memref<8x80xi32, #tpu.memory_space<vmem>> -> memref<1x80xi32, #tpu.memory_space<vmem>>
      %dma_start3A_2078 = tpu.memref_squeeze %dma_start3A_2077 : memref<1x80xi32, #tpu.memory_space<vmem>> -> memref<80xi32, #tpu.memory_space<vmem>>
      %dma_start3A_2079 = arith.constant 0 : i32
      %dma_start3A_2080 = arith.constant 0 : i32
      %dma_start3A_2081 = tpu.memref_slice %arg7[%dma_start3A_2079, %dma_start3A_2080] : memref<1000x128xf32, #tpu.memory_space<vmem_shared>> -> memref<1000x128xf32, #tpu.memory_space<vmem_shared>>
      tpu.enqueue_indirect_dma source(%dma_start3A_2081 : memref<1000x128xf32, #tpu.memory_space<vmem_shared>>) target(%dma_start3A_2071 : memref<80x128xf32, #tpu.memory_space<vmem>>) offsets(%dma_start3A_2078 : memref<80xi32, #tpu.memory_space<vmem>>) semaphore(%arg9 : memref<!tpu.dma_semaphore, #tpu.memory_space<semaphore_mem>>)
      %dma_wait3A_2082 = arith.constant 0 : i32
      %dma_wait3A_2083 = arith.constant 0 : i32
      %dma_wait3A_2084 = arith.constant 0 : i32
      %dma_wait3A_2085 = tpu.memref_slice %arg6[%dma_wait3A_2082, %dma_wait3A_2083, %dma_wait3A_2084] : memref<8x80x128xf32, #tpu.memory_space<vmem>> -> memref<1x80x128xf32, #tpu.memory_space<vmem>>
      %dma_wait3A_2086 = tpu.memref_squeeze %dma_wait3A_2085 : memref<1x80x128xf32, #tpu.memory_space<vmem>> -> memref<80x128xf32, #tpu.memory_space<vmem>>
      %dma_wait3A_2087 = arith.constant 0 : i32
      %dma_wait3A_2088 = arith.constant 0 : i32
      %dma_wait3A_2089 = tpu.memref_slice %arg4[%dma_wait3A_2087, %dma_wait3A_2088] : memref<3276800x128xf32, #tpu.memory_space<hbm>> -> memref<80x128xf32, #tpu.memory_space<hbm>>
      %dma_wait3A_2090 = arith.constant 0 : i32
      %dma_wait3A_2091 = arith.constant 0 : i32
      %dma_wait3A_2092 = tpu.memref_slice %arg6[%dma_wait3A_2082, %dma_wait3A_2090, %dma_wait3A_2091] : memref<8x80x128xf32, #tpu.memory_space<vmem>> -> memref<1x80x128xf32, #tpu.memory_space<vmem>>
      %dma_wait3A_2093 = tpu.memref_squeeze %dma_wait3A_2092 : memref<1x80x128xf32, #tpu.memory_space<vmem>> -> memref<80x128xf32, #tpu.memory_space<vmem>>
      %dma_wait3A_2094 = arith.constant 0 : i32
      %dma_wait3A_2095 = arith.constant 0 : i32
      %dma_wait3A_2096 = tpu.memref_slice %arg4[%dma_wait3A_2094, %dma_wait3A_2095] : memref<3276800x128xf32, #tpu.memory_space<hbm>> -> memref<80x128xf32, #tpu.memory_space<hbm>>
      tpu.wait_dma2 semaphore(%arg9 : memref<!tpu.dma_semaphore, #tpu.memory_space<semaphore_mem>>) src(%dma_wait3A_2096 : memref<80x128xf32, #tpu.memory_space<hbm>>) dst(%dma_wait3A_2093 : memref<80x128xf32, #tpu.memory_space<vmem>>)
      %add3A_2097 = arith.constant 6 : i32
      %add3A_2098 = arith.addi %add3A_1682, %add3A_2097 : i32
      %mul3A_2099 = arith.constant 80 : i32
      %mul3A_2100 = arith.muli %add3A_2098, %mul3A_2099 : i32
      %dma_start3A_2101 = arith.constant 6 : i32
      %dma_start3A_2102 = arith.constant 0 : i32
      %dma_start3A_2103 = arith.constant 0 : i32
      %dma_start3A_2104 = tpu.memref_slice %arg6[%dma_start3A_2101, %dma_start3A_2102, %dma_start3A_2103] : memref<8x80x128xf32, #tpu.memory_space<vmem>> -> memref<1x80x128xf32, #tpu.memory_space<vmem>>
      %dma_start3A_2105 = tpu.memref_squeeze %dma_start3A_2104 : memref<1x80x128xf32, #tpu.memory_space<vmem>> -> memref<80x128xf32, #tpu.memory_space<vmem>>
      %dma_start3A_2106 = arith.constant 0 : i32
      %dma_start3A_2107 = tpu.memref_slice %arg4[%mul3A_2100, %dma_start3A_2106] : memref<3276800x128xf32, #tpu.memory_space<hbm>> -> memref<80x128xf32, #tpu.memory_space<hbm>>
      %dma_start3A_2108 = arith.constant 0 : i32
      %dma_start3A_2109 = tpu.memref_slice %arg4[%mul3A_2100, %dma_start3A_2108] : memref<3276800x128xf32, #tpu.memory_space<hbm>> -> memref<80x128xf32, #tpu.memory_space<hbm>>
      %dma_start3A_2110 = arith.constant 0 : i32
      %dma_start3A_2111 = arith.constant 0 : i32
      %dma_start3A_2112 = tpu.memref_slice %arg6[%dma_start3A_2101, %dma_start3A_2110, %dma_start3A_2111] : memref<8x80x128xf32, #tpu.memory_space<vmem>> -> memref<1x80x128xf32, #tpu.memory_space<vmem>>
      %dma_start3A_2113 = tpu.memref_squeeze %dma_start3A_2112 : memref<1x80x128xf32, #tpu.memory_space<vmem>> -> memref<80x128xf32, #tpu.memory_space<vmem>>
      tpu.enqueue_dma source(%dma_start3A_2113 : memref<80x128xf32, #tpu.memory_space<vmem>>) target(%dma_start3A_2109 : memref<80x128xf32, #tpu.memory_space<hbm>>) target_semaphore(%arg10 : memref<!tpu.dma_semaphore, #tpu.memory_space<semaphore_mem>>)
      %dma_wait3A_2114 = arith.constant 0 : i32
      %dma_wait3A_2115 = arith.constant 0 : i32
      %dma_wait3A_2116 = arith.constant 0 : i32
      %dma_wait3A_2117 = tpu.memref_slice %arg6[%dma_wait3A_2114, %dma_wait3A_2115, %dma_wait3A_2116] : memref<8x80x128xf32, #tpu.memory_space<vmem>> -> memref<1x80x128xf32, #tpu.memory_space<vmem>>
      %dma_wait3A_2118 = tpu.memref_squeeze %dma_wait3A_2117 : memref<1x80x128xf32, #tpu.memory_space<vmem>> -> memref<80x128xf32, #tpu.memory_space<vmem>>
      %dma_wait3A_2119 = arith.constant 0 : i32
      %dma_wait3A_2120 = arith.constant 0 : i32
      %dma_wait3A_2121 = tpu.memref_slice %arg4[%dma_wait3A_2119, %dma_wait3A_2120] : memref<3276800x128xf32, #tpu.memory_space<hbm>> -> memref<80x128xf32, #tpu.memory_space<hbm>>
      %dma_wait3A_2122 = arith.constant 0 : i32
      %dma_wait3A_2123 = arith.constant 0 : i32
      %dma_wait3A_2124 = tpu.memref_slice %arg4[%dma_wait3A_2122, %dma_wait3A_2123] : memref<3276800x128xf32, #tpu.memory_space<hbm>> -> memref<80x128xf32, #tpu.memory_space<hbm>>
      %dma_wait3A_2125 = arith.constant 0 : i32
      %dma_wait3A_2126 = arith.constant 0 : i32
      %dma_wait3A_2127 = tpu.memref_slice %arg6[%dma_wait3A_2114, %dma_wait3A_2125, %dma_wait3A_2126] : memref<8x80x128xf32, #tpu.memory_space<vmem>> -> memref<1x80x128xf32, #tpu.memory_space<vmem>>
      %dma_wait3A_2128 = tpu.memref_squeeze %dma_wait3A_2127 : memref<1x80x128xf32, #tpu.memory_space<vmem>> -> memref<80x128xf32, #tpu.memory_space<vmem>>
      tpu.wait_dma2 semaphore(%arg10 : memref<!tpu.dma_semaphore, #tpu.memory_space<semaphore_mem>>) src(%dma_wait3A_2128 : memref<80x128xf32, #tpu.memory_space<vmem>>) dst(%dma_wait3A_2124 : memref<80x128xf32, #tpu.memory_space<hbm>>)
      %dma_start3A_2129 = arith.constant 1 : i32
      %dma_start3A_2130 = arith.constant 2 : i32
      %dma_start3A_2131 = arith.constant 2 : i32
      %dma_start3A_2132 = arith.constant 0 : i32
      %dma_start3A_2133 = arith.constant 0 : i32
      %dma_start3A_2134 = tpu.memref_slice %arg6[%dma_start3A_2131, %dma_start3A_2132, %dma_start3A_2133] : memref<8x80x128xf32, #tpu.memory_space<vmem>> -> memref<1x80x128xf32, #tpu.memory_space<vmem>>
      %dma_start3A_2135 = tpu.memref_squeeze %dma_start3A_2134 : memref<1x80x128xf32, #tpu.memory_space<vmem>> -> memref<80x128xf32, #tpu.memory_space<vmem>>
      %dma_start3A_2136 = arith.constant 0 : i32
      %dma_start3A_2137 = arith.constant 0 : i32
      %dma_start3A_2138 = tpu.memref_slice %arg5[%dma_start3A_2129, %dma_start3A_2136, %dma_start3A_2137] : memref<2x8x80xi32, #tpu.memory_space<vmem>> -> memref<1x8x80xi32, #tpu.memory_space<vmem>>
      %dma_start3A_2139 = tpu.memref_squeeze %dma_start3A_2138 : memref<1x8x80xi32, #tpu.memory_space<vmem>> -> memref<8x80xi32, #tpu.memory_space<vmem>>
      %dma_start3A_2140 = arith.constant 0 : i32
      %dma_start3A_2141 = tpu.memref_slice %dma_start3A_2139[%dma_start3A_2130, %dma_start3A_2140] : memref<8x80xi32, #tpu.memory_space<vmem>> -> memref<1x80xi32, #tpu.memory_space<vmem>>
      %dma_start3A_2142 = tpu.memref_squeeze %dma_start3A_2141 : memref<1x80xi32, #tpu.memory_space<vmem>> -> memref<80xi32, #tpu.memory_space<vmem>>
      %dma_start3A_2143 = arith.constant 0 : i32
      %dma_start3A_2144 = arith.constant 0 : i32
      %dma_start3A_2145 = tpu.memref_slice %arg7[%dma_start3A_2143, %dma_start3A_2144] : memref<1000x128xf32, #tpu.memory_space<vmem_shared>> -> memref<1000x128xf32, #tpu.memory_space<vmem_shared>>
      tpu.enqueue_indirect_dma source(%dma_start3A_2145 : memref<1000x128xf32, #tpu.memory_space<vmem_shared>>) target(%dma_start3A_2135 : memref<80x128xf32, #tpu.memory_space<vmem>>) offsets(%dma_start3A_2142 : memref<80xi32, #tpu.memory_space<vmem>>) semaphore(%arg9 : memref<!tpu.dma_semaphore, #tpu.memory_space<semaphore_mem>>)
      %dma_wait3A_2146 = arith.constant 0 : i32
      %dma_wait3A_2147 = arith.constant 0 : i32
      %dma_wait3A_2148 = arith.constant 0 : i32
      %dma_wait3A_2149 = tpu.memref_slice %arg6[%dma_wait3A_2146, %dma_wait3A_2147, %dma_wait3A_2148] : memref<8x80x128xf32, #tpu.memory_space<vmem>> -> memref<1x80x128xf32, #tpu.memory_space<vmem>>
      %dma_wait3A_2150 = tpu.memref_squeeze %dma_wait3A_2149 : memref<1x80x128xf32, #tpu.memory_space<vmem>> -> memref<80x128xf32, #tpu.memory_space<vmem>>
      %dma_wait3A_2151 = arith.constant 0 : i32
      %dma_wait3A_2152 = arith.constant 0 : i32
      %dma_wait3A_2153 = tpu.memref_slice %arg4[%dma_wait3A_2151, %dma_wait3A_2152] : memref<3276800x128xf32, #tpu.memory_space<hbm>> -> memref<80x128xf32, #tpu.memory_space<hbm>>
      %dma_wait3A_2154 = arith.constant 0 : i32
      %dma_wait3A_2155 = arith.constant 0 : i32
      %dma_wait3A_2156 = tpu.memref_slice %arg6[%dma_wait3A_2146, %dma_wait3A_2154, %dma_wait3A_2155] : memref<8x80x128xf32, #tpu.memory_space<vmem>> -> memref<1x80x128xf32, #tpu.memory_space<vmem>>
      %dma_wait3A_2157 = tpu.memref_squeeze %dma_wait3A_2156 : memref<1x80x128xf32, #tpu.memory_space<vmem>> -> memref<80x128xf32, #tpu.memory_space<vmem>>
      %dma_wait3A_2158 = arith.constant 0 : i32
      %dma_wait3A_2159 = arith.constant 0 : i32
      %dma_wait3A_2160 = tpu.memref_slice %arg4[%dma_wait3A_2158, %dma_wait3A_2159] : memref<3276800x128xf32, #tpu.memory_space<hbm>> -> memref<80x128xf32, #tpu.memory_space<hbm>>
      tpu.wait_dma2 semaphore(%arg9 : memref<!tpu.dma_semaphore, #tpu.memory_space<semaphore_mem>>) src(%dma_wait3A_2160 : memref<80x128xf32, #tpu.memory_space<hbm>>) dst(%dma_wait3A_2157 : memref<80x128xf32, #tpu.memory_space<vmem>>)
      %add3A_2161 = arith.constant 7 : i32
      %add3A_2162 = arith.addi %add3A_1682, %add3A_2161 : i32
      %mul3A_2163 = arith.constant 80 : i32
      %mul3A_2164 = arith.muli %add3A_2162, %mul3A_2163 : i32
      %dma_start3A_2165 = arith.constant 7 : i32
      %dma_start3A_2166 = arith.constant 0 : i32
      %dma_start3A_2167 = arith.constant 0 : i32
      %dma_start3A_2168 = tpu.memref_slice %arg6[%dma_start3A_2165, %dma_start3A_2166, %dma_start3A_2167] : memref<8x80x128xf32, #tpu.memory_space<vmem>> -> memref<1x80x128xf32, #tpu.memory_space<vmem>>
      %dma_start3A_2169 = tpu.memref_squeeze %dma_start3A_2168 : memref<1x80x128xf32, #tpu.memory_space<vmem>> -> memref<80x128xf32, #tpu.memory_space<vmem>>
      %dma_start3A_2170 = arith.constant 0 : i32
      %dma_start3A_2171 = tpu.memref_slice %arg4[%mul3A_2164, %dma_start3A_2170] : memref<3276800x128xf32, #tpu.memory_space<hbm>> -> memref<80x128xf32, #tpu.memory_space<hbm>>
      %dma_start3A_2172 = arith.constant 0 : i32
      %dma_start3A_2173 = tpu.memref_slice %arg4[%mul3A_2164, %dma_start3A_2172] : memref<3276800x128xf32, #tpu.memory_space<hbm>> -> memref<80x128xf32, #tpu.memory_space<hbm>>
      %dma_start3A_2174 = arith.constant 0 : i32
      %dma_start3A_2175 = arith.constant 0 : i32
      %dma_start3A_2176 = tpu.memref_slice %arg6[%dma_start3A_2165, %dma_start3A_2174, %dma_start3A_2175] : memref<8x80x128xf32, #tpu.memory_space<vmem>> -> memref<1x80x128xf32, #tpu.memory_space<vmem>>
      %dma_start3A_2177 = tpu.memref_squeeze %dma_start3A_2176 : memref<1x80x128xf32, #tpu.memory_space<vmem>> -> memref<80x128xf32, #tpu.memory_space<vmem>>
      tpu.enqueue_dma source(%dma_start3A_2177 : memref<80x128xf32, #tpu.memory_space<vmem>>) target(%dma_start3A_2173 : memref<80x128xf32, #tpu.memory_space<hbm>>) target_semaphore(%arg10 : memref<!tpu.dma_semaphore, #tpu.memory_space<semaphore_mem>>)
      %dma_wait3A_2178 = arith.constant 0 : i32
      %dma_wait3A_2179 = arith.constant 0 : i32
      %dma_wait3A_2180 = arith.constant 0 : i32
      %dma_wait3A_2181 = tpu.memref_slice %arg6[%dma_wait3A_2178, %dma_wait3A_2179, %dma_wait3A_2180] : memref<8x80x128xf32, #tpu.memory_space<vmem>> -> memref<1x80x128xf32, #tpu.memory_space<vmem>>
      %dma_wait3A_2182 = tpu.memref_squeeze %dma_wait3A_2181 : memref<1x80x128xf32, #tpu.memory_space<vmem>> -> memref<80x128xf32, #tpu.memory_space<vmem>>
      %dma_wait3A_2183 = arith.constant 0 : i32
      %dma_wait3A_2184 = arith.constant 0 : i32
      %dma_wait3A_2185 = tpu.memref_slice %arg4[%dma_wait3A_2183, %dma_wait3A_2184] : memref<3276800x128xf32, #tpu.memory_space<hbm>> -> memref<80x128xf32, #tpu.memory_space<hbm>>
      %dma_wait3A_2186 = arith.constant 0 : i32
      %dma_wait3A_2187 = arith.constant 0 : i32
      %dma_wait3A_2188 = tpu.memref_slice %arg4[%dma_wait3A_2186, %dma_wait3A_2187] : memref<3276800x128xf32, #tpu.memory_space<hbm>> -> memref<80x128xf32, #tpu.memory_space<hbm>>
      %dma_wait3A_2189 = arith.constant 0 : i32
      %dma_wait3A_2190 = arith.constant 0 : i32
      %dma_wait3A_2191 = tpu.memref_slice %arg6[%dma_wait3A_2178, %dma_wait3A_2189, %dma_wait3A_2190] : memref<8x80x128xf32, #tpu.memory_space<vmem>> -> memref<1x80x128xf32, #tpu.memory_space<vmem>>
      %dma_wait3A_2192 = tpu.memref_squeeze %dma_wait3A_2191 : memref<1x80x128xf32, #tpu.memory_space<vmem>> -> memref<80x128xf32, #tpu.memory_space<vmem>>
      tpu.wait_dma2 semaphore(%arg10 : memref<!tpu.dma_semaphore, #tpu.memory_space<semaphore_mem>>) src(%dma_wait3A_2192 : memref<80x128xf32, #tpu.memory_space<vmem>>) dst(%dma_wait3A_2188 : memref<80x128xf32, #tpu.memory_space<hbm>>)
      %dma_start3A_2193 = arith.constant 1 : i32
      %dma_start3A_2194 = arith.constant 3 : i32
      %dma_start3A_2195 = arith.constant 3 : i32
      %dma_start3A_2196 = arith.constant 0 : i32
      %dma_start3A_2197 = arith.constant 0 : i32
      %dma_start3A_2198 = tpu.memref_slice %arg6[%dma_start3A_2195, %dma_start3A_2196, %dma_start3A_2197] : memref<8x80x128xf32, #tpu.memory_space<vmem>> -> memref<1x80x128xf32, #tpu.memory_space<vmem>>
      %dma_start3A_2199 = tpu.memref_squeeze %dma_start3A_2198 : memref<1x80x128xf32, #tpu.memory_space<vmem>> -> memref<80x128xf32, #tpu.memory_space<vmem>>
      %dma_start3A_2200 = arith.constant 0 : i32
      %dma_start3A_2201 = arith.constant 0 : i32
      %dma_start3A_2202 = tpu.memref_slice %arg5[%dma_start3A_2193, %dma_start3A_2200, %dma_start3A_2201] : memref<2x8x80xi32, #tpu.memory_space<vmem>> -> memref<1x8x80xi32, #tpu.memory_space<vmem>>
      %dma_start3A_2203 = tpu.memref_squeeze %dma_start3A_2202 : memref<1x8x80xi32, #tpu.memory_space<vmem>> -> memref<8x80xi32, #tpu.memory_space<vmem>>
      %dma_start3A_2204 = arith.constant 0 : i32
      %dma_start3A_2205 = tpu.memref_slice %dma_start3A_2203[%dma_start3A_2194, %dma_start3A_2204] : memref<8x80xi32, #tpu.memory_space<vmem>> -> memref<1x80xi32, #tpu.memory_space<vmem>>
      %dma_start3A_2206 = tpu.memref_squeeze %dma_start3A_2205 : memref<1x80xi32, #tpu.memory_space<vmem>> -> memref<80xi32, #tpu.memory_space<vmem>>
      %dma_start3A_2207 = arith.constant 0 : i32
      %dma_start3A_2208 = arith.constant 0 : i32
      %dma_start3A_2209 = tpu.memref_slice %arg7[%dma_start3A_2207, %dma_start3A_2208] : memref<1000x128xf32, #tpu.memory_space<vmem_shared>> -> memref<1000x128xf32, #tpu.memory_space<vmem_shared>>
      tpu.enqueue_indirect_dma source(%dma_start3A_2209 : memref<1000x128xf32, #tpu.memory_space<vmem_shared>>) target(%dma_start3A_2199 : memref<80x128xf32, #tpu.memory_space<vmem>>) offsets(%dma_start3A_2206 : memref<80xi32, #tpu.memory_space<vmem>>) semaphore(%arg9 : memref<!tpu.dma_semaphore, #tpu.memory_space<semaphore_mem>>)
      %add3A_2210 = arith.constant 2 : i32
      %add3A_2211 = arith.addi %add3A_1679, %add3A_2210 : i32
      %min3A_2212 = arith.constant 159 : i32
      %min3A_2213 = arith.minsi %add3A_2211, %min3A_2212 : i32
      %mul3A_2214 = arith.constant 8 : i32
      %mul3A_2215 = arith.muli %min3A_2213, %mul3A_2214 : i32
      %add3A_2216 = arith.addi %mul3A_2, %mul3A_2215 : i32
      %dma_start3A_2217 = arith.constant 0 : i32
      %dma_start3A_2218 = arith.constant 0 : i32
      %dma_start3A_2219 = arith.constant 0 : i32
      %dma_start3A_2220 = tpu.memref_slice %arg5[%dma_start3A_2217, %dma_start3A_2218, %dma_start3A_2219] : memref<2x8x80xi32, #tpu.memory_space<vmem>> -> memref<1x8x80xi32, #tpu.memory_space<vmem>>
      %dma_start3A_2221 = tpu.memref_squeeze %dma_start3A_2220 : memref<1x8x80xi32, #tpu.memory_space<vmem>> -> memref<8x80xi32, #tpu.memory_space<vmem>>
      %dma_start3A_2222 = arith.constant 0 : i32
      %dma_start3A_2223 = tpu.memref_slice %arg2[%add3A_2216, %dma_start3A_2222] : memref<40960x80xi32, #tpu.memory_space<hbm>> -> memref<8x80xi32, #tpu.memory_space<hbm>>
      %dma_start3A_2224 = arith.constant 0 : i32
      %dma_start3A_2225 = arith.constant 0 : i32
      %dma_start3A_2226 = tpu.memref_slice %arg5[%dma_start3A_2217, %dma_start3A_2224, %dma_start3A_2225] : memref<2x8x80xi32, #tpu.memory_space<vmem>> -> memref<1x8x80xi32, #tpu.memory_space<vmem>>
      %dma_start3A_2227 = tpu.memref_squeeze %dma_start3A_2226 : memref<1x8x80xi32, #tpu.memory_space<vmem>> -> memref<8x80xi32, #tpu.memory_space<vmem>>
      %dma_start3A_2228 = arith.constant 0 : i32
      %dma_start3A_2229 = tpu.memref_slice %arg2[%add3A_2216, %dma_start3A_2228] : memref<40960x80xi32, #tpu.memory_space<hbm>> -> memref<8x80xi32, #tpu.memory_space<hbm>>
      tpu.enqueue_dma source(%dma_start3A_2229 : memref<8x80xi32, #tpu.memory_space<hbm>>) target(%dma_start3A_2227 : memref<8x80xi32, #tpu.memory_space<vmem>>) target_semaphore(%arg8 : memref<!tpu.dma_semaphore, #tpu.memory_space<semaphore_mem>>)
    }
    %scan3A_600 = arith.constant 79 : i32
    %add3A_601 = arith.constant 1272 : i32
    %add3A_602 = arith.addi %mul3A_2, %add3A_601 : i32
    %dma_wait3A_603 = arith.constant 0 : i32
    %dma_wait3A_604 = arith.constant 0 : i32
    %dma_wait3A_605 = arith.constant 0 : i32
    %dma_wait3A_606 = tpu.memref_slice %arg6[%dma_wait3A_603, %dma_wait3A_604, %dma_wait3A_605] : memref<8x80x128xf32, #tpu.memory_space<vmem>> -> memref<1x80x128xf32, #tpu.memory_space<vmem>>
    %dma_wait3A_607 = tpu.memref_squeeze %dma_wait3A_606 : memref<1x80x128xf32, #tpu.memory_space<vmem>> -> memref<80x128xf32, #tpu.memory_space<vmem>>
    %dma_wait3A_608 = arith.constant 0 : i32
    %dma_wait3A_609 = arith.constant 0 : i32
    %dma_wait3A_610 = tpu.memref_slice %arg4[%dma_wait3A_608, %dma_wait3A_609] : memref<3276800x128xf32, #tpu.memory_space<hbm>> -> memref<80x128xf32, #tpu.memory_space<hbm>>
    %dma_wait3A_611 = arith.constant 0 : i32
    %dma_wait3A_612 = arith.constant 0 : i32
    %dma_wait3A_613 = tpu.memref_slice %arg6[%dma_wait3A_603, %dma_wait3A_611, %dma_wait3A_612] : memref<8x80x128xf32, #tpu.memory_space<vmem>> -> memref<1x80x128xf32, #tpu.memory_space<vmem>>
    %dma_wait3A_614 = tpu.memref_squeeze %dma_wait3A_613 : memref<1x80x128xf32, #tpu.memory_space<vmem>> -> memref<80x128xf32, #tpu.memory_space<vmem>>
    %dma_wait3A_615 = arith.constant 0 : i32
    %dma_wait3A_616 = arith.constant 0 : i32
    %dma_wait3A_617 = tpu.memref_slice %arg4[%dma_wait3A_615, %dma_wait3A_616] : memref<3276800x128xf32, #tpu.memory_space<hbm>> -> memref<80x128xf32, #tpu.memory_space<hbm>>
    tpu.wait_dma2 semaphore(%arg9 : memref<!tpu.dma_semaphore, #tpu.memory_space<semaphore_mem>>) src(%dma_wait3A_617 : memref<80x128xf32, #tpu.memory_space<hbm>>) dst(%dma_wait3A_614 : memref<80x128xf32, #tpu.memory_space<vmem>>)
    %add3A_618 = arith.constant 0 : i32
    %add3A_619 = arith.addi %add3A_602, %add3A_618 : i32
    %mul3A_620 = arith.constant 80 : i32
    %mul3A_621 = arith.muli %add3A_619, %mul3A_620 : i32
    %dma_start3A_622 = arith.constant 0 : i32
    %dma_start3A_623 = arith.constant 0 : i32
    %dma_start3A_624 = arith.constant 0 : i32
    %dma_start3A_625 = tpu.memref_slice %arg6[%dma_start3A_622, %dma_start3A_623, %dma_start3A_624] : memref<8x80x128xf32, #tpu.memory_space<vmem>> -> memref<1x80x128xf32, #tpu.memory_space<vmem>>
    %dma_start3A_626 = tpu.memref_squeeze %dma_start3A_625 : memref<1x80x128xf32, #tpu.memory_space<vmem>> -> memref<80x128xf32, #tpu.memory_space<vmem>>
    %dma_start3A_627 = arith.constant 0 : i32
    %dma_start3A_628 = tpu.memref_slice %arg4[%mul3A_621, %dma_start3A_627] : memref<3276800x128xf32, #tpu.memory_space<hbm>> -> memref<80x128xf32, #tpu.memory_space<hbm>>
    %dma_start3A_629 = arith.constant 0 : i32
    %dma_start3A_630 = tpu.memref_slice %arg4[%mul3A_621, %dma_start3A_629] : memref<3276800x128xf32, #tpu.memory_space<hbm>> -> memref<80x128xf32, #tpu.memory_space<hbm>>
    %dma_start3A_631 = arith.constant 0 : i32
    %dma_start3A_632 = arith.constant 0 : i32
    %dma_start3A_633 = tpu.memref_slice %arg6[%dma_start3A_622, %dma_start3A_631, %dma_start3A_632] : memref<8x80x128xf32, #tpu.memory_space<vmem>> -> memref<1x80x128xf32, #tpu.memory_space<vmem>>
    %dma_start3A_634 = tpu.memref_squeeze %dma_start3A_633 : memref<1x80x128xf32, #tpu.memory_space<vmem>> -> memref<80x128xf32, #tpu.memory_space<vmem>>
    tpu.enqueue_dma source(%dma_start3A_634 : memref<80x128xf32, #tpu.memory_space<vmem>>) target(%dma_start3A_630 : memref<80x128xf32, #tpu.memory_space<hbm>>) target_semaphore(%arg10 : memref<!tpu.dma_semaphore, #tpu.memory_space<semaphore_mem>>)
    %dma_wait3A_635 = arith.constant 0 : i32
    %dma_wait3A_636 = arith.constant 0 : i32
    %dma_wait3A_637 = arith.constant 0 : i32
    %dma_wait3A_638 = tpu.memref_slice %arg6[%dma_wait3A_635, %dma_wait3A_636, %dma_wait3A_637] : memref<8x80x128xf32, #tpu.memory_space<vmem>> -> memref<1x80x128xf32, #tpu.memory_space<vmem>>
    %dma_wait3A_639 = tpu.memref_squeeze %dma_wait3A_638 : memref<1x80x128xf32, #tpu.memory_space<vmem>> -> memref<80x128xf32, #tpu.memory_space<vmem>>
    %dma_wait3A_640 = arith.constant 0 : i32
    %dma_wait3A_641 = arith.constant 0 : i32
    %dma_wait3A_642 = tpu.memref_slice %arg4[%dma_wait3A_640, %dma_wait3A_641] : memref<3276800x128xf32, #tpu.memory_space<hbm>> -> memref<80x128xf32, #tpu.memory_space<hbm>>
    %dma_wait3A_643 = arith.constant 0 : i32
    %dma_wait3A_644 = arith.constant 0 : i32
    %dma_wait3A_645 = tpu.memref_slice %arg4[%dma_wait3A_643, %dma_wait3A_644] : memref<3276800x128xf32, #tpu.memory_space<hbm>> -> memref<80x128xf32, #tpu.memory_space<hbm>>
    %dma_wait3A_646 = arith.constant 0 : i32
    %dma_wait3A_647 = arith.constant 0 : i32
    %dma_wait3A_648 = tpu.memref_slice %arg6[%dma_wait3A_635, %dma_wait3A_646, %dma_wait3A_647] : memref<8x80x128xf32, #tpu.memory_space<vmem>> -> memref<1x80x128xf32, #tpu.memory_space<vmem>>
    %dma_wait3A_649 = tpu.memref_squeeze %dma_wait3A_648 : memref<1x80x128xf32, #tpu.memory_space<vmem>> -> memref<80x128xf32, #tpu.memory_space<vmem>>
    tpu.wait_dma2 semaphore(%arg10 : memref<!tpu.dma_semaphore, #tpu.memory_space<semaphore_mem>>) src(%dma_wait3A_649 : memref<80x128xf32, #tpu.memory_space<vmem>>) dst(%dma_wait3A_645 : memref<80x128xf32, #tpu.memory_space<hbm>>)
    %dma_start3A_650 = arith.constant 1 : i32
    %dma_start3A_651 = arith.constant 4 : i32
    %dma_start3A_652 = arith.constant 4 : i32
    %dma_start3A_653 = arith.constant 0 : i32
    %dma_start3A_654 = arith.constant 0 : i32
    %dma_start3A_655 = tpu.memref_slice %arg6[%dma_start3A_652, %dma_start3A_653, %dma_start3A_654] : memref<8x80x128xf32, #tpu.memory_space<vmem>> -> memref<1x80x128xf32, #tpu.memory_space<vmem>>
    %dma_start3A_656 = tpu.memref_squeeze %dma_start3A_655 : memref<1x80x128xf32, #tpu.memory_space<vmem>> -> memref<80x128xf32, #tpu.memory_space<vmem>>
    %dma_start3A_657 = arith.constant 0 : i32
    %dma_start3A_658 = arith.constant 0 : i32
    %dma_start3A_659 = tpu.memref_slice %arg5[%dma_start3A_650, %dma_start3A_657, %dma_start3A_658] : memref<2x8x80xi32, #tpu.memory_space<vmem>> -> memref<1x8x80xi32, #tpu.memory_space<vmem>>
    %dma_start3A_660 = tpu.memref_squeeze %dma_start3A_659 : memref<1x8x80xi32, #tpu.memory_space<vmem>> -> memref<8x80xi32, #tpu.memory_space<vmem>>
    %dma_start3A_661 = arith.constant 0 : i32
    %dma_start3A_662 = tpu.memref_slice %dma_start3A_660[%dma_start3A_651, %dma_start3A_661] : memref<8x80xi32, #tpu.memory_space<vmem>> -> memref<1x80xi32, #tpu.memory_space<vmem>>
    %dma_start3A_663 = tpu.memref_squeeze %dma_start3A_662 : memref<1x80xi32, #tpu.memory_space<vmem>> -> memref<80xi32, #tpu.memory_space<vmem>>
    %dma_start3A_664 = arith.constant 0 : i32
    %dma_start3A_665 = arith.constant 0 : i32
    %dma_start3A_666 = tpu.memref_slice %arg7[%dma_start3A_664, %dma_start3A_665] : memref<1000x128xf32, #tpu.memory_space<vmem_shared>> -> memref<1000x128xf32, #tpu.memory_space<vmem_shared>>
    tpu.enqueue_indirect_dma source(%dma_start3A_666 : memref<1000x128xf32, #tpu.memory_space<vmem_shared>>) target(%dma_start3A_656 : memref<80x128xf32, #tpu.memory_space<vmem>>) offsets(%dma_start3A_663 : memref<80xi32, #tpu.memory_space<vmem>>) semaphore(%arg9 : memref<!tpu.dma_semaphore, #tpu.memory_space<semaphore_mem>>)
    %dma_wait3A_667 = arith.constant 0 : i32
    %dma_wait3A_668 = arith.constant 0 : i32
    %dma_wait3A_669 = arith.constant 0 : i32
    %dma_wait3A_670 = tpu.memref_slice %arg6[%dma_wait3A_667, %dma_wait3A_668, %dma_wait3A_669] : memref<8x80x128xf32, #tpu.memory_space<vmem>> -> memref<1x80x128xf32, #tpu.memory_space<vmem>>
    %dma_wait3A_671 = tpu.memref_squeeze %dma_wait3A_670 : memref<1x80x128xf32, #tpu.memory_space<vmem>> -> memref<80x128xf32, #tpu.memory_space<vmem>>
    %dma_wait3A_672 = arith.constant 0 : i32
    %dma_wait3A_673 = arith.constant 0 : i32
    %dma_wait3A_674 = tpu.memref_slice %arg4[%dma_wait3A_672, %dma_wait3A_673] : memref<3276800x128xf32, #tpu.memory_space<hbm>> -> memref<80x128xf32, #tpu.memory_space<hbm>>
    %dma_wait3A_675 = arith.constant 0 : i32
    %dma_wait3A_676 = arith.constant 0 : i32
    %dma_wait3A_677 = tpu.memref_slice %arg6[%dma_wait3A_667, %dma_wait3A_675, %dma_wait3A_676] : memref<8x80x128xf32, #tpu.memory_space<vmem>> -> memref<1x80x128xf32, #tpu.memory_space<vmem>>
    %dma_wait3A_678 = tpu.memref_squeeze %dma_wait3A_677 : memref<1x80x128xf32, #tpu.memory_space<vmem>> -> memref<80x128xf32, #tpu.memory_space<vmem>>
    %dma_wait3A_679 = arith.constant 0 : i32
    %dma_wait3A_680 = arith.constant 0 : i32
    %dma_wait3A_681 = tpu.memref_slice %arg4[%dma_wait3A_679, %dma_wait3A_680] : memref<3276800x128xf32, #tpu.memory_space<hbm>> -> memref<80x128xf32, #tpu.memory_space<hbm>>
    tpu.wait_dma2 semaphore(%arg9 : memref<!tpu.dma_semaphore, #tpu.memory_space<semaphore_mem>>) src(%dma_wait3A_681 : memref<80x128xf32, #tpu.memory_space<hbm>>) dst(%dma_wait3A_678 : memref<80x128xf32, #tpu.memory_space<vmem>>)
    %add3A_682 = arith.constant 1 : i32
    %add3A_683 = arith.addi %add3A_602, %add3A_682 : i32
    %mul3A_684 = arith.constant 80 : i32
    %mul3A_685 = arith.muli %add3A_683, %mul3A_684 : i32
    %dma_start3A_686 = arith.constant 1 : i32
    %dma_start3A_687 = arith.constant 0 : i32
    %dma_start3A_688 = arith.constant 0 : i32
    %dma_start3A_689 = tpu.memref_slice %arg6[%dma_start3A_686, %dma_start3A_687, %dma_start3A_688] : memref<8x80x128xf32, #tpu.memory_space<vmem>> -> memref<1x80x128xf32, #tpu.memory_space<vmem>>
    %dma_start3A_690 = tpu.memref_squeeze %dma_start3A_689 : memref<1x80x128xf32, #tpu.memory_space<vmem>> -> memref<80x128xf32, #tpu.memory_space<vmem>>
    %dma_start3A_691 = arith.constant 0 : i32
    %dma_start3A_692 = tpu.memref_slice %arg4[%mul3A_685, %dma_start3A_691] : memref<3276800x128xf32, #tpu.memory_space<hbm>> -> memref<80x128xf32, #tpu.memory_space<hbm>>
    %dma_start3A_693 = arith.constant 0 : i32
    %dma_start3A_694 = tpu.memref_slice %arg4[%mul3A_685, %dma_start3A_693] : memref<3276800x128xf32, #tpu.memory_space<hbm>> -> memref<80x128xf32, #tpu.memory_space<hbm>>
    %dma_start3A_695 = arith.constant 0 : i32
    %dma_start3A_696 = arith.constant 0 : i32
    %dma_start3A_697 = tpu.memref_slice %arg6[%dma_start3A_686, %dma_start3A_695, %dma_start3A_696] : memref<8x80x128xf32, #tpu.memory_space<vmem>> -> memref<1x80x128xf32, #tpu.memory_space<vmem>>
    %dma_start3A_698 = tpu.memref_squeeze %dma_start3A_697 : memref<1x80x128xf32, #tpu.memory_space<vmem>> -> memref<80x128xf32, #tpu.memory_space<vmem>>
    tpu.enqueue_dma source(%dma_start3A_698 : memref<80x128xf32, #tpu.memory_space<vmem>>) target(%dma_start3A_694 : memref<80x128xf32, #tpu.memory_space<hbm>>) target_semaphore(%arg10 : memref<!tpu.dma_semaphore, #tpu.memory_space<semaphore_mem>>)
    %dma_wait3A_699 = arith.constant 0 : i32
    %dma_wait3A_700 = arith.constant 0 : i32
    %dma_wait3A_701 = arith.constant 0 : i32
    %dma_wait3A_702 = tpu.memref_slice %arg6[%dma_wait3A_699, %dma_wait3A_700, %dma_wait3A_701] : memref<8x80x128xf32, #tpu.memory_space<vmem>> -> memref<1x80x128xf32, #tpu.memory_space<vmem>>
    %dma_wait3A_703 = tpu.memref_squeeze %dma_wait3A_702 : memref<1x80x128xf32, #tpu.memory_space<vmem>> -> memref<80x128xf32, #tpu.memory_space<vmem>>
    %dma_wait3A_704 = arith.constant 0 : i32
    %dma_wait3A_705 = arith.constant 0 : i32
    %dma_wait3A_706 = tpu.memref_slice %arg4[%dma_wait3A_704, %dma_wait3A_705] : memref<3276800x128xf32, #tpu.memory_space<hbm>> -> memref<80x128xf32, #tpu.memory_space<hbm>>
    %dma_wait3A_707 = arith.constant 0 : i32
    %dma_wait3A_708 = arith.constant 0 : i32
    %dma_wait3A_709 = tpu.memref_slice %arg4[%dma_wait3A_707, %dma_wait3A_708] : memref<3276800x128xf32, #tpu.memory_space<hbm>> -> memref<80x128xf32, #tpu.memory_space<hbm>>
    %dma_wait3A_710 = arith.constant 0 : i32
    %dma_wait3A_711 = arith.constant 0 : i32
    %dma_wait3A_712 = tpu.memref_slice %arg6[%dma_wait3A_699, %dma_wait3A_710, %dma_wait3A_711] : memref<8x80x128xf32, #tpu.memory_space<vmem>> -> memref<1x80x128xf32, #tpu.memory_space<vmem>>
    %dma_wait3A_713 = tpu.memref_squeeze %dma_wait3A_712 : memref<1x80x128xf32, #tpu.memory_space<vmem>> -> memref<80x128xf32, #tpu.memory_space<vmem>>
    tpu.wait_dma2 semaphore(%arg10 : memref<!tpu.dma_semaphore, #tpu.memory_space<semaphore_mem>>) src(%dma_wait3A_713 : memref<80x128xf32, #tpu.memory_space<vmem>>) dst(%dma_wait3A_709 : memref<80x128xf32, #tpu.memory_space<hbm>>)
    %dma_start3A_714 = arith.constant 1 : i32
    %dma_start3A_715 = arith.constant 5 : i32
    %dma_start3A_716 = arith.constant 5 : i32
    %dma_start3A_717 = arith.constant 0 : i32
    %dma_start3A_718 = arith.constant 0 : i32
    %dma_start3A_719 = tpu.memref_slice %arg6[%dma_start3A_716, %dma_start3A_717, %dma_start3A_718] : memref<8x80x128xf32, #tpu.memory_space<vmem>> -> memref<1x80x128xf32, #tpu.memory_space<vmem>>
    %dma_start3A_720 = tpu.memref_squeeze %dma_start3A_719 : memref<1x80x128xf32, #tpu.memory_space<vmem>> -> memref<80x128xf32, #tpu.memory_space<vmem>>
    %dma_start3A_721 = arith.constant 0 : i32
    %dma_start3A_722 = arith.constant 0 : i32
    %dma_start3A_723 = tpu.memref_slice %arg5[%dma_start3A_714, %dma_start3A_721, %dma_start3A_722] : memref<2x8x80xi32, #tpu.memory_space<vmem>> -> memref<1x8x80xi32, #tpu.memory_space<vmem>>
    %dma_start3A_724 = tpu.memref_squeeze %dma_start3A_723 : memref<1x8x80xi32, #tpu.memory_space<vmem>> -> memref<8x80xi32, #tpu.memory_space<vmem>>
    %dma_start3A_725 = arith.constant 0 : i32
    %dma_start3A_726 = tpu.memref_slice %dma_start3A_724[%dma_start3A_715, %dma_start3A_725] : memref<8x80xi32, #tpu.memory_space<vmem>> -> memref<1x80xi32, #tpu.memory_space<vmem>>
    %dma_start3A_727 = tpu.memref_squeeze %dma_start3A_726 : memref<1x80xi32, #tpu.memory_space<vmem>> -> memref<80xi32, #tpu.memory_space<vmem>>
    %dma_start3A_728 = arith.constant 0 : i32
    %dma_start3A_729 = arith.constant 0 : i32
    %dma_start3A_730 = tpu.memref_slice %arg7[%dma_start3A_728, %dma_start3A_729] : memref<1000x128xf32, #tpu.memory_space<vmem_shared>> -> memref<1000x128xf32, #tpu.memory_space<vmem_shared>>
    tpu.enqueue_indirect_dma source(%dma_start3A_730 : memref<1000x128xf32, #tpu.memory_space<vmem_shared>>) target(%dma_start3A_720 : memref<80x128xf32, #tpu.memory_space<vmem>>) offsets(%dma_start3A_727 : memref<80xi32, #tpu.memory_space<vmem>>) semaphore(%arg9 : memref<!tpu.dma_semaphore, #tpu.memory_space<semaphore_mem>>)
    %dma_wait3A_731 = arith.constant 0 : i32
    %dma_wait3A_732 = arith.constant 0 : i32
    %dma_wait3A_733 = arith.constant 0 : i32
    %dma_wait3A_734 = tpu.memref_slice %arg6[%dma_wait3A_731, %dma_wait3A_732, %dma_wait3A_733] : memref<8x80x128xf32, #tpu.memory_space<vmem>> -> memref<1x80x128xf32, #tpu.memory_space<vmem>>
    %dma_wait3A_735 = tpu.memref_squeeze %dma_wait3A_734 : memref<1x80x128xf32, #tpu.memory_space<vmem>> -> memref<80x128xf32, #tpu.memory_space<vmem>>
    %dma_wait3A_736 = arith.constant 0 : i32
    %dma_wait3A_737 = arith.constant 0 : i32
    %dma_wait3A_738 = tpu.memref_slice %arg4[%dma_wait3A_736, %dma_wait3A_737] : memref<3276800x128xf32, #tpu.memory_space<hbm>> -> memref<80x128xf32, #tpu.memory_space<hbm>>
    %dma_wait3A_739 = arith.constant 0 : i32
    %dma_wait3A_740 = arith.constant 0 : i32
    %dma_wait3A_741 = tpu.memref_slice %arg6[%dma_wait3A_731, %dma_wait3A_739, %dma_wait3A_740] : memref<8x80x128xf32, #tpu.memory_space<vmem>> -> memref<1x80x128xf32, #tpu.memory_space<vmem>>
    %dma_wait3A_742 = tpu.memref_squeeze %dma_wait3A_741 : memref<1x80x128xf32, #tpu.memory_space<vmem>> -> memref<80x128xf32, #tpu.memory_space<vmem>>
    %dma_wait3A_743 = arith.constant 0 : i32
    %dma_wait3A_744 = arith.constant 0 : i32
    %dma_wait3A_745 = tpu.memref_slice %arg4[%dma_wait3A_743, %dma_wait3A_744] : memref<3276800x128xf32, #tpu.memory_space<hbm>> -> memref<80x128xf32, #tpu.memory_space<hbm>>
    tpu.wait_dma2 semaphore(%arg9 : memref<!tpu.dma_semaphore, #tpu.memory_space<semaphore_mem>>) src(%dma_wait3A_745 : memref<80x128xf32, #tpu.memory_space<hbm>>) dst(%dma_wait3A_742 : memref<80x128xf32, #tpu.memory_space<vmem>>)
    %add3A_746 = arith.constant 2 : i32
    %add3A_747 = arith.addi %add3A_602, %add3A_746 : i32
    %mul3A_748 = arith.constant 80 : i32
    %mul3A_749 = arith.muli %add3A_747, %mul3A_748 : i32
    %dma_start3A_750 = arith.constant 2 : i32
    %dma_start3A_751 = arith.constant 0 : i32
    %dma_start3A_752 = arith.constant 0 : i32
    %dma_start3A_753 = tpu.memref_slice %arg6[%dma_start3A_750, %dma_start3A_751, %dma_start3A_752] : memref<8x80x128xf32, #tpu.memory_space<vmem>> -> memref<1x80x128xf32, #tpu.memory_space<vmem>>
    %dma_start3A_754 = tpu.memref_squeeze %dma_start3A_753 : memref<1x80x128xf32, #tpu.memory_space<vmem>> -> memref<80x128xf32, #tpu.memory_space<vmem>>
    %dma_start3A_755 = arith.constant 0 : i32
    %dma_start3A_756 = tpu.memref_slice %arg4[%mul3A_749, %dma_start3A_755] : memref<3276800x128xf32, #tpu.memory_space<hbm>> -> memref<80x128xf32, #tpu.memory_space<hbm>>
    %dma_start3A_757 = arith.constant 0 : i32
    %dma_start3A_758 = tpu.memref_slice %arg4[%mul3A_749, %dma_start3A_757] : memref<3276800x128xf32, #tpu.memory_space<hbm>> -> memref<80x128xf32, #tpu.memory_space<hbm>>
    %dma_start3A_759 = arith.constant 0 : i32
    %dma_start3A_760 = arith.constant 0 : i32
    %dma_start3A_761 = tpu.memref_slice %arg6[%dma_start3A_750, %dma_start3A_759, %dma_start3A_760] : memref<8x80x128xf32, #tpu.memory_space<vmem>> -> memref<1x80x128xf32, #tpu.memory_space<vmem>>
    %dma_start3A_762 = tpu.memref_squeeze %dma_start3A_761 : memref<1x80x128xf32, #tpu.memory_space<vmem>> -> memref<80x128xf32, #tpu.memory_space<vmem>>
    tpu.enqueue_dma source(%dma_start3A_762 : memref<80x128xf32, #tpu.memory_space<vmem>>) target(%dma_start3A_758 : memref<80x128xf32, #tpu.memory_space<hbm>>) target_semaphore(%arg10 : memref<!tpu.dma_semaphore, #tpu.memory_space<semaphore_mem>>)
    %dma_wait3A_763 = arith.constant 0 : i32
    %dma_wait3A_764 = arith.constant 0 : i32
    %dma_wait3A_765 = arith.constant 0 : i32
    %dma_wait3A_766 = tpu.memref_slice %arg6[%dma_wait3A_763, %dma_wait3A_764, %dma_wait3A_765] : memref<8x80x128xf32, #tpu.memory_space<vmem>> -> memref<1x80x128xf32, #tpu.memory_space<vmem>>
    %dma_wait3A_767 = tpu.memref_squeeze %dma_wait3A_766 : memref<1x80x128xf32, #tpu.memory_space<vmem>> -> memref<80x128xf32, #tpu.memory_space<vmem>>
    %dma_wait3A_768 = arith.constant 0 : i32
    %dma_wait3A_769 = arith.constant 0 : i32
    %dma_wait3A_770 = tpu.memref_slice %arg4[%dma_wait3A_768, %dma_wait3A_769] : memref<3276800x128xf32, #tpu.memory_space<hbm>> -> memref<80x128xf32, #tpu.memory_space<hbm>>
    %dma_wait3A_771 = arith.constant 0 : i32
    %dma_wait3A_772 = arith.constant 0 : i32
    %dma_wait3A_773 = tpu.memref_slice %arg4[%dma_wait3A_771, %dma_wait3A_772] : memref<3276800x128xf32, #tpu.memory_space<hbm>> -> memref<80x128xf32, #tpu.memory_space<hbm>>
    %dma_wait3A_774 = arith.constant 0 : i32
    %dma_wait3A_775 = arith.constant 0 : i32
    %dma_wait3A_776 = tpu.memref_slice %arg6[%dma_wait3A_763, %dma_wait3A_774, %dma_wait3A_775] : memref<8x80x128xf32, #tpu.memory_space<vmem>> -> memref<1x80x128xf32, #tpu.memory_space<vmem>>
    %dma_wait3A_777 = tpu.memref_squeeze %dma_wait3A_776 : memref<1x80x128xf32, #tpu.memory_space<vmem>> -> memref<80x128xf32, #tpu.memory_space<vmem>>
    tpu.wait_dma2 semaphore(%arg10 : memref<!tpu.dma_semaphore, #tpu.memory_space<semaphore_mem>>) src(%dma_wait3A_777 : memref<80x128xf32, #tpu.memory_space<vmem>>) dst(%dma_wait3A_773 : memref<80x128xf32, #tpu.memory_space<hbm>>)
    %dma_start3A_778 = arith.constant 1 : i32
    %dma_start3A_779 = arith.constant 6 : i32
    %dma_start3A_780 = arith.constant 6 : i32
    %dma_start3A_781 = arith.constant 0 : i32
    %dma_start3A_782 = arith.constant 0 : i32
    %dma_start3A_783 = tpu.memref_slice %arg6[%dma_start3A_780, %dma_start3A_781, %dma_start3A_782] : memref<8x80x128xf32, #tpu.memory_space<vmem>> -> memref<1x80x128xf32, #tpu.memory_space<vmem>>
    %dma_start3A_784 = tpu.memref_squeeze %dma_start3A_783 : memref<1x80x128xf32, #tpu.memory_space<vmem>> -> memref<80x128xf32, #tpu.memory_space<vmem>>
    %dma_start3A_785 = arith.constant 0 : i32
    %dma_start3A_786 = arith.constant 0 : i32
    %dma_start3A_787 = tpu.memref_slice %arg5[%dma_start3A_778, %dma_start3A_785, %dma_start3A_786] : memref<2x8x80xi32, #tpu.memory_space<vmem>> -> memref<1x8x80xi32, #tpu.memory_space<vmem>>
    %dma_start3A_788 = tpu.memref_squeeze %dma_start3A_787 : memref<1x8x80xi32, #tpu.memory_space<vmem>> -> memref<8x80xi32, #tpu.memory_space<vmem>>
    %dma_start3A_789 = arith.constant 0 : i32
    %dma_start3A_790 = tpu.memref_slice %dma_start3A_788[%dma_start3A_779, %dma_start3A_789] : memref<8x80xi32, #tpu.memory_space<vmem>> -> memref<1x80xi32, #tpu.memory_space<vmem>>
    %dma_start3A_791 = tpu.memref_squeeze %dma_start3A_790 : memref<1x80xi32, #tpu.memory_space<vmem>> -> memref<80xi32, #tpu.memory_space<vmem>>
    %dma_start3A_792 = arith.constant 0 : i32
    %dma_start3A_793 = arith.constant 0 : i32
    %dma_start3A_794 = tpu.memref_slice %arg7[%dma_start3A_792, %dma_start3A_793] : memref<1000x128xf32, #tpu.memory_space<vmem_shared>> -> memref<1000x128xf32, #tpu.memory_space<vmem_shared>>
    tpu.enqueue_indirect_dma source(%dma_start3A_794 : memref<1000x128xf32, #tpu.memory_space<vmem_shared>>) target(%dma_start3A_784 : memref<80x128xf32, #tpu.memory_space<vmem>>) offsets(%dma_start3A_791 : memref<80xi32, #tpu.memory_space<vmem>>) semaphore(%arg9 : memref<!tpu.dma_semaphore, #tpu.memory_space<semaphore_mem>>)
    %dma_wait3A_795 = arith.constant 0 : i32
    %dma_wait3A_796 = arith.constant 0 : i32
    %dma_wait3A_797 = arith.constant 0 : i32
    %dma_wait3A_798 = tpu.memref_slice %arg6[%dma_wait3A_795, %dma_wait3A_796, %dma_wait3A_797] : memref<8x80x128xf32, #tpu.memory_space<vmem>> -> memref<1x80x128xf32, #tpu.memory_space<vmem>>
    %dma_wait3A_799 = tpu.memref_squeeze %dma_wait3A_798 : memref<1x80x128xf32, #tpu.memory_space<vmem>> -> memref<80x128xf32, #tpu.memory_space<vmem>>
    %dma_wait3A_800 = arith.constant 0 : i32
    %dma_wait3A_801 = arith.constant 0 : i32
    %dma_wait3A_802 = tpu.memref_slice %arg4[%dma_wait3A_800, %dma_wait3A_801] : memref<3276800x128xf32, #tpu.memory_space<hbm>> -> memref<80x128xf32, #tpu.memory_space<hbm>>
    %dma_wait3A_803 = arith.constant 0 : i32
    %dma_wait3A_804 = arith.constant 0 : i32
    %dma_wait3A_805 = tpu.memref_slice %arg6[%dma_wait3A_795, %dma_wait3A_803, %dma_wait3A_804] : memref<8x80x128xf32, #tpu.memory_space<vmem>> -> memref<1x80x128xf32, #tpu.memory_space<vmem>>
    %dma_wait3A_806 = tpu.memref_squeeze %dma_wait3A_805 : memref<1x80x128xf32, #tpu.memory_space<vmem>> -> memref<80x128xf32, #tpu.memory_space<vmem>>
    %dma_wait3A_807 = arith.constant 0 : i32
    %dma_wait3A_808 = arith.constant 0 : i32
    %dma_wait3A_809 = tpu.memref_slice %arg4[%dma_wait3A_807, %dma_wait3A_808] : memref<3276800x128xf32, #tpu.memory_space<hbm>> -> memref<80x128xf32, #tpu.memory_space<hbm>>
    tpu.wait_dma2 semaphore(%arg9 : memref<!tpu.dma_semaphore, #tpu.memory_space<semaphore_mem>>) src(%dma_wait3A_809 : memref<80x128xf32, #tpu.memory_space<hbm>>) dst(%dma_wait3A_806 : memref<80x128xf32, #tpu.memory_space<vmem>>)
    %add3A_810 = arith.constant 3 : i32
    %add3A_811 = arith.addi %add3A_602, %add3A_810 : i32
    %mul3A_812 = arith.constant 80 : i32
    %mul3A_813 = arith.muli %add3A_811, %mul3A_812 : i32
    %dma_start3A_814 = arith.constant 3 : i32
    %dma_start3A_815 = arith.constant 0 : i32
    %dma_start3A_816 = arith.constant 0 : i32
    %dma_start3A_817 = tpu.memref_slice %arg6[%dma_start3A_814, %dma_start3A_815, %dma_start3A_816] : memref<8x80x128xf32, #tpu.memory_space<vmem>> -> memref<1x80x128xf32, #tpu.memory_space<vmem>>
    %dma_start3A_818 = tpu.memref_squeeze %dma_start3A_817 : memref<1x80x128xf32, #tpu.memory_space<vmem>> -> memref<80x128xf32, #tpu.memory_space<vmem>>
    %dma_start3A_819 = arith.constant 0 : i32
    %dma_start3A_820 = tpu.memref_slice %arg4[%mul3A_813, %dma_start3A_819] : memref<3276800x128xf32, #tpu.memory_space<hbm>> -> memref<80x128xf32, #tpu.memory_space<hbm>>
    %dma_start3A_821 = arith.constant 0 : i32
    %dma_start3A_822 = tpu.memref_slice %arg4[%mul3A_813, %dma_start3A_821] : memref<3276800x128xf32, #tpu.memory_space<hbm>> -> memref<80x128xf32, #tpu.memory_space<hbm>>
    %dma_start3A_823 = arith.constant 0 : i32
    %dma_start3A_824 = arith.constant 0 : i32
    %dma_start3A_825 = tpu.memref_slice %arg6[%dma_start3A_814, %dma_start3A_823, %dma_start3A_824] : memref<8x80x128xf32, #tpu.memory_space<vmem>> -> memref<1x80x128xf32, #tpu.memory_space<vmem>>
    %dma_start3A_826 = tpu.memref_squeeze %dma_start3A_825 : memref<1x80x128xf32, #tpu.memory_space<vmem>> -> memref<80x128xf32, #tpu.memory_space<vmem>>
    tpu.enqueue_dma source(%dma_start3A_826 : memref<80x128xf32, #tpu.memory_space<vmem>>) target(%dma_start3A_822 : memref<80x128xf32, #tpu.memory_space<hbm>>) target_semaphore(%arg10 : memref<!tpu.dma_semaphore, #tpu.memory_space<semaphore_mem>>)
    %dma_wait3A_827 = arith.constant 0 : i32
    %dma_wait3A_828 = arith.constant 0 : i32
    %dma_wait3A_829 = arith.constant 0 : i32
    %dma_wait3A_830 = tpu.memref_slice %arg6[%dma_wait3A_827, %dma_wait3A_828, %dma_wait3A_829] : memref<8x80x128xf32, #tpu.memory_space<vmem>> -> memref<1x80x128xf32, #tpu.memory_space<vmem>>
    %dma_wait3A_831 = tpu.memref_squeeze %dma_wait3A_830 : memref<1x80x128xf32, #tpu.memory_space<vmem>> -> memref<80x128xf32, #tpu.memory_space<vmem>>
    %dma_wait3A_832 = arith.constant 0 : i32
    %dma_wait3A_833 = arith.constant 0 : i32
    %dma_wait3A_834 = tpu.memref_slice %arg4[%dma_wait3A_832, %dma_wait3A_833] : memref<3276800x128xf32, #tpu.memory_space<hbm>> -> memref<80x128xf32, #tpu.memory_space<hbm>>
    %dma_wait3A_835 = arith.constant 0 : i32
    %dma_wait3A_836 = arith.constant 0 : i32
    %dma_wait3A_837 = tpu.memref_slice %arg4[%dma_wait3A_835, %dma_wait3A_836] : memref<3276800x128xf32, #tpu.memory_space<hbm>> -> memref<80x128xf32, #tpu.memory_space<hbm>>
    %dma_wait3A_838 = arith.constant 0 : i32
    %dma_wait3A_839 = arith.constant 0 : i32
    %dma_wait3A_840 = tpu.memref_slice %arg6[%dma_wait3A_827, %dma_wait3A_838, %dma_wait3A_839] : memref<8x80x128xf32, #tpu.memory_space<vmem>> -> memref<1x80x128xf32, #tpu.memory_space<vmem>>
    %dma_wait3A_841 = tpu.memref_squeeze %dma_wait3A_840 : memref<1x80x128xf32, #tpu.memory_space<vmem>> -> memref<80x128xf32, #tpu.memory_space<vmem>>
    tpu.wait_dma2 semaphore(%arg10 : memref<!tpu.dma_semaphore, #tpu.memory_space<semaphore_mem>>) src(%dma_wait3A_841 : memref<80x128xf32, #tpu.memory_space<vmem>>) dst(%dma_wait3A_837 : memref<80x128xf32, #tpu.memory_space<hbm>>)
    %dma_start3A_842 = arith.constant 1 : i32
    %dma_start3A_843 = arith.constant 7 : i32
    %dma_start3A_844 = arith.constant 7 : i32
    %dma_start3A_845 = arith.constant 0 : i32
    %dma_start3A_846 = arith.constant 0 : i32
    %dma_start3A_847 = tpu.memref_slice %arg6[%dma_start3A_844, %dma_start3A_845, %dma_start3A_846] : memref<8x80x128xf32, #tpu.memory_space<vmem>> -> memref<1x80x128xf32, #tpu.memory_space<vmem>>
    %dma_start3A_848 = tpu.memref_squeeze %dma_start3A_847 : memref<1x80x128xf32, #tpu.memory_space<vmem>> -> memref<80x128xf32, #tpu.memory_space<vmem>>
    %dma_start3A_849 = arith.constant 0 : i32
    %dma_start3A_850 = arith.constant 0 : i32
    %dma_start3A_851 = tpu.memref_slice %arg5[%dma_start3A_842, %dma_start3A_849, %dma_start3A_850] : memref<2x8x80xi32, #tpu.memory_space<vmem>> -> memref<1x8x80xi32, #tpu.memory_space<vmem>>
    %dma_start3A_852 = tpu.memref_squeeze %dma_start3A_851 : memref<1x8x80xi32, #tpu.memory_space<vmem>> -> memref<8x80xi32, #tpu.memory_space<vmem>>
    %dma_start3A_853 = arith.constant 0 : i32
    %dma_start3A_854 = tpu.memref_slice %dma_start3A_852[%dma_start3A_843, %dma_start3A_853] : memref<8x80xi32, #tpu.memory_space<vmem>> -> memref<1x80xi32, #tpu.memory_space<vmem>>
    %dma_start3A_855 = tpu.memref_squeeze %dma_start3A_854 : memref<1x80xi32, #tpu.memory_space<vmem>> -> memref<80xi32, #tpu.memory_space<vmem>>
    %dma_start3A_856 = arith.constant 0 : i32
    %dma_start3A_857 = arith.constant 0 : i32
    %dma_start3A_858 = tpu.memref_slice %arg7[%dma_start3A_856, %dma_start3A_857] : memref<1000x128xf32, #tpu.memory_space<vmem_shared>> -> memref<1000x128xf32, #tpu.memory_space<vmem_shared>>
    tpu.enqueue_indirect_dma source(%dma_start3A_858 : memref<1000x128xf32, #tpu.memory_space<vmem_shared>>) target(%dma_start3A_848 : memref<80x128xf32, #tpu.memory_space<vmem>>) offsets(%dma_start3A_855 : memref<80xi32, #tpu.memory_space<vmem>>) semaphore(%arg9 : memref<!tpu.dma_semaphore, #tpu.memory_space<semaphore_mem>>)
    %dma_wait3A_859 = arith.constant 0 : i32
    %dma_wait3A_860 = arith.constant 0 : i32
    %dma_wait3A_861 = arith.constant 0 : i32
    %dma_wait3A_862 = tpu.memref_slice %arg6[%dma_wait3A_859, %dma_wait3A_860, %dma_wait3A_861] : memref<8x80x128xf32, #tpu.memory_space<vmem>> -> memref<1x80x128xf32, #tpu.memory_space<vmem>>
    %dma_wait3A_863 = tpu.memref_squeeze %dma_wait3A_862 : memref<1x80x128xf32, #tpu.memory_space<vmem>> -> memref<80x128xf32, #tpu.memory_space<vmem>>
    %dma_wait3A_864 = arith.constant 0 : i32
    %dma_wait3A_865 = arith.constant 0 : i32
    %dma_wait3A_866 = tpu.memref_slice %arg4[%dma_wait3A_864, %dma_wait3A_865] : memref<3276800x128xf32, #tpu.memory_space<hbm>> -> memref<80x128xf32, #tpu.memory_space<hbm>>
    %dma_wait3A_867 = arith.constant 0 : i32
    %dma_wait3A_868 = arith.constant 0 : i32
    %dma_wait3A_869 = tpu.memref_slice %arg6[%dma_wait3A_859, %dma_wait3A_867, %dma_wait3A_868] : memref<8x80x128xf32, #tpu.memory_space<vmem>> -> memref<1x80x128xf32, #tpu.memory_space<vmem>>
    %dma_wait3A_870 = tpu.memref_squeeze %dma_wait3A_869 : memref<1x80x128xf32, #tpu.memory_space<vmem>> -> memref<80x128xf32, #tpu.memory_space<vmem>>
    %dma_wait3A_871 = arith.constant 0 : i32
    %dma_wait3A_872 = arith.constant 0 : i32
    %dma_wait3A_873 = tpu.memref_slice %arg4[%dma_wait3A_871, %dma_wait3A_872] : memref<3276800x128xf32, #tpu.memory_space<hbm>> -> memref<80x128xf32, #tpu.memory_space<hbm>>
    tpu.wait_dma2 semaphore(%arg9 : memref<!tpu.dma_semaphore, #tpu.memory_space<semaphore_mem>>) src(%dma_wait3A_873 : memref<80x128xf32, #tpu.memory_space<hbm>>) dst(%dma_wait3A_870 : memref<80x128xf32, #tpu.memory_space<vmem>>)
    %add3A_874 = arith.constant 4 : i32
    %add3A_875 = arith.addi %add3A_602, %add3A_874 : i32
    %mul3A_876 = arith.constant 80 : i32
    %mul3A_877 = arith.muli %add3A_875, %mul3A_876 : i32
    %dma_start3A_878 = arith.constant 4 : i32
    %dma_start3A_879 = arith.constant 0 : i32
    %dma_start3A_880 = arith.constant 0 : i32
    %dma_start3A_881 = tpu.memref_slice %arg6[%dma_start3A_878, %dma_start3A_879, %dma_start3A_880] : memref<8x80x128xf32, #tpu.memory_space<vmem>> -> memref<1x80x128xf32, #tpu.memory_space<vmem>>
    %dma_start3A_882 = tpu.memref_squeeze %dma_start3A_881 : memref<1x80x128xf32, #tpu.memory_space<vmem>> -> memref<80x128xf32, #tpu.memory_space<vmem>>
    %dma_start3A_883 = arith.constant 0 : i32
    %dma_start3A_884 = tpu.memref_slice %arg4[%mul3A_877, %dma_start3A_883] : memref<3276800x128xf32, #tpu.memory_space<hbm>> -> memref<80x128xf32, #tpu.memory_space<hbm>>
    %dma_start3A_885 = arith.constant 0 : i32
    %dma_start3A_886 = tpu.memref_slice %arg4[%mul3A_877, %dma_start3A_885] : memref<3276800x128xf32, #tpu.memory_space<hbm>> -> memref<80x128xf32, #tpu.memory_space<hbm>>
    %dma_start3A_887 = arith.constant 0 : i32
    %dma_start3A_888 = arith.constant 0 : i32
    %dma_start3A_889 = tpu.memref_slice %arg6[%dma_start3A_878, %dma_start3A_887, %dma_start3A_888] : memref<8x80x128xf32, #tpu.memory_space<vmem>> -> memref<1x80x128xf32, #tpu.memory_space<vmem>>
    %dma_start3A_890 = tpu.memref_squeeze %dma_start3A_889 : memref<1x80x128xf32, #tpu.memory_space<vmem>> -> memref<80x128xf32, #tpu.memory_space<vmem>>
    tpu.enqueue_dma source(%dma_start3A_890 : memref<80x128xf32, #tpu.memory_space<vmem>>) target(%dma_start3A_886 : memref<80x128xf32, #tpu.memory_space<hbm>>) target_semaphore(%arg10 : memref<!tpu.dma_semaphore, #tpu.memory_space<semaphore_mem>>)
    %dma_wait3A_891 = arith.constant 0 : i32
    %dma_wait3A_892 = arith.constant 0 : i32
    %dma_wait3A_893 = arith.constant 0 : i32
    %dma_wait3A_894 = tpu.memref_slice %arg6[%dma_wait3A_891, %dma_wait3A_892, %dma_wait3A_893] : memref<8x80x128xf32, #tpu.memory_space<vmem>> -> memref<1x80x128xf32, #tpu.memory_space<vmem>>
    %dma_wait3A_895 = tpu.memref_squeeze %dma_wait3A_894 : memref<1x80x128xf32, #tpu.memory_space<vmem>> -> memref<80x128xf32, #tpu.memory_space<vmem>>
    %dma_wait3A_896 = arith.constant 0 : i32
    %dma_wait3A_897 = arith.constant 0 : i32
    %dma_wait3A_898 = tpu.memref_slice %arg4[%dma_wait3A_896, %dma_wait3A_897] : memref<3276800x128xf32, #tpu.memory_space<hbm>> -> memref<80x128xf32, #tpu.memory_space<hbm>>
    %dma_wait3A_899 = arith.constant 0 : i32
    %dma_wait3A_900 = arith.constant 0 : i32
    %dma_wait3A_901 = tpu.memref_slice %arg4[%dma_wait3A_899, %dma_wait3A_900] : memref<3276800x128xf32, #tpu.memory_space<hbm>> -> memref<80x128xf32, #tpu.memory_space<hbm>>
    %dma_wait3A_902 = arith.constant 0 : i32
    %dma_wait3A_903 = arith.constant 0 : i32
    %dma_wait3A_904 = tpu.memref_slice %arg6[%dma_wait3A_891, %dma_wait3A_902, %dma_wait3A_903] : memref<8x80x128xf32, #tpu.memory_space<vmem>> -> memref<1x80x128xf32, #tpu.memory_space<vmem>>
    %dma_wait3A_905 = tpu.memref_squeeze %dma_wait3A_904 : memref<1x80x128xf32, #tpu.memory_space<vmem>> -> memref<80x128xf32, #tpu.memory_space<vmem>>
    tpu.wait_dma2 semaphore(%arg10 : memref<!tpu.dma_semaphore, #tpu.memory_space<semaphore_mem>>) src(%dma_wait3A_905 : memref<80x128xf32, #tpu.memory_space<vmem>>) dst(%dma_wait3A_901 : memref<80x128xf32, #tpu.memory_space<hbm>>)
    %dma_wait3A_906 = arith.constant 0 : i32
    %dma_wait3A_907 = arith.constant 0 : i32
    %dma_wait3A_908 = arith.constant 0 : i32
    %dma_wait3A_909 = tpu.memref_slice %arg5[%dma_wait3A_906, %dma_wait3A_907, %dma_wait3A_908] : memref<2x8x80xi32, #tpu.memory_space<vmem>> -> memref<1x8x80xi32, #tpu.memory_space<vmem>>
    %dma_wait3A_910 = tpu.memref_squeeze %dma_wait3A_909 : memref<1x8x80xi32, #tpu.memory_space<vmem>> -> memref<8x80xi32, #tpu.memory_space<vmem>>
    %dma_wait3A_911 = arith.constant 0 : i32
    %dma_wait3A_912 = arith.constant 0 : i32
    %dma_wait3A_913 = tpu.memref_slice %arg2[%dma_wait3A_911, %dma_wait3A_912] : memref<40960x80xi32, #tpu.memory_space<hbm>> -> memref<8x80xi32, #tpu.memory_space<hbm>>
    %dma_wait3A_914 = arith.constant 0 : i32
    %dma_wait3A_915 = arith.constant 0 : i32
    %dma_wait3A_916 = tpu.memref_slice %arg5[%dma_wait3A_906, %dma_wait3A_914, %dma_wait3A_915] : memref<2x8x80xi32, #tpu.memory_space<vmem>> -> memref<1x8x80xi32, #tpu.memory_space<vmem>>
    %dma_wait3A_917 = tpu.memref_squeeze %dma_wait3A_916 : memref<1x8x80xi32, #tpu.memory_space<vmem>> -> memref<8x80xi32, #tpu.memory_space<vmem>>
    %dma_wait3A_918 = arith.constant 0 : i32
    %dma_wait3A_919 = arith.constant 0 : i32
    %dma_wait3A_920 = tpu.memref_slice %arg2[%dma_wait3A_918, %dma_wait3A_919] : memref<40960x80xi32, #tpu.memory_space<hbm>> -> memref<8x80xi32, #tpu.memory_space<hbm>>
    tpu.wait_dma2 semaphore(%arg8 : memref<!tpu.dma_semaphore, #tpu.memory_space<semaphore_mem>>) src(%dma_wait3A_920 : memref<8x80xi32, #tpu.memory_space<hbm>>) dst(%dma_wait3A_917 : memref<8x80xi32, #tpu.memory_space<vmem>>)
    %dma_wait3A_921 = arith.constant 0 : i32
    %dma_wait3A_922 = arith.constant 0 : i32
    %dma_wait3A_923 = arith.constant 0 : i32
    %dma_wait3A_924 = tpu.memref_slice %arg6[%dma_wait3A_921, %dma_wait3A_922, %dma_wait3A_923] : memref<8x80x128xf32, #tpu.memory_space<vmem>> -> memref<1x80x128xf32, #tpu.memory_space<vmem>>
    %dma_wait3A_925 = tpu.memref_squeeze %dma_wait3A_924 : memref<1x80x128xf32, #tpu.memory_space<vmem>> -> memref<80x128xf32, #tpu.memory_space<vmem>>
    %dma_wait3A_926 = arith.constant 0 : i32
    %dma_wait3A_927 = arith.constant 0 : i32
    %dma_wait3A_928 = tpu.memref_slice %arg4[%dma_wait3A_926, %dma_wait3A_927] : memref<3276800x128xf32, #tpu.memory_space<hbm>> -> memref<80x128xf32, #tpu.memory_space<hbm>>
    %dma_wait3A_929 = arith.constant 0 : i32
    %dma_wait3A_930 = arith.constant 0 : i32
    %dma_wait3A_931 = tpu.memref_slice %arg6[%dma_wait3A_921, %dma_wait3A_929, %dma_wait3A_930] : memref<8x80x128xf32, #tpu.memory_space<vmem>> -> memref<1x80x128xf32, #tpu.memory_space<vmem>>
    %dma_wait3A_932 = tpu.memref_squeeze %dma_wait3A_931 : memref<1x80x128xf32, #tpu.memory_space<vmem>> -> memref<80x128xf32, #tpu.memory_space<vmem>>
    %dma_wait3A_933 = arith.constant 0 : i32
    %dma_wait3A_934 = arith.constant 0 : i32
    %dma_wait3A_935 = tpu.memref_slice %arg4[%dma_wait3A_933, %dma_wait3A_934] : memref<3276800x128xf32, #tpu.memory_space<hbm>> -> memref<80x128xf32, #tpu.memory_space<hbm>>
    tpu.wait_dma2 semaphore(%arg9 : memref<!tpu.dma_semaphore, #tpu.memory_space<semaphore_mem>>) src(%dma_wait3A_935 : memref<80x128xf32, #tpu.memory_space<hbm>>) dst(%dma_wait3A_932 : memref<80x128xf32, #tpu.memory_space<vmem>>)
    %add3A_936 = arith.constant 5 : i32
    %add3A_937 = arith.addi %add3A_602, %add3A_936 : i32
    %mul3A_938 = arith.constant 80 : i32
    %mul3A_939 = arith.muli %add3A_937, %mul3A_938 : i32
    %dma_start3A_940 = arith.constant 5 : i32
    %dma_start3A_941 = arith.constant 0 : i32
    %dma_start3A_942 = arith.constant 0 : i32
    %dma_start3A_943 = tpu.memref_slice %arg6[%dma_start3A_940, %dma_start3A_941, %dma_start3A_942] : memref<8x80x128xf32, #tpu.memory_space<vmem>> -> memref<1x80x128xf32, #tpu.memory_space<vmem>>
    %dma_start3A_944 = tpu.memref_squeeze %dma_start3A_943 : memref<1x80x128xf32, #tpu.memory_space<vmem>> -> memref<80x128xf32, #tpu.memory_space<vmem>>
    %dma_start3A_945 = arith.constant 0 : i32
    %dma_start3A_946 = tpu.memref_slice %arg4[%mul3A_939, %dma_start3A_945] : memref<3276800x128xf32, #tpu.memory_space<hbm>> -> memref<80x128xf32, #tpu.memory_space<hbm>>
    %dma_start3A_947 = arith.constant 0 : i32
    %dma_start3A_948 = tpu.memref_slice %arg4[%mul3A_939, %dma_start3A_947] : memref<3276800x128xf32, #tpu.memory_space<hbm>> -> memref<80x128xf32, #tpu.memory_space<hbm>>
    %dma_start3A_949 = arith.constant 0 : i32
    %dma_start3A_950 = arith.constant 0 : i32
    %dma_start3A_951 = tpu.memref_slice %arg6[%dma_start3A_940, %dma_start3A_949, %dma_start3A_950] : memref<8x80x128xf32, #tpu.memory_space<vmem>> -> memref<1x80x128xf32, #tpu.memory_space<vmem>>
    %dma_start3A_952 = tpu.memref_squeeze %dma_start3A_951 : memref<1x80x128xf32, #tpu.memory_space<vmem>> -> memref<80x128xf32, #tpu.memory_space<vmem>>
    tpu.enqueue_dma source(%dma_start3A_952 : memref<80x128xf32, #tpu.memory_space<vmem>>) target(%dma_start3A_948 : memref<80x128xf32, #tpu.memory_space<hbm>>) target_semaphore(%arg10 : memref<!tpu.dma_semaphore, #tpu.memory_space<semaphore_mem>>)
    %dma_wait3A_953 = arith.constant 0 : i32
    %dma_wait3A_954 = arith.constant 0 : i32
    %dma_wait3A_955 = arith.constant 0 : i32
    %dma_wait3A_956 = tpu.memref_slice %arg6[%dma_wait3A_953, %dma_wait3A_954, %dma_wait3A_955] : memref<8x80x128xf32, #tpu.memory_space<vmem>> -> memref<1x80x128xf32, #tpu.memory_space<vmem>>
    %dma_wait3A_957 = tpu.memref_squeeze %dma_wait3A_956 : memref<1x80x128xf32, #tpu.memory_space<vmem>> -> memref<80x128xf32, #tpu.memory_space<vmem>>
    %dma_wait3A_958 = arith.constant 0 : i32
    %dma_wait3A_959 = arith.constant 0 : i32
    %dma_wait3A_960 = tpu.memref_slice %arg4[%dma_wait3A_958, %dma_wait3A_959] : memref<3276800x128xf32, #tpu.memory_space<hbm>> -> memref<80x128xf32, #tpu.memory_space<hbm>>
    %dma_wait3A_961 = arith.constant 0 : i32
    %dma_wait3A_962 = arith.constant 0 : i32
    %dma_wait3A_963 = tpu.memref_slice %arg4[%dma_wait3A_961, %dma_wait3A_962] : memref<3276800x128xf32, #tpu.memory_space<hbm>> -> memref<80x128xf32, #tpu.memory_space<hbm>>
    %dma_wait3A_964 = arith.constant 0 : i32
    %dma_wait3A_965 = arith.constant 0 : i32
    %dma_wait3A_966 = tpu.memref_slice %arg6[%dma_wait3A_953, %dma_wait3A_964, %dma_wait3A_965] : memref<8x80x128xf32, #tpu.memory_space<vmem>> -> memref<1x80x128xf32, #tpu.memory_space<vmem>>
    %dma_wait3A_967 = tpu.memref_squeeze %dma_wait3A_966 : memref<1x80x128xf32, #tpu.memory_space<vmem>> -> memref<80x128xf32, #tpu.memory_space<vmem>>
    tpu.wait_dma2 semaphore(%arg10 : memref<!tpu.dma_semaphore, #tpu.memory_space<semaphore_mem>>) src(%dma_wait3A_967 : memref<80x128xf32, #tpu.memory_space<vmem>>) dst(%dma_wait3A_963 : memref<80x128xf32, #tpu.memory_space<hbm>>)
    %dma_wait3A_968 = arith.constant 0 : i32
    %dma_wait3A_969 = arith.constant 0 : i32
    %dma_wait3A_970 = arith.constant 0 : i32
    %dma_wait3A_971 = tpu.memref_slice %arg6[%dma_wait3A_968, %dma_wait3A_969, %dma_wait3A_970] : memref<8x80x128xf32, #tpu.memory_space<vmem>> -> memref<1x80x128xf32, #tpu.memory_space<vmem>>
    %dma_wait3A_972 = tpu.memref_squeeze %dma_wait3A_971 : memref<1x80x128xf32, #tpu.memory_space<vmem>> -> memref<80x128xf32, #tpu.memory_space<vmem>>
    %dma_wait3A_973 = arith.constant 0 : i32
    %dma_wait3A_974 = arith.constant 0 : i32
    %dma_wait3A_975 = tpu.memref_slice %arg4[%dma_wait3A_973, %dma_wait3A_974] : memref<3276800x128xf32, #tpu.memory_space<hbm>> -> memref<80x128xf32, #tpu.memory_space<hbm>>
    %dma_wait3A_976 = arith.constant 0 : i32
    %dma_wait3A_977 = arith.constant 0 : i32
    %dma_wait3A_978 = tpu.memref_slice %arg6[%dma_wait3A_968, %dma_wait3A_976, %dma_wait3A_977] : memref<8x80x128xf32, #tpu.memory_space<vmem>> -> memref<1x80x128xf32, #tpu.memory_space<vmem>>
    %dma_wait3A_979 = tpu.memref_squeeze %dma_wait3A_978 : memref<1x80x128xf32, #tpu.memory_space<vmem>> -> memref<80x128xf32, #tpu.memory_space<vmem>>
    %dma_wait3A_980 = arith.constant 0 : i32
    %dma_wait3A_981 = arith.constant 0 : i32
    %dma_wait3A_982 = tpu.memref_slice %arg4[%dma_wait3A_980, %dma_wait3A_981] : memref<3276800x128xf32, #tpu.memory_space<hbm>> -> memref<80x128xf32, #tpu.memory_space<hbm>>
    tpu.wait_dma2 semaphore(%arg9 : memref<!tpu.dma_semaphore, #tpu.memory_space<semaphore_mem>>) src(%dma_wait3A_982 : memref<80x128xf32, #tpu.memory_space<hbm>>) dst(%dma_wait3A_979 : memref<80x128xf32, #tpu.memory_space<vmem>>)
    %add3A_983 = arith.constant 6 : i32
    %add3A_984 = arith.addi %add3A_602, %add3A_983 : i32
    %mul3A_985 = arith.constant 80 : i32
    %mul3A_986 = arith.muli %add3A_984, %mul3A_985 : i32
    %dma_start3A_987 = arith.constant 6 : i32
    %dma_start3A_988 = arith.constant 0 : i32
    %dma_start3A_989 = arith.constant 0 : i32
    %dma_start3A_990 = tpu.memref_slice %arg6[%dma_start3A_987, %dma_start3A_988, %dma_start3A_989] : memref<8x80x128xf32, #tpu.memory_space<vmem>> -> memref<1x80x128xf32, #tpu.memory_space<vmem>>
    %dma_start3A_991 = tpu.memref_squeeze %dma_start3A_990 : memref<1x80x128xf32, #tpu.memory_space<vmem>> -> memref<80x128xf32, #tpu.memory_space<vmem>>
    %dma_start3A_992 = arith.constant 0 : i32
    %dma_start3A_993 = tpu.memref_slice %arg4[%mul3A_986, %dma_start3A_992] : memref<3276800x128xf32, #tpu.memory_space<hbm>> -> memref<80x128xf32, #tpu.memory_space<hbm>>
    %dma_start3A_994 = arith.constant 0 : i32
    %dma_start3A_995 = tpu.memref_slice %arg4[%mul3A_986, %dma_start3A_994] : memref<3276800x128xf32, #tpu.memory_space<hbm>> -> memref<80x128xf32, #tpu.memory_space<hbm>>
    %dma_start3A_996 = arith.constant 0 : i32
    %dma_start3A_997 = arith.constant 0 : i32
    %dma_start3A_998 = tpu.memref_slice %arg6[%dma_start3A_987, %dma_start3A_996, %dma_start3A_997] : memref<8x80x128xf32, #tpu.memory_space<vmem>> -> memref<1x80x128xf32, #tpu.memory_space<vmem>>
    %dma_start3A_999 = tpu.memref_squeeze %dma_start3A_998 : memref<1x80x128xf32, #tpu.memory_space<vmem>> -> memref<80x128xf32, #tpu.memory_space<vmem>>
    tpu.enqueue_dma source(%dma_start3A_999 : memref<80x128xf32, #tpu.memory_space<vmem>>) target(%dma_start3A_995 : memref<80x128xf32, #tpu.memory_space<hbm>>) target_semaphore(%arg10 : memref<!tpu.dma_semaphore, #tpu.memory_space<semaphore_mem>>)
    %dma_wait3A_1000 = arith.constant 0 : i32
    %dma_wait3A_1001 = arith.constant 0 : i32
    %dma_wait3A_1002 = arith.constant 0 : i32
    %dma_wait3A_1003 = tpu.memref_slice %arg6[%dma_wait3A_1000, %dma_wait3A_1001, %dma_wait3A_1002] : memref<8x80x128xf32, #tpu.memory_space<vmem>> -> memref<1x80x128xf32, #tpu.memory_space<vmem>>
    %dma_wait3A_1004 = tpu.memref_squeeze %dma_wait3A_1003 : memref<1x80x128xf32, #tpu.memory_space<vmem>> -> memref<80x128xf32, #tpu.memory_space<vmem>>
    %dma_wait3A_1005 = arith.constant 0 : i32
    %dma_wait3A_1006 = arith.constant 0 : i32
    %dma_wait3A_1007 = tpu.memref_slice %arg4[%dma_wait3A_1005, %dma_wait3A_1006] : memref<3276800x128xf32, #tpu.memory_space<hbm>> -> memref<80x128xf32, #tpu.memory_space<hbm>>
    %dma_wait3A_1008 = arith.constant 0 : i32
    %dma_wait3A_1009 = arith.constant 0 : i32
    %dma_wait3A_1010 = tpu.memref_slice %arg4[%dma_wait3A_1008, %dma_wait3A_1009] : memref<3276800x128xf32, #tpu.memory_space<hbm>> -> memref<80x128xf32, #tpu.memory_space<hbm>>
    %dma_wait3A_1011 = arith.constant 0 : i32
    %dma_wait3A_1012 = arith.constant 0 : i32
    %dma_wait3A_1013 = tpu.memref_slice %arg6[%dma_wait3A_1000, %dma_wait3A_1011, %dma_wait3A_1012] : memref<8x80x128xf32, #tpu.memory_space<vmem>> -> memref<1x80x128xf32, #tpu.memory_space<vmem>>
    %dma_wait3A_1014 = tpu.memref_squeeze %dma_wait3A_1013 : memref<1x80x128xf32, #tpu.memory_space<vmem>> -> memref<80x128xf32, #tpu.memory_space<vmem>>
    tpu.wait_dma2 semaphore(%arg10 : memref<!tpu.dma_semaphore, #tpu.memory_space<semaphore_mem>>) src(%dma_wait3A_1014 : memref<80x128xf32, #tpu.memory_space<vmem>>) dst(%dma_wait3A_1010 : memref<80x128xf32, #tpu.memory_space<hbm>>)
    %dma_wait3A_1015 = arith.constant 0 : i32
    %dma_wait3A_1016 = arith.constant 0 : i32
    %dma_wait3A_1017 = arith.constant 0 : i32
    %dma_wait3A_1018 = tpu.memref_slice %arg6[%dma_wait3A_1015, %dma_wait3A_1016, %dma_wait3A_1017] : memref<8x80x128xf32, #tpu.memory_space<vmem>> -> memref<1x80x128xf32, #tpu.memory_space<vmem>>
    %dma_wait3A_1019 = tpu.memref_squeeze %dma_wait3A_1018 : memref<1x80x128xf32, #tpu.memory_space<vmem>> -> memref<80x128xf32, #tpu.memory_space<vmem>>
    %dma_wait3A_1020 = arith.constant 0 : i32
    %dma_wait3A_1021 = arith.constant 0 : i32
    %dma_wait3A_1022 = tpu.memref_slice %arg4[%dma_wait3A_1020, %dma_wait3A_1021] : memref<3276800x128xf32, #tpu.memory_space<hbm>> -> memref<80x128xf32, #tpu.memory_space<hbm>>
    %dma_wait3A_1023 = arith.constant 0 : i32
    %dma_wait3A_1024 = arith.constant 0 : i32
    %dma_wait3A_1025 = tpu.memref_slice %arg6[%dma_wait3A_1015, %dma_wait3A_1023, %dma_wait3A_1024] : memref<8x80x128xf32, #tpu.memory_space<vmem>> -> memref<1x80x128xf32, #tpu.memory_space<vmem>>
    %dma_wait3A_1026 = tpu.memref_squeeze %dma_wait3A_1025 : memref<1x80x128xf32, #tpu.memory_space<vmem>> -> memref<80x128xf32, #tpu.memory_space<vmem>>
    %dma_wait3A_1027 = arith.constant 0 : i32
    %dma_wait3A_1028 = arith.constant 0 : i32
    %dma_wait3A_1029 = tpu.memref_slice %arg4[%dma_wait3A_1027, %dma_wait3A_1028] : memref<3276800x128xf32, #tpu.memory_space<hbm>> -> memref<80x128xf32, #tpu.memory_space<hbm>>
    tpu.wait_dma2 semaphore(%arg9 : memref<!tpu.dma_semaphore, #tpu.memory_space<semaphore_mem>>) src(%dma_wait3A_1029 : memref<80x128xf32, #tpu.memory_space<hbm>>) dst(%dma_wait3A_1026 : memref<80x128xf32, #tpu.memory_space<vmem>>)
    %add3A_1030 = arith.constant 7 : i32
    %add3A_1031 = arith.addi %add3A_602, %add3A_1030 : i32
    %mul3A_1032 = arith.constant 80 : i32
    %mul3A_1033 = arith.muli %add3A_1031, %mul3A_1032 : i32
    %dma_start3A_1034 = arith.constant 7 : i32
    %dma_start3A_1035 = arith.constant 0 : i32
    %dma_start3A_1036 = arith.constant 0 : i32
    %dma_start3A_1037 = tpu.memref_slice %arg6[%dma_start3A_1034, %dma_start3A_1035, %dma_start3A_1036] : memref<8x80x128xf32, #tpu.memory_space<vmem>> -> memref<1x80x128xf32, #tpu.memory_space<vmem>>
    %dma_start3A_1038 = tpu.memref_squeeze %dma_start3A_1037 : memref<1x80x128xf32, #tpu.memory_space<vmem>> -> memref<80x128xf32, #tpu.memory_space<vmem>>
    %dma_start3A_1039 = arith.constant 0 : i32
    %dma_start3A_1040 = tpu.memref_slice %arg4[%mul3A_1033, %dma_start3A_1039] : memref<3276800x128xf32, #tpu.memory_space<hbm>> -> memref<80x128xf32, #tpu.memory_space<hbm>>
    %dma_start3A_1041 = arith.constant 0 : i32
    %dma_start3A_1042 = tpu.memref_slice %arg4[%mul3A_1033, %dma_start3A_1041] : memref<3276800x128xf32, #tpu.memory_space<hbm>> -> memref<80x128xf32, #tpu.memory_space<hbm>>
    %dma_start3A_1043 = arith.constant 0 : i32
    %dma_start3A_1044 = arith.constant 0 : i32
    %dma_start3A_1045 = tpu.memref_slice %arg6[%dma_start3A_1034, %dma_start3A_1043, %dma_start3A_1044] : memref<8x80x128xf32, #tpu.memory_space<vmem>> -> memref<1x80x128xf32, #tpu.memory_space<vmem>>
    %dma_start3A_1046 = tpu.memref_squeeze %dma_start3A_1045 : memref<1x80x128xf32, #tpu.memory_space<vmem>> -> memref<80x128xf32, #tpu.memory_space<vmem>>
    tpu.enqueue_dma source(%dma_start3A_1046 : memref<80x128xf32, #tpu.memory_space<vmem>>) target(%dma_start3A_1042 : memref<80x128xf32, #tpu.memory_space<hbm>>) target_semaphore(%arg10 : memref<!tpu.dma_semaphore, #tpu.memory_space<semaphore_mem>>)
    %dma_wait3A_1047 = arith.constant 0 : i32
    %dma_wait3A_1048 = arith.constant 0 : i32
    %dma_wait3A_1049 = arith.constant 0 : i32
    %dma_wait3A_1050 = tpu.memref_slice %arg6[%dma_wait3A_1047, %dma_wait3A_1048, %dma_wait3A_1049] : memref<8x80x128xf32, #tpu.memory_space<vmem>> -> memref<1x80x128xf32, #tpu.memory_space<vmem>>
    %dma_wait3A_1051 = tpu.memref_squeeze %dma_wait3A_1050 : memref<1x80x128xf32, #tpu.memory_space<vmem>> -> memref<80x128xf32, #tpu.memory_space<vmem>>
    %dma_wait3A_1052 = arith.constant 0 : i32
    %dma_wait3A_1053 = arith.constant 0 : i32
    %dma_wait3A_1054 = tpu.memref_slice %arg4[%dma_wait3A_1052, %dma_wait3A_1053] : memref<3276800x128xf32, #tpu.memory_space<hbm>> -> memref<80x128xf32, #tpu.memory_space<hbm>>
    %dma_wait3A_1055 = arith.constant 0 : i32
    %dma_wait3A_1056 = arith.constant 0 : i32
    %dma_wait3A_1057 = tpu.memref_slice %arg4[%dma_wait3A_1055, %dma_wait3A_1056] : memref<3276800x128xf32, #tpu.memory_space<hbm>> -> memref<80x128xf32, #tpu.memory_space<hbm>>
    %dma_wait3A_1058 = arith.constant 0 : i32
    %dma_wait3A_1059 = arith.constant 0 : i32
    %dma_wait3A_1060 = tpu.memref_slice %arg6[%dma_wait3A_1047, %dma_wait3A_1058, %dma_wait3A_1059] : memref<8x80x128xf32, #tpu.memory_space<vmem>> -> memref<1x80x128xf32, #tpu.memory_space<vmem>>
    %dma_wait3A_1061 = tpu.memref_squeeze %dma_wait3A_1060 : memref<1x80x128xf32, #tpu.memory_space<vmem>> -> memref<80x128xf32, #tpu.memory_space<vmem>>
    tpu.wait_dma2 semaphore(%arg10 : memref<!tpu.dma_semaphore, #tpu.memory_space<semaphore_mem>>) src(%dma_wait3A_1061 : memref<80x128xf32, #tpu.memory_space<vmem>>) dst(%dma_wait3A_1057 : memref<80x128xf32, #tpu.memory_space<hbm>>)
    %dma_wait3A_1062 = arith.constant 0 : i32
    %dma_wait3A_1063 = arith.constant 0 : i32
    %dma_wait3A_1064 = arith.constant 0 : i32
    %dma_wait3A_1065 = tpu.memref_slice %arg6[%dma_wait3A_1062, %dma_wait3A_1063, %dma_wait3A_1064] : memref<8x80x128xf32, #tpu.memory_space<vmem>> -> memref<1x80x128xf32, #tpu.memory_space<vmem>>
    %dma_wait3A_1066 = tpu.memref_squeeze %dma_wait3A_1065 : memref<1x80x128xf32, #tpu.memory_space<vmem>> -> memref<80x128xf32, #tpu.memory_space<vmem>>
    %dma_wait3A_1067 = arith.constant 0 : i32
    %dma_wait3A_1068 = arith.constant 0 : i32
    %dma_wait3A_1069 = tpu.memref_slice %arg4[%dma_wait3A_1067, %dma_wait3A_1068] : memref<3276800x128xf32, #tpu.memory_space<hbm>> -> memref<80x128xf32, #tpu.memory_space<hbm>>
    %dma_wait3A_1070 = arith.constant 0 : i32
    %dma_wait3A_1071 = arith.constant 0 : i32
    %dma_wait3A_1072 = tpu.memref_slice %arg4[%dma_wait3A_1070, %dma_wait3A_1071] : memref<3276800x128xf32, #tpu.memory_space<hbm>> -> memref<80x128xf32, #tpu.memory_space<hbm>>
    %dma_wait3A_1073 = arith.constant 0 : i32
    %dma_wait3A_1074 = arith.constant 0 : i32
    %dma_wait3A_1075 = tpu.memref_slice %arg6[%dma_wait3A_1062, %dma_wait3A_1073, %dma_wait3A_1074] : memref<8x80x128xf32, #tpu.memory_space<vmem>> -> memref<1x80x128xf32, #tpu.memory_space<vmem>>
    %dma_wait3A_1076 = tpu.memref_squeeze %dma_wait3A_1075 : memref<1x80x128xf32, #tpu.memory_space<vmem>> -> memref<80x128xf32, #tpu.memory_space<vmem>>
    tpu.wait_dma2 semaphore(%arg10 : memref<!tpu.dma_semaphore, #tpu.memory_space<semaphore_mem>>) src(%dma_wait3A_1076 : memref<80x128xf32, #tpu.memory_space<vmem>>) dst(%dma_wait3A_1072 : memref<80x128xf32, #tpu.memory_space<hbm>>)
    %dma_wait3A_1077 = arith.constant 0 : i32
    %dma_wait3A_1078 = arith.constant 0 : i32
    %dma_wait3A_1079 = arith.constant 0 : i32
    %dma_wait3A_1080 = tpu.memref_slice %arg6[%dma_wait3A_1077, %dma_wait3A_1078, %dma_wait3A_1079] : memref<8x80x128xf32, #tpu.memory_space<vmem>> -> memref<1x80x128xf32, #tpu.memory_space<vmem>>
    %dma_wait3A_1081 = tpu.memref_squeeze %dma_wait3A_1080 : memref<1x80x128xf32, #tpu.memory_space<vmem>> -> memref<80x128xf32, #tpu.memory_space<vmem>>
    %dma_wait3A_1082 = arith.constant 0 : i32
    %dma_wait3A_1083 = arith.constant 0 : i32
    %dma_wait3A_1084 = tpu.memref_slice %arg4[%dma_wait3A_1082, %dma_wait3A_1083] : memref<3276800x128xf32, #tpu.memory_space<hbm>> -> memref<80x128xf32, #tpu.memory_space<hbm>>
    %dma_wait3A_1085 = arith.constant 0 : i32
    %dma_wait3A_1086 = arith.constant 0 : i32
    %dma_wait3A_1087 = tpu.memref_slice %arg4[%dma_wait3A_1085, %dma_wait3A_1086] : memref<3276800x128xf32, #tpu.memory_space<hbm>> -> memref<80x128xf32, #tpu.memory_space<hbm>>
    %dma_wait3A_1088 = arith.constant 0 : i32
    %dma_wait3A_1089 = arith.constant 0 : i32
    %dma_wait3A_1090 = tpu.memref_slice %arg6[%dma_wait3A_1077, %dma_wait3A_1088, %dma_wait3A_1089] : memref<8x80x128xf32, #tpu.memory_space<vmem>> -> memref<1x80x128xf32, #tpu.memory_space<vmem>>
    %dma_wait3A_1091 = tpu.memref_squeeze %dma_wait3A_1090 : memref<1x80x128xf32, #tpu.memory_space<vmem>> -> memref<80x128xf32, #tpu.memory_space<vmem>>
    tpu.wait_dma2 semaphore(%arg10 : memref<!tpu.dma_semaphore, #tpu.memory_space<semaphore_mem>>) src(%dma_wait3A_1091 : memref<80x128xf32, #tpu.memory_space<vmem>>) dst(%dma_wait3A_1087 : memref<80x128xf32, #tpu.memory_space<hbm>>)
    %dma_wait3A_1092 = arith.constant 0 : i32
    %dma_wait3A_1093 = arith.constant 0 : i32
    %dma_wait3A_1094 = arith.constant 0 : i32
    %dma_wait3A_1095 = tpu.memref_slice %arg6[%dma_wait3A_1092, %dma_wait3A_1093, %dma_wait3A_1094] : memref<8x80x128xf32, #tpu.memory_space<vmem>> -> memref<1x80x128xf32, #tpu.memory_space<vmem>>
    %dma_wait3A_1096 = tpu.memref_squeeze %dma_wait3A_1095 : memref<1x80x128xf32, #tpu.memory_space<vmem>> -> memref<80x128xf32, #tpu.memory_space<vmem>>
    %dma_wait3A_1097 = arith.constant 0 : i32
    %dma_wait3A_1098 = arith.constant 0 : i32
    %dma_wait3A_1099 = tpu.memref_slice %arg4[%dma_wait3A_1097, %dma_wait3A_1098] : memref<3276800x128xf32, #tpu.memory_space<hbm>> -> memref<80x128xf32, #tpu.memory_space<hbm>>
    %dma_wait3A_1100 = arith.constant 0 : i32
    %dma_wait3A_1101 = arith.constant 0 : i32
    %dma_wait3A_1102 = tpu.memref_slice %arg4[%dma_wait3A_1100, %dma_wait3A_1101] : memref<3276800x128xf32, #tpu.memory_space<hbm>> -> memref<80x128xf32, #tpu.memory_space<hbm>>
    %dma_wait3A_1103 = arith.constant 0 : i32
    %dma_wait3A_1104 = arith.constant 0 : i32
    %dma_wait3A_1105 = tpu.memref_slice %arg6[%dma_wait3A_1092, %dma_wait3A_1103, %dma_wait3A_1104] : memref<8x80x128xf32, #tpu.memory_space<vmem>> -> memref<1x80x128xf32, #tpu.memory_space<vmem>>
    %dma_wait3A_1106 = tpu.memref_squeeze %dma_wait3A_1105 : memref<1x80x128xf32, #tpu.memory_space<vmem>> -> memref<80x128xf32, #tpu.memory_space<vmem>>
    tpu.wait_dma2 semaphore(%arg10 : memref<!tpu.dma_semaphore, #tpu.memory_space<semaphore_mem>>) src(%dma_wait3A_1106 : memref<80x128xf32, #tpu.memory_space<vmem>>) dst(%dma_wait3A_1102 : memref<80x128xf32, #tpu.memory_space<hbm>>)
    %dma_wait3A_1107 = arith.constant 0 : i32
    %dma_wait3A_1108 = arith.constant 0 : i32
    %dma_wait3A_1109 = arith.constant 0 : i32
    %dma_wait3A_1110 = tpu.memref_slice %arg6[%dma_wait3A_1107, %dma_wait3A_1108, %dma_wait3A_1109] : memref<8x80x128xf32, #tpu.memory_space<vmem>> -> memref<1x80x128xf32, #tpu.memory_space<vmem>>
    %dma_wait3A_1111 = tpu.memref_squeeze %dma_wait3A_1110 : memref<1x80x128xf32, #tpu.memory_space<vmem>> -> memref<80x128xf32, #tpu.memory_space<vmem>>
    %dma_wait3A_1112 = arith.constant 0 : i32
    %dma_wait3A_1113 = arith.constant 0 : i32
    %dma_wait3A_1114 = tpu.memref_slice %arg4[%dma_wait3A_1112, %dma_wait3A_1113] : memref<3276800x128xf32, #tpu.memory_space<hbm>> -> memref<80x128xf32, #tpu.memory_space<hbm>>
    %dma_wait3A_1115 = arith.constant 0 : i32
    %dma_wait3A_1116 = arith.constant 0 : i32
    %dma_wait3A_1117 = tpu.memref_slice %arg4[%dma_wait3A_1115, %dma_wait3A_1116] : memref<3276800x128xf32, #tpu.memory_space<hbm>> -> memref<80x128xf32, #tpu.memory_space<hbm>>
    %dma_wait3A_1118 = arith.constant 0 : i32
    %dma_wait3A_1119 = arith.constant 0 : i32
    %dma_wait3A_1120 = tpu.memref_slice %arg6[%dma_wait3A_1107, %dma_wait3A_1118, %dma_wait3A_1119] : memref<8x80x128xf32, #tpu.memory_space<vmem>> -> memref<1x80x128xf32, #tpu.memory_space<vmem>>
    %dma_wait3A_1121 = tpu.memref_squeeze %dma_wait3A_1120 : memref<1x80x128xf32, #tpu.memory_space<vmem>> -> memref<80x128xf32, #tpu.memory_space<vmem>>
    tpu.wait_dma2 semaphore(%arg10 : memref<!tpu.dma_semaphore, #tpu.memory_space<semaphore_mem>>) src(%dma_wait3A_1121 : memref<80x128xf32, #tpu.memory_space<vmem>>) dst(%dma_wait3A_1117 : memref<80x128xf32, #tpu.memory_space<hbm>>)
    return
  }
}

</mosaic_0001>

<sc_bundles>
// kernel: kernel.3.cloned.1.call-start
scs
__scs_entry_jumppad:
0x0: {  	(pc) =	sbr.rel $0x88, $3  }
0x1: {  	(tag) =	ssettag $0x0;
	lr =	simm.s32 $0x1  }
0x2: {  	[smem:$0x3F9F] =	sst lr;
	_ =	strace $0xD0000000  }
0x3: {  	_ = 	snop  }
0x4: {  	_ = 	snop  }
0x5: {  	_ = 	snop  }
0x6: {  	_ = 	snop  }
0x7: {  	_ = 	snop  }
__scs_overlays_trampoline_lowered:
0x8: {  	[smem:$0x3FAE] =	sst s0  }
0x9: {  	[smem:$0x3FAF] =	sst s1  }
0xa: {  	[smem:$0x3FB0] =	sst s2  }
0xb: {  	[smem:$0x3FB1] =	sst s3  }
0xc: {  	[smem:$0x3FB2] =	sst s4  }
0xd: {  	[smem:$0x3FB3] =	sst s5  }
0xe: {  	[smem:$0x3FB4] =	sst s6  }
0xf: {  	[smem:$0x3FB5] =	sst s7  }
0x10: {  	[smem:$0x3FB6] =	sst s8  }
0x11: {  	[smem:$0x3FB7] =	sst s9;
	s0 =	simm.s32 @!p0 $0x0  }
0x12: {  	s1 =	sld [smem:$0x3F9D];
	s0 =	simm.s32 @p0 $0x1  }
0x13: {  	[smem:$0x3FB8] =	sst s0;
	s0 =	simm.s32 @!p1 $0x0  }
0x14: {  	s2 =	sld [smem:$0x3F9C];
	s0 =	simm.s32 @p1 $0x1  }
0x15: {  	[smem:$0x3FB9] =	sst s0;
	s0 =	simm.s32 @!p2 $0x0  }
0x16: {  	s3 =	sld [smem:$0x3FDB];
	s0 =	simm.s32 @p2 $0x1  }
0x17: {  	s4 =	simm.s32 $0x1BF5;
	[smem:$0x3FBB] =	sst s0  }
0x18: {  	s0 =	sld [smem:$0x3F9E];
	_ =	swait.ge [sflag:s4], $0x0  }
0x19: {  	s7 =	sld [smem:$0x3F9F]  }
0x1a: {  	s8 =	sadd.s32 $0xFFFFE003, lr  }
0x1b: {  	s9 =	sadd.s32 $0xFFFFFEF7, lr;
	s5 =	simm.s32 $0xFFFFFFFF;
	p2 =	slt.u32 s8, $0xFFFFF086  }
0x1c: {  	p1 =	slt.u32 s9, $0xF7A;
	s5 =	simm.s32 @!p2 $0x0  }
0x1d: {  	s5 =	simm.s32 @p1 $0x1;
	p0 =	seq.s32 s7, s2  }
0x1e: {  	s7 =	smul.u32 @!p0 $0xF7A, s2;
	p2 =	seq.s32 @!p0 s5, $0x0  }
0x1f: {  	s9 =	smul.u32 $0xF7A, s1;
	s8 =	simm.s32 @!p0 $0x1BF5;
	p2 =	por !p2, p0  }
0x20: {  	[sflag:s8] =	ssyncset.s32 @!p0 $0xFFFFF086;
	s6 =	sadd.s32 @!p0 s3, s7;
	s7 =	simm.s32 @!p0 $0x108  }
0x21: {  	s3 =	sadd.s32 s3, s9;
	s6 =	sadd.s32 @!p0 $0x88, s6;
	s7 =	simm.s32 @p2 $0x1082  }
0x22: {  	[simem:s7], [sflag:s8] =	dma.local @!p0 [hbm:s6], $0xF7A  }
0x23: {  	s9 =	sor.u32 $0xD0000000, s2;
	s6 =	simm.s32 $0x108;
	_ =	swait.ge @!p0 [sflag:s8], $0x0  }
0x24: {  	s3 =	sadd.s32 $0x88, s3;
	s6 =	simm.s32 @!p1 $0x1082;
	[sflag:s4] =	ssyncset.s32 $0xFFFFF086  }
0x25: {  	[simem:s6], [sflag:s4] =	dma.local [hbm:s3], $0xF7A  }
0x26: {  	[smem:$0x3F9F] =	sst s1;
	(tag) =	ssettag s2;
	_ =	strace s9  }
0x27: {  	s1 =	sld [smem:$0x3FAF]  }
0x28: {  	s2 =	sld [smem:$0x3FB0]  }
0x29: {  	s4 =	sld [smem:$0x3FB2]  }
0x2a: {  	p0 =	seq.s32 s5, $0x0;
	s5 =	sld [smem:$0x3FB3]  }
0x2b: {  	s6 =	sld [smem:$0x3FB4]  }
0x2c: {  	s7 =	sld [smem:$0x3FB5]  }
0x2d: {  	s3 =	simm.s32 $0x108;
	s8 =	sld [smem:$0x3FB6]  }
0x2e: {  	s3 =	simm.s32 @!p0 $0x1082;
	s9 =	sld [smem:$0x3FB7]  }
0x2f: {  	lr =	sadd.s32 s0, s3;
	s0 =	sld [smem:$0x3FAE]  }
0x30: {  	s3 =	sld [smem:$0x3FB1]  }
0x31: {  	[smem:$0x3FBA] =	sst s10  }
0x32: {  	s10 =	sld [smem:$0x3FB8];
	_ =	sdelay $0x3  }
0x33: {  	p0 =	seq.s32 s10, $0x1;
	s10 =	sld [smem:$0x3FBA];
	_ =	sdelay $0x3  }
0x34: {  	[smem:$0x3FBA] =	sst s10  }
0x35: {  	s10 =	sld [smem:$0x3FB9];
	_ =	sdelay $0x3  }
0x36: {  	p1 =	seq.s32 s10, $0x1;
	s10 =	sld [smem:$0x3FBA];
	_ =	sdelay $0x3  }
0x37: {  	[smem:$0x3FBA] =	sst s10  }
0x38: {  	s10 =	sld [smem:$0x3FBB]  }
0x39: {  	_ = 	snop;
	(pc) =	sbr.ind lr, $3  }
0x3a: {  	_ = 	snop  }
0x3b: {  	_ = 	snop  }
0x3c: {  	p2 =	seq.s32 s10, $0x1;
	s10 =	sld [smem:$0x3FBA]  }
0x3d: {  	_ =	shalt  }
0x3e: {  	_ =	shalt  }
0x3f: {  	_ =	shalt  }
0x40: {  	_ =	shalt  }
0x41: {  	_ =	shalt  }
0x42: {  	_ =	shalt  }
0x43: {  	_ =	shalt  }
0x44: {  	_ =	shalt  }
0x45: {  	_ =	shalt  }
0x46: {  	_ =	shalt  }
0x47: {  	_ =	shalt  }
0x48: {  	_ =	shalt  }
0x49: {  	_ =	shalt  }
0x4a: {  	_ =	shalt  }
0x4b: {  	_ =	shalt  }
0x4c: {  	_ =	shalt  }
0x4d: {  	_ =	shalt  }
0x4e: {  	_ =	shalt  }
0x4f: {  	_ =	shalt  }
0x50: {  	_ =	shalt  }
0x51: {  	_ =	shalt  }
0x52: {  	_ =	shalt  }
0x53: {  	_ =	shalt  }
0x54: {  	_ =	shalt  }
0x55: {  	_ =	shalt  }
0x56: {  	_ =	shalt  }
0x57: {  	_ =	shalt  }
0x58: {  	_ =	shalt  }
0x59: {  	_ =	shalt  }
0x5a: {  	_ =	shalt  }
0x5b: {  	_ =	shalt  }
0x5c: {  	_ =	shalt  }
0x5d: {  	_ =	shalt  }
0x5e: {  	_ =	shalt  }
0x5f: {  	_ =	shalt  }
0x60: {  	_ =	shalt  }
0x61: {  	_ =	shalt  }
0x62: {  	_ =	shalt  }
0x63: {  	_ =	shalt  }
0x64: {  	_ =	shalt  }
0x65: {  	_ =	shalt  }
0x66: {  	_ =	shalt  }
0x67: {  	_ =	shalt  }
0x68: {  	_ =	shalt  }
0x69: {  	_ =	shalt  }
0x6a: {  	_ =	shalt  }
0x6b: {  	_ =	shalt  }
0x6c: {  	_ =	shalt  }
0x6d: {  	_ =	shalt  }
0x6e: {  	_ =	shalt  }
0x6f: {  	_ =	shalt  }
0x70: {  	_ =	shalt  }
0x71: {  	_ =	shalt  }
0x72: {  	_ =	shalt  }
0x73: {  	_ =	shalt  }
0x74: {  	_ =	shalt  }
0x75: {  	_ =	shalt  }
0x76: {  	_ =	shalt  }
0x77: {  	_ =	shalt  }
0x78: {  	_ =	shalt  }
0x79: {  	_ =	shalt  }
0x7a: {  	_ =	shalt  }
0x7b: {  	_ =	shalt  }
0x7c: {  	_ =	shalt  }
0x7d: {  	_ =	shalt  }
0x7e: {  	_ =	shalt  }
0x7f: {  	_ =	shalt  }
0x80: {  	_ =	shalt  }
0x81: {  	_ =	shalt  }
0x82: {  	_ =	shalt  }
0x83: {  	_ =	shalt  }
0x84: {  	_ =	shalt  }
0x85: {  	_ =	shalt  }
0x86: {  	_ =	shalt  }
0x87: {  	_ =	shalt  }
.Lfunc_end0:
.L_simem_size_0:
called_computation_lowered:
.L_overlay_start_0:
0x88: {  	s2 =	sld [smem:$0x3FD9]  }
0x89: {  	s3 =	sld [smem:$0x3FFE];
	_ =	sdelay $0x1  }
0x8a: {  	s1 =	srdreg.scid  }
0x8b: {  	s0 =	sand.u32 $0x1, s1  }
0x8c: {  	s17 =	sshll.u32 s0, $0xA;
	s2 =	sadd.s32 s3, s2  }
0x8d: {  	s2 =	sadd.s32 s2, s17  }
0x8e: {  	[smem:$0x3FC6] =	sst s2  }
0x8f: {  	_ = 	snop  }
0x90: {  	s2 =	sld [smem:$0x3FC8]  }
0x91: {  	s18 =	sld [smem:$0x3FD0];
	(tm) =	ssettm $0x1  }
0x92: {  	s4 =	sld [smem:$0x3FFB];
	_ =	sdelay $0x3  }
0x93: {  	_ =	strace s4  }
0x94: {  	s4 =	sld [smem:$0x3FFC];
	_ =	sdelay $0x3  }
0x95: {  	_ =	strace s4  }
0x96: {  	s4 =	sld [smem:$0x3FFD];
	_ =	sdelay $0x3  }
0x97: {  	_ =	strace s4  }
0x98: {  	_ =	strace $0x8FFFFFFF  }
0x99: {  	s19 =	sld [smem:$0x3FDB];
	_ =	sdelay $0x1  }
0x9a: {  	s5 =	simm.s32 $_scs_section_size  }
0x9b: {  	s6 =	simm.s32 $_size__tile_overlayer_lowered;
	s7 =	simm.s32 $_tile_overlayer_lowered  }
0x9c: {  	s22 =	simm.s32 $0x1BFF;
	s21 =	sshll.u32 s7, $0x1;
	s4 =	sadd.s32 s5, s19  }
0x9d: {  	s8 =	simm.s32 $0x0;
	s20 =	sshll.u32 s6, $0x1;
	s6 =	sadd.s32 s21, s4  }
0x9e: {  	[timem:s8], [sflag:s22] =	dma.local [hbm:s6], s20  }
0x9f: {  	_ =	swait.ge [sflag:s22], s20  }
0xa0: {  	s5 =	ssub.s32 $0x0, s20;
	[sflag:s22] =	ssyncset.done $0x0  }
0xa1: {  	[sflag:s22] =	ssyncadd.s32 s5;
	_ =	sdelay $0x1  }
0xa2: {  	s23 =	simm.s32 $0x1B8B  }
0xa3: {  	_ =	swait.ge [sflag:s23], $0x1  }
0xa4: {  	[sflag:s23] =	ssyncset.done $0x0  }
0xa5: {  	s25 =	simm.s32 $0x1B8E;
	s24 =	sld [smem:$0x3FFE];
	[sflag:s23] =	ssyncadd.s32 $0xFFFFFFFF  }
0xa6: {  	s26 =	simm.s32 $execute0_lowered;
	[smem:$0x3FD2] =	sst s25  }
0xa7: {  	s6 =	sshll.u32 s26, $0x1;
	_ =	strace $0x80000046;
	[dreg:$0x1] =	wrdreg $0xFFFFFFFF  }
0xa8: {  	s28 =	simm.s32 $_size_execute0_lowered;
	s4 =	sadd.s32 s4, s6;
	[dreg:$0x0] =	wrdreg $0x0  }
0xa9: {  	s6 =	sshll.u32 s28, $0x1;
	[dreg:$0x2] =	wrdreg s4  }
0xaa: {  	[dreg:$0x3] =	wrdreg s6  }
0xab: {  	[dreg:$0x4] =	wrdreg $0xC0  }
0xac: {  	_ =	task [dreg:s8], $0x5FFFF  }
0xad: {  	[dreg:$0x1] =	wrdreg $0xFFFFFFFF  }
0xae: {  	[dreg:$0x0] =	wrdreg $0x60  }
0xaf: {  	[dreg:$0x2] =	wrdreg s24  }
0xb0: {  	[dreg:$0x3] =	wrdreg s2  }
0xb1: {  	[dreg:$0x4] =	wrdreg s18  }
0xb2: {  	[dreg:$0x5] =	wrdreg $0x148000  }
0xb3: {  	[dreg:$0x6] =	wrdreg $0x9  }
0xb4: {  	_ =	task.clear_ibuf [dreg:s8], $0x7FFFF;
	_ =	strace $0x90000046  }
0xb5: {  	s29 =	simm.s32 $0x9;
	_ =	strace $0x80000048  }
0xb6: {  	_ =	swait.ge [sflag:s29], $0x1  }
0xb7: {  	[sflag:s29] =	ssyncadd.s32 $0xFFFFFFFF  }
0xb8: {  	_ =	strace $0x90000048  }
0xb9: {  	_ =	sfence  }
0xba: {  	s30 =	sld [smem:$0x0];
	_ =	sdelay $0x2  }
0xbb: {  	s31 =	sshll.u32 s1, $0xD;
	s1 =	sshrl.u32 s1, $0x2  }
0xbc: {  	s3 =	sand.u32 $0x4000, s31;
	s1 =	sadd.s32 s1, s30  }
0xbd: {  	s0 =	sor.u32 s3, s0;
	s1 =	sshll.u32 s1, $0x11  }
0xbe: {  	s0 =	sor.u32 s1, s0  }
0xbf: {  	s0 =	sadd.s32 $0x8F2B, s0  }
0xc0: {  	[sflag:s0] =	ssyncadd.remote.s32 $0x1  }
0xc1: {  	_ =	sfence.sel $0xFFFF  }
0xc2: {  	[dreg:$0x0] =	wrdreg $0xFFFFFFFF;
	(pc) =	sbr.abs _section_cstart, $3  }
0xc3: {  	[dreg:$0x1] =	wrdreg $0xFFFFFFFF  }
0xc4: {  	_ =	task.clear_ibuf [dreg:s8], $0x2FFFF;
	_ =	strace $0x9FFFFFFF  }
0xc5: {  	(tm) =	ssettm $0x7FFFFFFF  }
tec
execute0_lowered:
.L_overlay_start_1:
0x0: {  	(tag) =	ssettag $0x1  }
0x1: {  	s4 =	rddreg [dreg:$0x0]  }
0x2: {  	s1 =	rddreg [dreg:$0x2];
	s0 =	stileid.u32  }
0x3: {  	s3 =	srdreg.scid;
	s31 =	smul.u32 $0x1900000, s0  }
0x4: {  	s2 =	rddreg [dreg:$0x3];
	s5 =	sand.u32 $0x1, s3;
	s12 =	smul.u32 $0x320000, s0  }
0x5: {  	s28 =	simm.s32 $0x400;
	s24 =	sadd.s32 $0x400, s4;
	s4 =	smul.u32 $0xC80000, s5  }
0x6: {  	s29 =	simm.s32 $0x50;
	s6 =	sshll.u32 s0, $0x1;
	s13 =	smul.u32 $0x190000, s5  }
0x7: {  	s7 =	sor.u32 s5, s6;
	s17 =	ssub.s32 $0x2, s5;
	s5 =	smul.u32 $0x5000, s5  }
0x8: {  	s30 =	simm.s32 $0x800;
	s3 =	simm.s32 $0x0;
	s10 =	smul.u32 $0x190000, s7  }
0x9: {  	p0 =	sne.s32 s0, $0x0;
	[smem:$0x7FF] =	sst s3;
	s8 =	smul.u32 $0x5000, s7  }
0xa: {  	s9 =	sshrl.u32 s17, $0x1;
	_ =	strace $0x80000047;
	s10 =	sadd.s32 s1, s10  }
0xb: {  	s18 =	smul.u32 $0x500, s7;
	s11 =	sadd.s32 s24, s8;
	[dreg:$0x13] =	wrdreg s10  }
0xc: {  	s7 =	smul.u32 $0xC80000, s7;
	s19 =	sadd.s32 $0x80, s11;
	[dreg:$0x11] =	wrdreg s11  }
0xd: {  	s6 =	ssub.s32 s17, s9;
	s20 =	sadd.s32 $0x500, s10;
	[dreg:$0x12] =	wrdreg s19  }
0xe: {  	s9 =	sadd.s32 s4, s31;
	s21 =	sadd.s32 $0xA00, s10;
	[dreg:$0x14] =	wrdreg s20  }
0xf: {  	s8 =	sshrl.u32 s18, $0x3;
	s22 =	sadd.s32 $0xF00, s10;
	[dreg:$0x15] =	wrdreg s21  }
0x10: {  	s7 =	sshrl.u32 s7, $0x3;
	s23 =	sadd.s32 $0x1400, s10;
	[dreg:$0x16] =	wrdreg s22  }
0x11: {  	s15 =	sor.u32 $0x37000, s9;
	s25 =	sadd.s32 $0x1900, s10;
	[dreg:$0x17] =	wrdreg s23  }
0x12: {  	s17 =	sor.u32 $0x34800, s9;
	s26 =	sadd.s32 $0x1E00, s10;
	[dreg:$0x18] =	wrdreg s25  }
0x13: {  	s18 =	sor.u32 $0x32000, s9;
	s10 =	sadd.s32 $0x2300, s10;
	[dreg:$0x19] =	wrdreg s26  }
0x14: {  	s8 =	sor.u32 $0x4, s8;
	s11 =	sadd.s32 $0x100, s11;
	[dreg:$0x1a] =	wrdreg s10  }
0x15: {  	s7 =	sadd.s32 s1, s7;
	s16 =	sshrl.u32 s15, $0x3;
	[dreg:$0x1b] =	wrdreg s11  }
0x16: {  	[dreg:$0x5] =	wrdreg s8;
	s8 =	sadd.s32 s12, s1;
	s10 =	sor.u32 $0x39800, s9  }
0x17: {  	s12 =	sadd.s32 $0x18D800, s7;
	s20 =	sshrl.u32 s18, $0x3;
	s22 =	sor.u32 $0x25800, s9  }
0x18: {  	s25 =	sor.u32 $0x23000, s9;
	s26 =	sor.u32 $0x20800, s9;
	s11 =	sor.u32 $0x1E000, s9  }
0x19: {  	s18 =	sadd.s32 $0x18E200, s7;
	[dreg:$0x1c] =	wrdreg s12;
	s8 =	sadd.s32 s13, s8  }
0x1a: {  	s10 =	sshrl.u32 s10, $0x3;
	s21 =	sadd.s32 s20, s1;
	s23 =	sshrl.u32 s22, $0x3  }
0x1b: {  	s4 =	sshrl.u32 s26, $0x3;
	s12 =	sshrl.u32 s11, $0x3;
	s13 =	sor.u32 $0x1B800, s9  }
0x1c: {  	s9 =	sor.u32 $0x19000, s9;
	[dreg:$0x1e] =	wrdreg s18;
	s22 =	sadd.s32 $0x18F100, s7  }
0x1d: {  	s26 =	smax.u32 s6, $0x1;
	s6 =	simm.s32 $0x5800;
	[dreg:$0x6] =	wrdreg s8  }
0x1e: {  	s18 =	simm.s32 $0x3;
	s14 =	sadd.s32 s10, s1;
	[dreg:$0xa] =	wrdreg s21  }
0x1f: {  	s8 =	sadd.s32 s16, s1;
	s10 =	sshrl.u32 s17, $0x3;
	[smem:$0x7F9] =	sst s22  }
0x20: {  	s16 =	sshrl.u32 s9, $0x3;
	s17 =	smul.u32 $0xA000, s0;
	[smem:$0x7FC] =	sst s26  }
0x21: {  	s21 =	sadd.s32 $0x18EC00, s7;
	s26 =	simm.s32 $0x1;
	[dreg:$0x7] =	wrdreg s14  }
0x22: {  	s9 =	simm.s32 $0x8000;
	s22 =	simm.s32 $0x380;
	[dreg:$0x8] =	wrdreg s8  }
0x23: {  	s19 =	sadd.s32 s10, s1;
	s8 =	sadd.s32 s23, s1;
	[smem:$0x7F8] =	sst s21  }
0x24: {  	s10 =	sshrl.u32 s25, $0x3;
	s14 =	sadd.s32 $0x18DD00, s7;
	[dreg:$0x9] =	wrdreg s19  }
0x25: {  	s23 =	sadd.s32 $0x18F600, s7;
	s25 =	sadd.s32 $0x18FB00, s7;
	[dreg:$0xb] =	wrdreg s8  }
0x26: {  	s21 =	simm.s32 $0x300;
	s31 =	sadd.s32 s10, s1;
	[dreg:$0x1d] =	wrdreg s14  }
0x27: {  	s10 =	sadd.s32 s4, s1;
	s8 =	sadd.s32 s12, s1;
	[smem:$0x7FA] =	sst s23  }
0x28: {  	s19 =	sadd.s32 $0x18E700, s7;
	s20 =	sadd.s32 s17, s24;
	[smem:$0x7FB] =	sst s25  }
0x29: {  	s25 =	simm.s32 $0x100;
	s12 =	simm.s32 $0xA800;
	[dreg:$0xc] =	wrdreg s31  }
0x2a: {  	s14 =	simm.s32 $0xD000;
	s17 =	simm.s32 $0x12000;
	[dreg:$0xd] =	wrdreg s10  }
0x2b: {  	s23 =	simm.s32 $0x480;
	s7 =	simm.s32 $0x500;
	[dreg:$0xe] =	wrdreg s8  }
0x2c: {  	s4 =	simm.s32 $0x580;
	s10 =	sshrl.u32 s13, $0x3;
	[dreg:$0x1f] =	wrdreg s19  }
0x2d: {  	s13 =	simm.s32 $0x80;
	s19 =	simm.s32 $0x200;
	s8 =	simm.s32 $0x0  }
0x2e: {  	s15 =	sadd.s32 s10, s1;
	s1 =	sadd.s32 s16, s1;
	s10 =	simm.s32 $0x2  }
0x2f: {  	s16 =	simm.s32 $0xF800;
	[dreg:$0x10] =	wrdreg s1;
	s1 =	sadd.s32 s5, s20  }
0x30: {  	[dreg:$0xf] =	wrdreg s15;
	s15 =	simm.s32 $0x180;
	s31 =	sadd.s32 $0x180, s1  }
0x31: {  	s20 =	simm.s32 $0x280;
	s1 =	simm.s32 $0x3000;
	[smem:$0x7FD] =	sst s31  }
.LBB2_1:
0x32: {  	[smem:$0x7F7] =	sst s8  }
0x33: {  	s0 =	sshrl.u32 @!p0 s2, $0x3;
	s8 =	simm.s32 @!p0 $0x1C04;
	s11 =	rddreg [dreg:$0x1]  }
0x34: {  	[spmem:s0], [sflag:s8] =	dma.local @!p0 [hbm:s11], $0x3E80  }
0x35: {  	s0 =	simm.s32 @!p0 $0x4  }
0x36: {  	_ =	swait.ge @!p0 [sflag:s0], $0x3E80  }
0x37: {  	[sflag:s0] =	ssyncset.done @!p0 $0x0  }
0x38: {  	[sflag:s0] =	ssyncadd.s32 @!p0 $0xFFFFC180  }
0x39: {  	[bflag:$0x0] =	sbarrier.arrive $0xFFFF  }
0x3a: {  	s11 =	rddreg [dreg:$0x11]  }
0x3b: {  	[tilespmem:s3], [sflag:$0x1] =	stream.linear.gather [hbm4b:s11+s3], $0x400, $0x38;
	[tilespmem:$0x16740] =	vst v63  }
0x3c: {  	_ =	swait.ge [sflag:s26], $0x400  }
0x3d: {  	[sflag:s26] =	ssyncset.done $0x0  }
0x3e: {  	s5 =	rddreg [dreg:$0x12];
	[sflag:s26] =	ssyncadd.s32 $0xFFFFFC00  }
0x3f: {  	[tilespmem:s28], [sflag:$0x1] =	stream.linear.gather [hbm4b:s5+s3], $0x400, $0x38;
	[tilespmem:$0x16740] =	vst v63  }
0x40: {  	_ = 	snop  }
0x41: {  	[tilespmem:s30], [sflag:$0x2] =	stream.indirect.gather [spmem:s2], $0x80, s3, s29, $0xb8;
	[tilespmem:$0x16740] =	vst v63  }
0x42: {  	_ = 	snop  }
0x43: {  	[tilespmem:s1], [sflag:$0x2] =	stream.indirect.gather [spmem:s2], $0x80, s13, s29, $0xb8;
	[tilespmem:$0x16740] =	vst v63  }
0x44: {  	_ = 	snop  }
0x45: {  	[tilespmem:s6], [sflag:$0x2] =	stream.indirect.gather [spmem:s2], $0x80, s25, s29, $0xb8;
	[tilespmem:$0x16740] =	vst v63  }
0x46: {  	_ = 	snop  }
0x47: {  	[tilespmem:s9], [sflag:$0x2] =	stream.indirect.gather [spmem:s2], $0x80, s15, s29, $0xb8;
	[tilespmem:$0x16740] =	vst v63  }
0x48: {  	_ =	swait.ge [sflag:s10], $0x2800  }
0x49: {  	[sflag:s10] =	ssyncset.done $0x0  }
0x4a: {  	s8 =	rddreg [dreg:$0x13];
	[sflag:s10] =	ssyncadd.s32 $0xFFFFD800  }
0x4b: {  	[hbm4b:s8+s3] =	stream.linear.scatter [tilespmem:s30], [sflag:$0x3], $0x2800, $0x38;
	[tilespmem:$0x16740] =	vst v63  }
0x4c: {  	_ = 	snop  }
0x4d: {  	[tilespmem:s12], [sflag:$0x2] =	stream.indirect.gather [spmem:s2], $0x80, s19, s29, $0xb8;
	[tilespmem:$0x16740] =	vst v63  }
0x4e: {  	_ =	swait.ge [sflag:s10], $0x2800  }
0x4f: {  	[sflag:s10] =	ssyncset.done $0x0  }
0x50: {  	s11 =	rddreg [dreg:$0x14];
	[sflag:s10] =	ssyncadd.s32 $0xFFFFD800  }
0x51: {  	[hbm4b:s11+s3] =	stream.linear.scatter [tilespmem:s1], [sflag:$0x3], $0x2800, $0x38;
	[tilespmem:$0x16740] =	vst v63  }
0x52: {  	_ = 	snop  }
0x53: {  	[tilespmem:s14], [sflag:$0x2] =	stream.indirect.gather [spmem:s2], $0x80, s20, s29, $0xb8;
	[tilespmem:$0x16740] =	vst v63  }
0x54: {  	_ =	swait.ge [sflag:s10], $0x2800  }
0x55: {  	[sflag:s10] =	ssyncset.done $0x0  }
0x56: {  	s5 =	rddreg [dreg:$0x15];
	[sflag:s10] =	ssyncadd.s32 $0xFFFFD800  }
0x57: {  	[hbm4b:s5+s3] =	stream.linear.scatter [tilespmem:s6], [sflag:$0x3], $0x2800, $0x38;
	[tilespmem:$0x16740] =	vst v63  }
0x58: {  	_ = 	snop  }
0x59: {  	[tilespmem:s16], [sflag:$0x2] =	stream.indirect.gather [spmem:s2], $0x80, s21, s29, $0xb8;
	[tilespmem:$0x16740] =	vst v63  }
0x5a: {  	_ =	swait.ge [sflag:s10], $0x2800  }
0x5b: {  	[sflag:s10] =	ssyncset.done $0x0  }
0x5c: {  	s8 =	rddreg [dreg:$0x16];
	[sflag:s10] =	ssyncadd.s32 $0xFFFFD800  }
0x5d: {  	[hbm4b:s8+s3] =	stream.linear.scatter [tilespmem:s9], [sflag:$0x3], $0x2800, $0x38;
	[tilespmem:$0x16740] =	vst v63  }
0x5e: {  	_ = 	snop  }
0x5f: {  	[tilespmem:s17], [sflag:$0x2] =	stream.indirect.gather [spmem:s2], $0x80, s22, s29, $0xb8;
	[tilespmem:$0x16740] =	vst v63  }
0x60: {  	_ =	swait.ge [sflag:s10], $0x2800  }
0x61: {  	[sflag:s10] =	ssyncset.done $0x0  }
0x62: {  	s11 =	rddreg [dreg:$0x17];
	[sflag:s10] =	ssyncadd.s32 $0xFFFFD800  }
0x63: {  	[hbm4b:s11+s3] =	stream.linear.scatter [tilespmem:s12], [sflag:$0x3], $0x2800, $0x38;
	[tilespmem:$0x16740] =	vst v63  }
0x64: {  	_ =	swait.ge [sflag:s18], $0x2800  }
0x65: {  	[sflag:s18] =	ssyncset.done $0x0  }
0x66: {  	[sflag:s18] =	ssyncadd.s32 $0xFFFFD800  }
0x67: {  	_ =	swait.ge [sflag:s26], $0x400  }
0x68: {  	[sflag:s26] =	ssyncset.done $0x0  }
0x69: {  	[sflag:s26] =	ssyncadd.s32 $0xFFFFFC00  }
0x6a: {  	[tilespmem:s30], [sflag:$0x2] =	stream.indirect.gather [spmem:s2], $0x80, s28, s29, $0xb8;
	[tilespmem:$0x16740] =	vst v63  }
0x6b: {  	_ =	swait.ge [sflag:s10], $0x2800  }
0x6c: {  	[sflag:s10] =	ssyncset.done $0x0  }
0x6d: {  	s5 =	rddreg [dreg:$0x18];
	[sflag:s10] =	ssyncadd.s32 $0xFFFFD800  }
0x6e: {  	[hbm4b:s5+s3] =	stream.linear.scatter [tilespmem:s14], [sflag:$0x3], $0x2800, $0x38;
	[tilespmem:$0x16740] =	vst v63  }
0x6f: {  	_ =	swait.ge [sflag:s18], $0x2800  }
0x70: {  	[sflag:s18] =	ssyncset.done $0x0  }
0x71: {  	[sflag:s18] =	ssyncadd.s32 $0xFFFFD800  }
0x72: {  	[tilespmem:s1], [sflag:$0x2] =	stream.indirect.gather [spmem:s2], $0x80, s23, s29, $0xb8;
	[tilespmem:$0x16740] =	vst v63  }
0x73: {  	_ =	swait.ge [sflag:s10], $0x2800  }
0x74: {  	[sflag:s10] =	ssyncset.done $0x0  }
0x75: {  	s8 =	rddreg [dreg:$0x19];
	[sflag:s10] =	ssyncadd.s32 $0xFFFFD800  }
0x76: {  	[hbm4b:s8+s3] =	stream.linear.scatter [tilespmem:s16], [sflag:$0x3], $0x2800, $0x38;
	[tilespmem:$0x16740] =	vst v63  }
0x77: {  	_ =	swait.ge [sflag:s18], $0x2800  }
0x78: {  	[sflag:s18] =	ssyncset.done $0x0  }
0x79: {  	[sflag:s18] =	ssyncadd.s32 $0xFFFFD800  }
0x7a: {  	[tilespmem:s6], [sflag:$0x2] =	stream.indirect.gather [spmem:s2], $0x80, s7, s29, $0xb8;
	[tilespmem:$0x16740] =	vst v63  }
0x7b: {  	_ =	swait.ge [sflag:s10], $0x2800  }
0x7c: {  	[sflag:s10] =	ssyncset.done $0x0  }
0x7d: {  	s11 =	rddreg [dreg:$0x1a];
	[sflag:s10] =	ssyncadd.s32 $0xFFFFD800  }
0x7e: {  	[hbm4b:s11+s3] =	stream.linear.scatter [tilespmem:s17], [sflag:$0x3], $0x2800, $0x38;
	[tilespmem:$0x16740] =	vst v63  }
0x7f: {  	_ =	swait.ge [sflag:s18], $0x2800  }
0x80: {  	[sflag:s18] =	ssyncset.done $0x0  }
0x81: {  	[sflag:s18] =	ssyncadd.s32 $0xFFFFD800  }
0x82: {  	[tilespmem:s9], [sflag:$0x2] =	stream.indirect.gather [spmem:s2], $0x80, s4, s29, $0xb8;
	[tilespmem:$0x16740] =	vst v63  }
0x83: {  	s5 =	rddreg [dreg:$0x1b]  }
0x84: {  	[tilespmem:s3], [sflag:$0x1] =	stream.linear.gather [hbm4b:s5+s3], $0x400, $0x38;
	[tilespmem:$0x16740] =	vst v63  }
0x85: {  	_ =	swait.ge [sflag:s10], $0x2800  }
0x86: {  	s8 =	rddreg [dreg:$0x6]  }
0x87: {  	[sflag:s10] =	ssyncset.done $0x0;
	s0 =	sadd.s32 $0x0, s8  }
0x88: {  	[sflag:s10] =	ssyncadd.s32 $0xFFFFD800;
	s11 =	sadd.s32 $0x2800, s0  }
0x89: {  	[hbm4b:s11+s3] =	stream.linear.scatter [tilespmem:s30], [sflag:$0x3], $0x2800, $0x38;
	[tilespmem:$0x16740] =	vst v63  }
0x8a: {  	_ =	swait.ge [sflag:s18], $0x2800  }
0x8b: {  	[sflag:s18] =	ssyncset.done $0x0  }
0x8c: {  	s5 =	simm.s32 $0x600;
	[sflag:s18] =	ssyncadd.s32 $0xFFFFD800  }
0x8d: {  	[tilespmem:s12], [sflag:$0x2] =	stream.indirect.gather [spmem:s2], $0x80, s5, s29, $0xb8;
	[tilespmem:$0x16740] =	vst v63  }
0x8e: {  	_ =	swait.ge [sflag:s10], $0x2800  }
0x8f: {  	[sflag:s10] =	ssyncset.done $0x0  }
0x90: {  	s5 =	sadd.s32 $0x2D00, s0;
	[sflag:s10] =	ssyncadd.s32 $0xFFFFD800  }
0x91: {  	[hbm4b:s5+s3] =	stream.linear.scatter [tilespmem:s1], [sflag:$0x3], $0x2800, $0x38;
	[tilespmem:$0x16740] =	vst v63  }
0x92: {  	_ =	swait.ge [sflag:s18], $0x2800  }
0x93: {  	[sflag:s18] =	ssyncset.done $0x0  }
0x94: {  	s11 =	simm.s32 $0x680;
	[sflag:s18] =	ssyncadd.s32 $0xFFFFD800  }
0x95: {  	[tilespmem:s14], [sflag:$0x2] =	stream.indirect.gather [spmem:s2], $0x80, s11, s29, $0xb8;
	[tilespmem:$0x16740] =	vst v63  }
0x96: {  	_ =	swait.ge [sflag:s10], $0x2800  }
0x97: {  	s5 =	rddreg [dreg:$0x10];
	[sflag:s10] =	ssyncset.done $0x0  }
0x98: {  	[sflag:s10] =	ssyncadd.s32 $0xFFFFD800;
	s8 =	sadd.s32 $0x0, s5  }
0x99: {  	[hbm4b:s8+s3] =	stream.linear.scatter [tilespmem:s6], [sflag:$0x3], $0x2800, $0x38;
	[tilespmem:$0x16740] =	vst v63  }
0x9a: {  	_ =	swait.ge [sflag:s18], $0x2800  }
0x9b: {  	[sflag:s18] =	ssyncset.done $0x0  }
0x9c: {  	s11 =	simm.s32 $0x700;
	[sflag:s18] =	ssyncadd.s32 $0xFFFFD800  }
0x9d: {  	[tilespmem:s16], [sflag:$0x2] =	stream.indirect.gather [spmem:s2], $0x80, s11, s29, $0xb8;
	[tilespmem:$0x16740] =	vst v63  }
0x9e: {  	_ =	swait.ge [sflag:s10], $0x2800  }
0x9f: {  	s5 =	rddreg [dreg:$0xf];
	[sflag:s10] =	ssyncset.done $0x0  }
0xa0: {  	[sflag:s10] =	ssyncadd.s32 $0xFFFFD800;
	s8 =	sadd.s32 $0x0, s5  }
0xa1: {  	[hbm4b:s8+s3] =	stream.linear.scatter [tilespmem:s9], [sflag:$0x3], $0x2800, $0x38;
	[tilespmem:$0x16740] =	vst v63  }
0xa2: {  	_ =	swait.ge [sflag:s18], $0x2800  }
0xa3: {  	[sflag:s18] =	ssyncset.done $0x0  }
0xa4: {  	s11 =	simm.s32 $0x780;
	[sflag:s18] =	ssyncadd.s32 $0xFFFFD800  }
0xa5: {  	[tilespmem:s17], [sflag:$0x2] =	stream.indirect.gather [spmem:s2], $0x80, s11, s29, $0xb8;
	[tilespmem:$0x16740] =	vst v63  }
0xa6: {  	_ =	swait.ge [sflag:s10], $0x2800  }
0xa7: {  	s5 =	rddreg [dreg:$0xe];
	[sflag:s10] =	ssyncset.done $0x0  }
0xa8: {  	[sflag:s10] =	ssyncadd.s32 $0xFFFFD800;
	s8 =	sadd.s32 $0x0, s5  }
0xa9: {  	[hbm4b:s8+s3] =	stream.linear.scatter [tilespmem:s12], [sflag:$0x3], $0x2800, $0x38;
	[tilespmem:$0x16740] =	vst v63  }
0xaa: {  	_ =	swait.ge [sflag:s18], $0x2800  }
0xab: {  	[sflag:s18] =	ssyncset.done $0x0  }
0xac: {  	[sflag:s18] =	ssyncadd.s32 $0xFFFFD800  }
0xad: {  	_ =	swait.ge [sflag:s26], $0x400  }
0xae: {  	[sflag:s26] =	ssyncset.done $0x0  }
0xaf: {  	[sflag:s26] =	ssyncadd.s32 $0xFFFFFC00  }
0xb0: {  	[tilespmem:s30], [sflag:$0x2] =	stream.indirect.gather [spmem:s2], $0x80, s3, s29, $0xb8;
	[tilespmem:$0x16740] =	vst v63  }
0xb1: {  	_ =	swait.ge [sflag:s10], $0x2800  }
0xb2: {  	s11 =	rddreg [dreg:$0xd];
	[sflag:s10] =	ssyncset.done $0x0  }
0xb3: {  	[sflag:s10] =	ssyncadd.s32 $0xFFFFD800;
	s8 =	sadd.s32 $0x0, s11  }
0xb4: {  	[hbm4b:s8+s3] =	stream.linear.scatter [tilespmem:s14], [sflag:$0x3], $0x2800, $0x38;
	[tilespmem:$0x16740] =	vst v63  }
0xb5: {  	_ =	swait.ge [sflag:s18], $0x2800  }
0xb6: {  	[sflag:s18] =	ssyncset.done $0x0  }
0xb7: {  	[sflag:s18] =	ssyncadd.s32 $0xFFFFD800  }
0xb8: {  	[tilespmem:s1], [sflag:$0x2] =	stream.indirect.gather [spmem:s2], $0x80, s13, s29, $0xb8;
	[tilespmem:$0x16740] =	vst v63  }
0xb9: {  	_ =	swait.ge [sflag:s10], $0x2800  }
0xba: {  	s13 =	rddreg [dreg:$0xc];
	[sflag:s10] =	ssyncset.done $0x0  }
0xbb: {  	[sflag:s10] =	ssyncadd.s32 $0xFFFFD800;
	s8 =	sadd.s32 $0x0, s13  }
0xbc: {  	[hbm4b:s8+s3] =	stream.linear.scatter [tilespmem:s16], [sflag:$0x3], $0x2800, $0x38;
	[tilespmem:$0x16740] =	vst v63  }
0xbd: {  	_ =	swait.ge [sflag:s18], $0x2800  }
0xbe: {  	[sflag:s18] =	ssyncset.done $0x0  }
0xbf: {  	[sflag:s18] =	ssyncadd.s32 $0xFFFFD800  }
0xc0: {  	[tilespmem:s6], [sflag:$0x2] =	stream.indirect.gather [spmem:s2], $0x80, s25, s29, $0xb8;
	[tilespmem:$0x16740] =	vst v63  }
0xc1: {  	_ =	swait.ge [sflag:s10], $0x2800  }
0xc2: {  	s25 =	rddreg [dreg:$0xb];
	[sflag:s10] =	ssyncset.done $0x0  }
0xc3: {  	[sflag:s10] =	ssyncadd.s32 $0xFFFFD800;
	s8 =	sadd.s32 $0x0, s25  }
0xc4: {  	[hbm4b:s8+s3] =	stream.linear.scatter [tilespmem:s17], [sflag:$0x3], $0x2800, $0x38;
	[tilespmem:$0x16740] =	vst v63  }
0xc5: {  	_ =	swait.ge [sflag:s18], $0x2800  }
0xc6: {  	[sflag:s18] =	ssyncset.done $0x0  }
0xc7: {  	s11 =	sld [smem:$0x7FD];
	[sflag:s18] =	ssyncadd.s32 $0xFFFFD800  }
0xc8: {  	[tilespmem:s9], [sflag:$0x2] =	stream.indirect.gather [spmem:s2], $0x80, s15, s29, $0xb8;
	[tilespmem:$0x16740] =	vst v63  }
0xc9: {  	_ = 	snop  }
0xca: {  	[tilespmem:s28], [sflag:$0x1] =	stream.linear.gather [hbm4b:s11+s3], $0x400, $0x38;
	[tilespmem:$0x16740] =	vst v63  }
0xcb: {  	_ =	swait.ge [sflag:s10], $0x2800  }
0xcc: {  	[sflag:s10] =	ssyncset.done $0x0  }
0xcd: {  	s5 =	sadd.s32 $0x5000, s0;
	[sflag:s10] =	ssyncadd.s32 $0xFFFFD800  }
0xce: {  	[hbm4b:s5+s3] =	stream.linear.scatter [tilespmem:s30], [sflag:$0x3], $0x2800, $0x38;
	[tilespmem:$0x16740] =	vst v63  }
0xcf: {  	_ =	swait.ge [sflag:s18], $0x2800  }
0xd0: {  	[sflag:s18] =	ssyncset.done $0x0  }
0xd1: {  	[sflag:s18] =	ssyncadd.s32 $0xFFFFD800  }
0xd2: {  	[tilespmem:s12], [sflag:$0x2] =	stream.indirect.gather [spmem:s2], $0x80, s19, s29, $0xb8;
	[tilespmem:$0x16740] =	vst v63  }
0xd3: {  	_ =	swait.ge [sflag:s10], $0x2800  }
0xd4: {  	[sflag:s10] =	ssyncset.done $0x0  }
0xd5: {  	s13 =	sadd.s32 $0x5500, s0;
	[sflag:s10] =	ssyncadd.s32 $0xFFFFD800  }
0xd6: {  	[hbm4b:s13+s3] =	stream.linear.scatter [tilespmem:s1], [sflag:$0x3], $0x2800, $0x38;
	[tilespmem:$0x16740] =	vst v63  }
0xd7: {  	_ =	swait.ge [sflag:s18], $0x2800  }
0xd8: {  	[sflag:s18] =	ssyncset.done $0x0  }
0xd9: {  	[sflag:s18] =	ssyncadd.s32 $0xFFFFD800  }
0xda: {  	[tilespmem:s14], [sflag:$0x2] =	stream.indirect.gather [spmem:s2], $0x80, s20, s29, $0xb8;
	[tilespmem:$0x16740] =	vst v63  }
0xdb: {  	_ =	swait.ge [sflag:s10], $0x2800  }
0xdc: {  	[sflag:s10] =	ssyncset.done $0x0  }
0xdd: {  	s15 =	sadd.s32 $0x5A00, s0;
	[sflag:s10] =	ssyncadd.s32 $0xFFFFD800  }
0xde: {  	[hbm4b:s15+s3] =	stream.linear.scatter [tilespmem:s6], [sflag:$0x3], $0x2800, $0x38;
	[tilespmem:$0x16740] =	vst v63  }
0xdf: {  	_ =	swait.ge [sflag:s18], $0x2800  }
0xe0: {  	[sflag:s18] =	ssyncset.done $0x0  }
0xe1: {  	[sflag:s18] =	ssyncadd.s32 $0xFFFFD800  }
0xe2: {  	[tilespmem:s16], [sflag:$0x2] =	stream.indirect.gather [spmem:s2], $0x80, s21, s29, $0xb8;
	[tilespmem:$0x16740] =	vst v63  }
0xe3: {  	_ =	swait.ge [sflag:s10], $0x2800  }
0xe4: {  	[sflag:s10] =	ssyncset.done $0x0  }
0xe5: {  	s0 =	sadd.s32 $0x5F00, s0;
	[sflag:s10] =	ssyncadd.s32 $0xFFFFD800  }
0xe6: {  	[hbm4b:s0+s3] =	stream.linear.scatter [tilespmem:s9], [sflag:$0x3], $0x2800, $0x38;
	[tilespmem:$0x16740] =	vst v63  }
0xe7: {  	_ =	swait.ge [sflag:s18], $0x2800  }
0xe8: {  	[sflag:s18] =	ssyncset.done $0x0  }
0xe9: {  	[sflag:s18] =	ssyncadd.s32 $0xFFFFD800  }
0xea: {  	[tilespmem:s17], [sflag:$0x2] =	stream.indirect.gather [spmem:s2], $0x80, s22, s29, $0xb8;
	[tilespmem:$0x16740] =	vst v63  }
0xeb: {  	_ =	swait.ge [sflag:s10], $0x2800  }
0xec: {  	s19 =	rddreg [dreg:$0xa];
	[sflag:s10] =	ssyncset.done $0x0  }
0xed: {  	[sflag:s10] =	ssyncadd.s32 $0xFFFFD800;
	s0 =	sadd.s32 $0x0, s19  }
0xee: {  	[hbm4b:s0+s3] =	stream.linear.scatter [tilespmem:s12], [sflag:$0x3], $0x2800, $0x38;
	[tilespmem:$0x16740] =	vst v63  }
0xef: {  	_ =	swait.ge [sflag:s18], $0x2800  }
0xf0: {  	[sflag:s18] =	ssyncset.done $0x0  }
0xf1: {  	[sflag:s18] =	ssyncadd.s32 $0xFFFFD800  }
0xf2: {  	_ =	swait.ge [sflag:s26], $0x400  }
0xf3: {  	[sflag:s26] =	ssyncset.done $0x0  }
0xf4: {  	[sflag:s26] =	ssyncadd.s32 $0xFFFFFC00  }
0xf5: {  	[tilespmem:s30], [sflag:$0x2] =	stream.indirect.gather [spmem:s2], $0x80, s28, s29, $0xb8;
	[tilespmem:$0x16740] =	vst v63  }
0xf6: {  	_ =	swait.ge [sflag:s10], $0x2800  }
0xf7: {  	s20 =	rddreg [dreg:$0x9];
	[sflag:s10] =	ssyncset.done $0x0  }
0xf8: {  	[sflag:s10] =	ssyncadd.s32 $0xFFFFD800;
	s0 =	sadd.s32 $0x0, s20  }
0xf9: {  	[hbm4b:s0+s3] =	stream.linear.scatter [tilespmem:s14], [sflag:$0x3], $0x2800, $0x38;
	[tilespmem:$0x16740] =	vst v63  }
0xfa: {  	_ =	swait.ge [sflag:s18], $0x2800  }
0xfb: {  	[sflag:s18] =	ssyncset.done $0x0  }
0xfc: {  	[sflag:s18] =	ssyncadd.s32 $0xFFFFD800  }
0xfd: {  	[tilespmem:s1], [sflag:$0x2] =	stream.indirect.gather [spmem:s2], $0x80, s23, s29, $0xb8;
	[tilespmem:$0x16740] =	vst v63  }
0xfe: {  	_ =	swait.ge [sflag:s10], $0x2800  }
0xff: {  	s21 =	rddreg [dreg:$0x8];
	[sflag:s10] =	ssyncset.done $0x0  }
0x100: {  	[sflag:s10] =	ssyncadd.s32 $0xFFFFD800;
	s0 =	sadd.s32 $0x0, s21  }
0x101: {  	[hbm4b:s0+s3] =	stream.linear.scatter [tilespmem:s16], [sflag:$0x3], $0x2800, $0x38;
	[tilespmem:$0x16740] =	vst v63  }
0x102: {  	_ =	swait.ge [sflag:s18], $0x2800  }
0x103: {  	[sflag:s18] =	ssyncset.done $0x0  }
0x104: {  	s25 =	smin.u32 s3, $0x9B;
	s31 =	sadd.s32 $0x100, s11;
	[sflag:s18] =	ssyncadd.s32 $0xFFFFD800  }
0x105: {  	[tilespmem:s6], [sflag:$0x2] =	stream.indirect.gather [spmem:s2], $0x80, s7, s29, $0xb8;
	[tilespmem:$0x16740] =	vst v63  }
0x106: {  	s5 =	smov.u32 s24;
	s15 =	simm.s32 $0x80;
	_ =	swait.ge [sflag:s10], $0x2800  }
0x107: {  	s19 =	simm.s32 $0x180;
	s22 =	rddreg [dreg:$0x7];
	[sflag:s10] =	ssyncset.done $0x0  }
0x108: {  	s20 =	simm.s32 $0x200;
	[sflag:s10] =	ssyncadd.s32 $0xFFFFD800;
	s0 =	sadd.s32 $0x0, s22  }
0x109: {  	[hbm4b:s0+s3] =	stream.linear.scatter [tilespmem:s17], [sflag:$0x3], $0x2800, $0x38;
	[tilespmem:$0x16740] =	vst v63  }
0x10a: {  	s21 =	simm.s32 $0x280;
	s7 =	simm.s32 $0x500;
	_ =	swait.ge [sflag:s18], $0x2800  }
0x10b: {  	s22 =	simm.s32 $0x300;
	[sflag:s18] =	ssyncset.done $0x0;
	s23 =	rddreg [dreg:$0x5]  }
0x10c: {  	[sflag:s18] =	ssyncadd.s32 $0xFFFFD800;
	s0 =	sadd.s32 s25, s23;
	s25 =	simm.s32 $0x5000  }
0x10d: {  	[tilespmem:s9], [sflag:$0x2] =	stream.indirect.gather [spmem:s2], $0x80, s4, s29, $0xb8;
	[tilespmem:$0x16740] =	vst v63  }
0x10e: {  	s23 =	simm.s32 $0x380;
	s0 =	sshll.u32 s0, $0x7;
	s4 =	simm.s32 $0x580  }
0x10f: {  	s8 =	sadd.s32 s24, s0;
	s0 =	simm.s32 $0x2;
	s24 =	simm.s32 $0x480  }
.LBB2_2:
0x110: {  	[tilespmem:s3], [sflag:$0x1] =	stream.linear.gather [hbm4b:s8+s3], $0x400, $0x38;
	[tilespmem:$0x16740] =	vst v63  }
0x111: {  	_ =	swait.ge [sflag:s10], $0x2800  }
0x112: {  	s8 =	smov.u32 s25;
	s11 =	rddreg [dreg:$0x6]  }
0x113: {  	[sflag:s10] =	ssyncset.done $0x0;
	s11 =	sadd.s32 s8, s11  }
0x114: {  	[sflag:s10] =	ssyncadd.s32 $0xFFFFD800;
	s13 =	sadd.s32 $0x2800, s11  }
0x115: {  	[hbm4b:s13+s3] =	stream.linear.scatter [tilespmem:s30], [sflag:$0x3], $0x2800, $0x38;
	[tilespmem:$0x16740] =	vst v63  }
0x116: {  	_ =	swait.ge [sflag:s18], $0x2800  }
0x117: {  	[sflag:s18] =	ssyncset.done $0x0  }
0x118: {  	s13 =	simm.s32 $0x600;
	[sflag:s18] =	ssyncadd.s32 $0xFFFFD800  }
0x119: {  	[tilespmem:s12], [sflag:$0x2] =	stream.indirect.gather [spmem:s2], $0x80, s13, s29, $0xb8;
	[tilespmem:$0x16740] =	vst v63  }
0x11a: {  	_ =	swait.ge [sflag:s10], $0x2800  }
0x11b: {  	[sflag:s10] =	ssyncset.done $0x0  }
0x11c: {  	s13 =	sadd.s32 $0x2D00, s11;
	[sflag:s10] =	ssyncadd.s32 $0xFFFFD800  }
0x11d: {  	[hbm4b:s13+s3] =	stream.linear.scatter [tilespmem:s1], [sflag:$0x3], $0x2800, $0x38;
	[tilespmem:$0x16740] =	vst v63  }
0x11e: {  	_ =	swait.ge [sflag:s18], $0x2800  }
0x11f: {  	[sflag:s18] =	ssyncset.done $0x0  }
0x120: {  	s13 =	simm.s32 $0x680;
	[sflag:s18] =	ssyncadd.s32 $0xFFFFD800  }
0x121: {  	[tilespmem:s14], [sflag:$0x2] =	stream.indirect.gather [spmem:s2], $0x80, s13, s29, $0xb8;
	[tilespmem:$0x16740] =	vst v63  }
0x122: {  	_ =	swait.ge [sflag:s10], $0x2800  }
0x123: {  	s13 =	rddreg [dreg:$0x10];
	[sflag:s10] =	ssyncset.done $0x0  }
0x124: {  	[sflag:s10] =	ssyncadd.s32 $0xFFFFD800;
	s13 =	sadd.s32 s8, s13  }
0x125: {  	[hbm4b:s13+s3] =	stream.linear.scatter [tilespmem:s6], [sflag:$0x3], $0x2800, $0x38;
	[tilespmem:$0x16740] =	vst v63  }
0x126: {  	_ =	swait.ge [sflag:s18], $0x2800  }
0x127: {  	[sflag:s18] =	ssyncset.done $0x0  }
0x128: {  	s13 =	simm.s32 $0x700;
	[sflag:s18] =	ssyncadd.s32 $0xFFFFD800  }
0x129: {  	[tilespmem:s16], [sflag:$0x2] =	stream.indirect.gather [spmem:s2], $0x80, s13, s29, $0xb8;
	[tilespmem:$0x16740] =	vst v63  }
0x12a: {  	_ =	swait.ge [sflag:s10], $0x2800  }
0x12b: {  	s13 =	rddreg [dreg:$0xf];
	[sflag:s10] =	ssyncset.done $0x0  }
0x12c: {  	[sflag:s10] =	ssyncadd.s32 $0xFFFFD800;
	s13 =	sadd.s32 s8, s13  }
0x12d: {  	[hbm4b:s13+s3] =	stream.linear.scatter [tilespmem:s9], [sflag:$0x3], $0x2800, $0x38;
	[tilespmem:$0x16740] =	vst v63  }
0x12e: {  	_ =	swait.ge [sflag:s18], $0x2800  }
0x12f: {  	[sflag:s18] =	ssyncset.done $0x0  }
0x130: {  	s13 =	simm.s32 $0x780;
	[sflag:s18] =	ssyncadd.s32 $0xFFFFD800  }
0x131: {  	[tilespmem:s17], [sflag:$0x2] =	stream.indirect.gather [spmem:s2], $0x80, s13, s29, $0xb8;
	[tilespmem:$0x16740] =	vst v63  }
0x132: {  	_ =	swait.ge [sflag:s10], $0x2800  }
0x133: {  	s13 =	rddreg [dreg:$0xe];
	[sflag:s10] =	ssyncset.done $0x0  }
0x134: {  	[sflag:s10] =	ssyncadd.s32 $0xFFFFD800;
	s13 =	sadd.s32 s8, s13  }
0x135: {  	[hbm4b:s13+s3] =	stream.linear.scatter [tilespmem:s12], [sflag:$0x3], $0x2800, $0x38;
	[tilespmem:$0x16740] =	vst v63  }
0x136: {  	_ =	swait.ge [sflag:s18], $0x2800  }
0x137: {  	[sflag:s18] =	ssyncset.done $0x0  }
0x138: {  	[sflag:s18] =	ssyncadd.s32 $0xFFFFD800  }
0x139: {  	_ =	swait.ge [sflag:s26], $0x400  }
0x13a: {  	[sflag:s26] =	ssyncset.done $0x0  }
0x13b: {  	[sflag:s26] =	ssyncadd.s32 $0xFFFFFC00  }
0x13c: {  	[tilespmem:s30], [sflag:$0x2] =	stream.indirect.gather [spmem:s2], $0x80, s3, s29, $0xb8;
	[tilespmem:$0x16740] =	vst v63  }
0x13d: {  	_ =	swait.ge [sflag:s10], $0x2800  }
0x13e: {  	s13 =	rddreg [dreg:$0xd];
	[sflag:s10] =	ssyncset.done $0x0  }
0x13f: {  	[sflag:s10] =	ssyncadd.s32 $0xFFFFD800;
	s13 =	sadd.s32 s8, s13  }
0x140: {  	[hbm4b:s13+s3] =	stream.linear.scatter [tilespmem:s14], [sflag:$0x3], $0x2800, $0x38;
	[tilespmem:$0x16740] =	vst v63  }
0x141: {  	_ =	swait.ge [sflag:s18], $0x2800  }
0x142: {  	[sflag:s18] =	ssyncset.done $0x0  }
0x143: {  	[sflag:s18] =	ssyncadd.s32 $0xFFFFD800  }
0x144: {  	[tilespmem:s1], [sflag:$0x2] =	stream.indirect.gather [spmem:s2], $0x80, s15, s29, $0xb8;
	[tilespmem:$0x16740] =	vst v63  }
0x145: {  	_ =	swait.ge [sflag:s10], $0x2800  }
0x146: {  	s13 =	rddreg [dreg:$0xc];
	[sflag:s10] =	ssyncset.done $0x0  }
0x147: {  	[sflag:s10] =	ssyncadd.s32 $0xFFFFD800;
	s13 =	sadd.s32 s8, s13  }
0x148: {  	[hbm4b:s13+s3] =	stream.linear.scatter [tilespmem:s16], [sflag:$0x3], $0x2800, $0x38;
	[tilespmem:$0x16740] =	vst v63  }
0x149: {  	_ =	swait.ge [sflag:s18], $0x2800  }
0x14a: {  	[sflag:s18] =	ssyncset.done $0x0  }
0x14b: {  	s13 =	simm.s32 $0x100;
	[sflag:s18] =	ssyncadd.s32 $0xFFFFD800  }
0x14c: {  	[tilespmem:s6], [sflag:$0x2] =	stream.indirect.gather [spmem:s2], $0x80, s13, s29, $0xb8;
	[tilespmem:$0x16740] =	vst v63  }
0x14d: {  	_ =	swait.ge [sflag:s10], $0x2800  }
0x14e: {  	s13 =	rddreg [dreg:$0xb];
	[sflag:s10] =	ssyncset.done $0x0  }
0x14f: {  	[sflag:s10] =	ssyncadd.s32 $0xFFFFD800;
	s13 =	sadd.s32 s8, s13  }
0x150: {  	[hbm4b:s13+s3] =	stream.linear.scatter [tilespmem:s17], [sflag:$0x3], $0x2800, $0x38;
	[tilespmem:$0x16740] =	vst v63  }
0x151: {  	_ =	swait.ge [sflag:s18], $0x2800  }
0x152: {  	[sflag:s18] =	ssyncset.done $0x0  }
0x153: {  	[sflag:s18] =	ssyncadd.s32 $0xFFFFD800  }
0x154: {  	[tilespmem:s9], [sflag:$0x2] =	stream.indirect.gather [spmem:s2], $0x80, s19, s29, $0xb8;
	[tilespmem:$0x16740] =	vst v63  }
0x155: {  	_ = 	snop  }
0x156: {  	[tilespmem:s28], [sflag:$0x1] =	stream.linear.gather [hbm4b:s31+s3], $0x400, $0x38;
	[tilespmem:$0x16740] =	vst v63  }
0x157: {  	_ =	swait.ge [sflag:s10], $0x2800  }
0x158: {  	[sflag:s10] =	ssyncset.done $0x0  }
0x159: {  	s13 =	sadd.s32 $0x5000, s11;
	[sflag:s10] =	ssyncadd.s32 $0xFFFFD800  }
0x15a: {  	[hbm4b:s13+s3] =	stream.linear.scatter [tilespmem:s30], [sflag:$0x3], $0x2800, $0x38;
	[tilespmem:$0x16740] =	vst v63  }
0x15b: {  	_ =	swait.ge [sflag:s18], $0x2800  }
0x15c: {  	[sflag:s18] =	ssyncset.done $0x0  }
0x15d: {  	[sflag:s18] =	ssyncadd.s32 $0xFFFFD800  }
0x15e: {  	[tilespmem:s12], [sflag:$0x2] =	stream.indirect.gather [spmem:s2], $0x80, s20, s29, $0xb8;
	[tilespmem:$0x16740] =	vst v63  }
0x15f: {  	_ =	swait.ge [sflag:s10], $0x2800  }
0x160: {  	[sflag:s10] =	ssyncset.done $0x0  }
0x161: {  	s13 =	sadd.s32 $0x5500, s11;
	[sflag:s10] =	ssyncadd.s32 $0xFFFFD800  }
0x162: {  	[hbm4b:s13+s3] =	stream.linear.scatter [tilespmem:s1], [sflag:$0x3], $0x2800, $0x38;
	[tilespmem:$0x16740] =	vst v63  }
0x163: {  	_ =	swait.ge [sflag:s18], $0x2800  }
0x164: {  	[sflag:s18] =	ssyncset.done $0x0  }
0x165: {  	[sflag:s18] =	ssyncadd.s32 $0xFFFFD800  }
0x166: {  	[tilespmem:s14], [sflag:$0x2] =	stream.indirect.gather [spmem:s2], $0x80, s21, s29, $0xb8;
	[tilespmem:$0x16740] =	vst v63  }
0x167: {  	_ =	swait.ge [sflag:s10], $0x2800  }
0x168: {  	[sflag:s10] =	ssyncset.done $0x0  }
0x169: {  	s13 =	sadd.s32 $0x5A00, s11;
	[sflag:s10] =	ssyncadd.s32 $0xFFFFD800  }
0x16a: {  	[hbm4b:s13+s3] =	stream.linear.scatter [tilespmem:s6], [sflag:$0x3], $0x2800, $0x38;
	[tilespmem:$0x16740] =	vst v63  }
0x16b: {  	_ =	swait.ge [sflag:s18], $0x2800  }
0x16c: {  	[sflag:s18] =	ssyncset.done $0x0  }
0x16d: {  	[sflag:s18] =	ssyncadd.s32 $0xFFFFD800  }
0x16e: {  	[tilespmem:s16], [sflag:$0x2] =	stream.indirect.gather [spmem:s2], $0x80, s22, s29, $0xb8;
	[tilespmem:$0x16740] =	vst v63  }
0x16f: {  	_ =	swait.ge [sflag:s10], $0x2800  }
0x170: {  	[sflag:s10] =	ssyncset.done $0x0  }
0x171: {  	s11 =	sadd.s32 $0x5F00, s11;
	[sflag:s10] =	ssyncadd.s32 $0xFFFFD800  }
0x172: {  	[hbm4b:s11+s3] =	stream.linear.scatter [tilespmem:s9], [sflag:$0x3], $0x2800, $0x38;
	[tilespmem:$0x16740] =	vst v63  }
0x173: {  	_ =	swait.ge [sflag:s18], $0x2800  }
0x174: {  	[sflag:s18] =	ssyncset.done $0x0  }
0x175: {  	[sflag:s18] =	ssyncadd.s32 $0xFFFFD800  }
0x176: {  	[tilespmem:s17], [sflag:$0x2] =	stream.indirect.gather [spmem:s2], $0x80, s23, s29, $0xb8;
	[tilespmem:$0x16740] =	vst v63  }
0x177: {  	_ =	swait.ge [sflag:s10], $0x2800  }
0x178: {  	s13 =	rddreg [dreg:$0xa];
	[sflag:s10] =	ssyncset.done $0x0  }
0x179: {  	[sflag:s10] =	ssyncadd.s32 $0xFFFFD800;
	s11 =	sadd.s32 s8, s13  }
0x17a: {  	[hbm4b:s11+s3] =	stream.linear.scatter [tilespmem:s12], [sflag:$0x3], $0x2800, $0x38;
	[tilespmem:$0x16740] =	vst v63  }
0x17b: {  	_ =	swait.ge [sflag:s18], $0x2800  }
0x17c: {  	[sflag:s18] =	ssyncset.done $0x0  }
0x17d: {  	[sflag:s18] =	ssyncadd.s32 $0xFFFFD800  }
0x17e: {  	_ =	swait.ge [sflag:s26], $0x400  }
0x17f: {  	[sflag:s26] =	ssyncset.done $0x0  }
0x180: {  	[sflag:s26] =	ssyncadd.s32 $0xFFFFFC00  }
0x181: {  	[tilespmem:s30], [sflag:$0x2] =	stream.indirect.gather [spmem:s2], $0x80, s28, s29, $0xb8;
	[tilespmem:$0x16740] =	vst v63  }
0x182: {  	_ =	swait.ge [sflag:s10], $0x2800  }
0x183: {  	s13 =	rddreg [dreg:$0x9];
	[sflag:s10] =	ssyncset.done $0x0  }
0x184: {  	[sflag:s10] =	ssyncadd.s32 $0xFFFFD800;
	s11 =	sadd.s32 s8, s13  }
0x185: {  	[hbm4b:s11+s3] =	stream.linear.scatter [tilespmem:s14], [sflag:$0x3], $0x2800, $0x38;
	[tilespmem:$0x16740] =	vst v63  }
0x186: {  	_ =	swait.ge [sflag:s18], $0x2800  }
0x187: {  	[sflag:s18] =	ssyncset.done $0x0  }
0x188: {  	[sflag:s18] =	ssyncadd.s32 $0xFFFFD800  }
0x189: {  	[tilespmem:s1], [sflag:$0x2] =	stream.indirect.gather [spmem:s2], $0x80, s24, s29, $0xb8;
	[tilespmem:$0x16740] =	vst v63  }
0x18a: {  	_ =	swait.ge [sflag:s10], $0x2800  }
0x18b: {  	s13 =	rddreg [dreg:$0x8];
	[sflag:s10] =	ssyncset.done $0x0  }
0x18c: {  	[sflag:s10] =	ssyncadd.s32 $0xFFFFD800;
	s11 =	sadd.s32 s8, s13  }
0x18d: {  	[hbm4b:s11+s3] =	stream.linear.scatter [tilespmem:s16], [sflag:$0x3], $0x2800, $0x38;
	[tilespmem:$0x16740] =	vst v63  }
0x18e: {  	_ =	swait.ge [sflag:s18], $0x2800  }
0x18f: {  	[sflag:s18] =	ssyncset.done $0x0  }
0x190: {  	[sflag:s18] =	ssyncadd.s32 $0xFFFFD800  }
0x191: {  	[tilespmem:s6], [sflag:$0x2] =	stream.indirect.gather [spmem:s2], $0x80, s7, s29, $0xb8;
	[tilespmem:$0x16740] =	vst v63  }
0x192: {  	_ =	swait.ge [sflag:s10], $0x2800  }
0x193: {  	s13 =	rddreg [dreg:$0x7];
	[sflag:s10] =	ssyncset.done $0x0  }
0x194: {  	[sflag:s10] =	ssyncadd.s32 $0xFFFFD800;
	s8 =	sadd.s32 s8, s13  }
0x195: {  	[hbm4b:s8+s3] =	stream.linear.scatter [tilespmem:s17], [sflag:$0x3], $0x2800, $0x38;
	[tilespmem:$0x16740] =	vst v63  }
0x196: {  	p1 =	sne.s32 s25, $0x186000;
	s13 =	smin.u32 s0, $0x9B;
	_ =	swait.ge [sflag:s18], $0x2800  }
.Ltmp0:
0x197: {  	[sflag:s18] =	ssyncset.done $0x0;
	s11 =	rddreg [dreg:$0x5];
	(pc) =	sbr.rel @p1 .LBB2_2-.Ltmp0, $4  }
0x198: {  	[sflag:s18] =	ssyncadd.s32 $0xFFFFD800;
	s8 =	sadd.s32 s13, s11  }
0x199: {  	[tilespmem:s9], [sflag:$0x2] =	stream.indirect.gather [spmem:s2], $0x80, s4, s29, $0xb8;
	[tilespmem:$0x16740] =	vst v63  }
0x19a: {  	s25 =	sadd.s32 $0x5000, s25;
	s8 =	sshll.u32 s8, $0x7  }
0x19b: {  	s31 =	sadd.s32 $0x100, s31;
	s0 =	sadd.s32 $0x2, s0;
	s8 =	sadd.s32 s5, s8  }
0x19c: {  	[tilespmem:s3], [sflag:$0x1] =	stream.linear.gather [hbm4b:s8+s3], $0x400, $0x38;
	[tilespmem:$0x16740] =	vst v63  }
0x19d: {  	_ =	swait.ge [sflag:s10], $0x2800  }
0x19e: {  	[sflag:s10] =	ssyncset.done $0x0  }
0x19f: {  	s0 =	rddreg [dreg:$0x1c];
	[sflag:s10] =	ssyncadd.s32 $0xFFFFD800  }
0x1a0: {  	[hbm4b:s0+s3] =	stream.linear.scatter [tilespmem:s30], [sflag:$0x3], $0x2800, $0x38;
	[tilespmem:$0x16740] =	vst v63  }
0x1a1: {  	_ =	swait.ge [sflag:s18], $0x2800  }
0x1a2: {  	[sflag:s18] =	ssyncset.done $0x0  }
0x1a3: {  	s7 =	simm.s32 $0x600;
	[sflag:s18] =	ssyncadd.s32 $0xFFFFD800  }
0x1a4: {  	[tilespmem:s12], [sflag:$0x2] =	stream.indirect.gather [spmem:s2], $0x80, s7, s29, $0xb8;
	[tilespmem:$0x16740] =	vst v63  }
0x1a5: {  	_ =	swait.ge [sflag:s10], $0x2800  }
0x1a6: {  	[sflag:s10] =	ssyncset.done $0x0  }
0x1a7: {  	s8 =	rddreg [dreg:$0x1d];
	[sflag:s10] =	ssyncadd.s32 $0xFFFFD800  }
0x1a8: {  	[hbm4b:s8+s3] =	stream.linear.scatter [tilespmem:s1], [sflag:$0x3], $0x2800, $0x38;
	[tilespmem:$0x16740] =	vst v63  }
0x1a9: {  	_ =	swait.ge [sflag:s18], $0x2800  }
0x1aa: {  	[sflag:s18] =	ssyncset.done $0x0  }
0x1ab: {  	s11 =	simm.s32 $0x680;
	[sflag:s18] =	ssyncadd.s32 $0xFFFFD800  }
0x1ac: {  	[tilespmem:s14], [sflag:$0x2] =	stream.indirect.gather [spmem:s2], $0x80, s11, s29, $0xb8;
	[tilespmem:$0x16740] =	vst v63  }
0x1ad: {  	_ =	swait.ge [sflag:s10], $0x2800  }
0x1ae: {  	[sflag:s10] =	ssyncset.done $0x0  }
0x1af: {  	s13 =	rddreg [dreg:$0x1e];
	[sflag:s10] =	ssyncadd.s32 $0xFFFFD800  }
0x1b0: {  	[hbm4b:s13+s3] =	stream.linear.scatter [tilespmem:s6], [sflag:$0x3], $0x2800, $0x38;
	[tilespmem:$0x16740] =	vst v63  }
0x1b1: {  	_ =	swait.ge [sflag:s18], $0x2800  }
0x1b2: {  	[sflag:s18] =	ssyncset.done $0x0  }
0x1b3: {  	s15 =	simm.s32 $0x700;
	[sflag:s18] =	ssyncadd.s32 $0xFFFFD800  }
0x1b4: {  	[tilespmem:s16], [sflag:$0x2] =	stream.indirect.gather [spmem:s2], $0x80, s15, s29, $0xb8;
	[tilespmem:$0x16740] =	vst v63  }
0x1b5: {  	_ =	swait.ge [sflag:s10], $0x2800  }
0x1b6: {  	[sflag:s10] =	ssyncset.done $0x0  }
0x1b7: {  	s19 =	rddreg [dreg:$0x1f];
	[sflag:s10] =	ssyncadd.s32 $0xFFFFD800  }
0x1b8: {  	[hbm4b:s19+s3] =	stream.linear.scatter [tilespmem:s9], [sflag:$0x3], $0x2800, $0x38;
	[tilespmem:$0x16740] =	vst v63  }
0x1b9: {  	_ =	swait.ge [sflag:s18], $0x2800  }
0x1ba: {  	[sflag:s18] =	ssyncset.done $0x0  }
0x1bb: {  	s20 =	simm.s32 $0x780;
	[sflag:s18] =	ssyncadd.s32 $0xFFFFD800  }
0x1bc: {  	[tilespmem:s17], [sflag:$0x2] =	stream.indirect.gather [spmem:s2], $0x80, s20, s29, $0xb8;
	[tilespmem:$0x16740] =	vst v63  }
0x1bd: {  	_ =	swait.ge [sflag:s10], $0x2800  }
0x1be: {  	s21 =	sld [smem:$0x7F8]  }
0x1bf: {  	[sflag:s10] =	ssyncset.done $0x0  }
0x1c0: {  	[sflag:s10] =	ssyncadd.s32 $0xFFFFD800  }
0x1c1: {  	[hbm4b:s21+s3] =	stream.linear.scatter [tilespmem:s12], [sflag:$0x3], $0x2800, $0x38;
	[tilespmem:$0x16740] =	vst v63  }
0x1c2: {  	_ =	swait.ge [sflag:s18], $0x2800  }
0x1c3: {  	[sflag:s18] =	ssyncset.done $0x0  }
0x1c4: {  	[sflag:s18] =	ssyncadd.s32 $0xFFFFD800  }
0x1c5: {  	_ =	swait.ge [sflag:s26], $0x400  }
0x1c6: {  	[sflag:s26] =	ssyncset.done $0x0  }
0x1c7: {  	[sflag:s26] =	ssyncadd.s32 $0xFFFFFC00  }
0x1c8: {  	_ =	swait.ge [sflag:s10], $0x2800  }
0x1c9: {  	s22 =	sld [smem:$0x7F9]  }
0x1ca: {  	[sflag:s10] =	ssyncset.done $0x0  }
0x1cb: {  	[sflag:s10] =	ssyncadd.s32 $0xFFFFD800  }
0x1cc: {  	[hbm4b:s22+s3] =	stream.linear.scatter [tilespmem:s14], [sflag:$0x3], $0x2800, $0x38;
	[tilespmem:$0x16740] =	vst v63  }
0x1cd: {  	_ =	swait.ge [sflag:s18], $0x2800  }
0x1ce: {  	[sflag:s18] =	ssyncset.done $0x0  }
0x1cf: {  	[sflag:s18] =	ssyncadd.s32 $0xFFFFD800  }
0x1d0: {  	_ =	swait.ge [sflag:s10], $0x2800  }
0x1d1: {  	s23 =	sld [smem:$0x7FA]  }
0x1d2: {  	[sflag:s10] =	ssyncset.done $0x0  }
0x1d3: {  	[sflag:s10] =	ssyncadd.s32 $0xFFFFD800  }
0x1d4: {  	[hbm4b:s23+s3] =	stream.linear.scatter [tilespmem:s16], [sflag:$0x3], $0x2800, $0x38;
	[tilespmem:$0x16740] =	vst v63  }
0x1d5: {  	_ =	swait.ge [sflag:s18], $0x2800  }
0x1d6: {  	[sflag:s18] =	ssyncset.done $0x0  }
0x1d7: {  	[sflag:s18] =	ssyncadd.s32 $0xFFFFD800  }
0x1d8: {  	_ =	swait.ge [sflag:s10], $0x2800  }
0x1d9: {  	s24 =	sld [smem:$0x7FB]  }
0x1da: {  	[sflag:s10] =	ssyncset.done $0x0  }
0x1db: {  	[sflag:s10] =	ssyncadd.s32 $0xFFFFD800  }
0x1dc: {  	[hbm4b:s24+s3] =	stream.linear.scatter [tilespmem:s17], [sflag:$0x3], $0x2800, $0x38;
	[tilespmem:$0x16740] =	vst v63  }
0x1dd: {  	_ =	swait.ge [sflag:s18], $0x2800  }
0x1de: {  	[sflag:s18] =	ssyncset.done $0x0  }
0x1df: {  	[sflag:s18] =	ssyncadd.s32 $0xFFFFD800  }
0x1e0: {  	_ =	swait.ge [sflag:s18], $0x2800  }
0x1e1: {  	[sflag:s18] =	ssyncset.done $0x0  }
0x1e2: {  	[sflag:s18] =	ssyncadd.s32 $0xFFFFD800  }
0x1e3: {  	_ =	swait.ge [sflag:s18], $0x2800  }
0x1e4: {  	[sflag:s18] =	ssyncset.done $0x0  }
0x1e5: {  	[sflag:s18] =	ssyncadd.s32 $0xFFFFD800  }
0x1e6: {  	_ =	swait.ge [sflag:s18], $0x2800  }
0x1e7: {  	[sflag:s18] =	ssyncset.done $0x0  }
0x1e8: {  	[sflag:s18] =	ssyncadd.s32 $0xFFFFD800  }
0x1e9: {  	_ =	swait.ge [sflag:s18], $0x2800  }
0x1ea: {  	s25 =	sld [smem:$0x7F7]  }
0x1eb: {  	s31 =	sld [smem:$0x7FC];
	_ =	sdelay $0x1  }
0x1ec: {  	s8 =	sadd.s32 $0x1, s25  }
0x1ed: {  	p1 =	sne.s32 s8, s31  }
.Ltmp1:
0x1ee: {  	s4 =	simm.s32 $0x580;
	(pc) =	sbr.rel @p1 .LBB2_1-.Ltmp1, $4  }
0x1ef: {  	s7 =	simm.s32 $0x500;
	s13 =	simm.s32 $0x80;
	s15 =	simm.s32 $0x180  }
0x1f0: {  	s19 =	simm.s32 $0x200;
	s20 =	simm.s32 $0x280;
	s21 =	simm.s32 $0x300  }
0x1f1: {  	s22 =	simm.s32 $0x380;
	s23 =	simm.s32 $0x480;
	[sflag:s18] =	ssyncset.done $0x0  }
0x1f2: {  	s24 =	smov.u32 s5;
	[sflag:s18] =	ssyncadd.s32 $0xFFFFD800;
	s25 =	simm.s32 $0x100  }
0x1f3: {  	_ =	sfence.sel $0x180000  }
0x1f4: {  	[bflag:$0x0] =	sbarrier.arrive $0xFFFF  }
0x1f5: {  	_ =	strace $0x90000047  }
0x1f6: {  	[bflag:$0x2] =	sbarrier.arrive $0xFFFF  }
0x1f7: {  	s0 =	rddreg [dreg:$0x4]  }
0x1f8: {  	s0 =	sadd.s32 @!p0 $0x100000, s0  }
0x1f9: {  	[sflag:s0] =	ssyncadd.tile.s32 @!p0 $0x1;
	_ =	shalt  }
.Lfunc_end2:
_tile_overlayer_lowered:
.L_overlay_start_2:
0x1fa: {  	(tag) =	ssettag $0x2  }
0x1fb: {  	s0 =	rddreg [dreg:$0x0];
	s2 =	stileid.u32  }
0x1fc: {  	s1 =	rddreg [dreg:$0x1];
	p0 =	sne.s32 s2, $0x0  }
0x1fd: {  	s3 =	rddreg [dreg:$0x2];
	[bflag:$0x3] =	sbarrier.arrive $0xFFFF;
	s2 =	simm.s32 @!p0 $0x1C04  }
0x1fe: {  	[timem:s3], [sflag:s2] =	dma.local @!p0 [hbm:s0], s1  }
0x1ff: {  	s0 =	simm.s32 @!p0 $0x4  }
0x200: {  	_ =	swait.ge @!p0 [sflag:s0], s1  }
0x201: {  	s1 =	ssub.s32 @!p0 $0x0, s1;
	[sflag:s0] =	ssyncset.done @!p0 $0x0  }
0x202: {  	[sflag:s0] =	ssyncadd.s32 @!p0 s1  }
0x203: {  	[bflag:$0x3] =	sbarrier.arrive $0xFFFF  }
0x204: {  	_ =	shalt  }

</sc_bundles>
